<compile_context>
chip_gen: v7x
topology: tpu7x:2x2x1
jax: 0.10.2.dev20260603
libtpu: 0.0.44.dev20260713+nightly
codegen_flags: <defaults>
</compile_context>

<pallas_src>
import functools

import jax
import jax.numpy as jnp
from jax import lax
from jax.experimental import pallas as pl
from jax.experimental.pallas import tpu as pltpu
from jax.experimental.pallas import tpu_sc as plsc

B, C, H, T, K = 10, 128, 128, 1000, 9
N = B * T
E = 320000
_EPS = 1e-5
_PREC = jax.lax.Precision.HIGHEST

_NC, _NS, _L = 2, 16, 16
_NW = _NC * _NS
_CH = 80
_EPW = E // _NW
_NCHUNK = _EPW // _CH
_NROW = E // _CH
_GRP = _CH // _L



def _bn3_body(x_ref, g_ref, b_ref, o_ref):
    x = x_ref[...]
    mean = jnp.mean(x, axis=(0, 2), keepdims=True)
    var = jnp.mean((x - mean) ** 2, axis=(0, 2), keepdims=True)
    o_ref[...] = (x - mean) * jax.lax.rsqrt(var + _EPS) * g_ref[...][None, :, :] \
        + b_ref[...][None, :, :]


def _mm2_body(x_ref, wl_ref, wr_ref, bl_ref, br_ref, att_ref,
              xl_ref, xr_ref, ml_ref, mr_ref):
    i = pl.program_id(0)
    a = x_ref[...]
    xl = jnp.dot(a, wl_ref[...], preferred_element_type=jnp.float32,
                 precision=_PREC) + bl_ref[...]
    xr = jnp.dot(a, wr_ref[...], preferred_element_type=jnp.float32,
                 precision=_PREC) + br_ref[...]
    xl_ref[...] = xl
    xr_ref[...] = xr

    attv = att_ref[...]
    aab = jnp.abs(attv)
    p = jnp.sum(xl * attv, axis=1, keepdims=True)
    u = jnp.sum(jnp.abs(xl) * aab, axis=1, keepdims=True)
    q = jnp.sum(xr * attv, axis=1, keepdims=True)
    v = jnp.sum(jnp.abs(xr) * aab, axis=1, keepdims=True)
    mls = jnp.max(0.6 * p + 0.4 * u)
    mrs = jnp.max(0.6 * q + 0.4 * v)

    @pl.when(i == 0)
    def _():
        ml_ref[...] = jnp.full((1, H), -jnp.inf, jnp.float32)
        mr_ref[...] = jnp.full((1, H), -jnp.inf, jnp.float32)

    ml_ref[...] = jnp.maximum(ml_ref[...], mls)
    mr_ref[...] = jnp.maximum(mr_ref[...], mrs)


def _convT_body(x_ref, w_ref, b_ref, o_ref, *, relu):
    xb = x_ref[0]
    zp = jnp.concatenate([jnp.zeros((K // 2, C), jnp.float32), xb,
                          jnp.zeros((K // 2, C), jnp.float32)], axis=0)
    acc = b_ref[...] * jnp.ones((T, 1), jnp.float32)
    for k in range(K):
        acc = acc + jnp.dot(zp[k:k + T, :], w_ref[k],
                            preferred_element_type=jnp.float32,
                            precision=jax.lax.Precision.DEFAULT)
    if relu:
        acc = jnp.maximum(acc, 0.0)
    o_ref[0] = acc


def _bn2_body(g0_ref, g1_ref, d0_ref, d1_ref, bias_ref, gm_ref, bt_ref, o_ref):
    d = d0_ref[...] + d1_ref[...]
    gat = (g0_ref[...] + g1_ref[...]) / (d + 1e-16) + bias_ref[...]
    mean = jnp.mean(gat, axis=0, keepdims=True)
    var = jnp.mean((gat - mean) ** 2, axis=0, keepdims=True)
    o_ref[...] = jnp.maximum(
        (gat - mean) * jax.lax.rsqrt(var + _EPS) * gm_ref[...] + bt_ref[...], 0.0)


def _bn3b_body(cv_ref, res_ref, g_ref, b_ref, o_ref):
    cv = cv_ref[...]
    mean = jnp.mean(cv, axis=(0, 1), keepdims=True)
    var = jnp.mean((cv - mean) ** 2, axis=(0, 1), keepdims=True)
    h = jnp.maximum((cv - mean) * jax.lax.rsqrt(var + _EPS) * g_ref[...]
                    + b_ref[...], 0.0)
    o_ref[...] = res_ref[...] + h



def _sc_edge_body(xl_hbm, xr_hbm, sd_hbm, att_hbm, ml_hbm, mr_hbm,
                  zg_hbm, gout_hbm, dout_hbm,
                  idx4, bufL2, bufR2, exb2, exf2, att_v, mlv, mrv, dbuf,
                  gacc_sh, dacc_sh, semI, semL, semR, semS, semE):
    c = lax.axis_index("c")
    s = lax.axis_index("s")
    wid = c * _NS + s

    d_chunk = 624
    tail = N - (_NS - 1) * d_chunk

    for i in range(640 // _L):
        dbuf[pl.ds(i * _L, _L)] = jnp.zeros((_L,), jnp.float32)

    @pl.when(s < _NS - 1)
    def _():
        pltpu.sync_copy(zg_hbm.at[pl.ds(0, d_chunk)],
                        gacc_sh.at[pl.ds(s * d_chunk, d_chunk)])
        pltpu.sync_copy(dbuf.at[pl.ds(0, d_chunk)],
                        dacc_sh.at[pl.ds(s * d_chunk, d_chunk)])

    @pl.when(s == _NS - 1)
    def _():
        pltpu.sync_copy(zg_hbm, gacc_sh.at[pl.ds((_NS - 1) * d_chunk, tail)])
        pltpu.sync_copy(dbuf, dacc_sh.at[pl.ds((_NS - 1) * d_chunk, tail)])

    pltpu.sync_copy(att_hbm, att_v)
    pltpu.sync_copy(ml_hbm.at[pl.ds(0, _L)], mlv)
    pltpu.sync_copy(mr_hbm.at[pl.ds(0, _L)], mrv)
    m16 = mlv[...] + mrv[...]
    atts = [att_v[pl.ds(k * _L, _L)] for k in range(C // _L)]

    plsc.subcore_barrier()

    lane = jax.lax.iota(jnp.int32, _L)

    def idx_fetch(j):
        pltpu.async_copy(sd_hbm.at[wid, j], idx4.at[j & 3], semI.at[j & 3])

    def idx_wait(j):
        pltpu.make_async_copy(sd_hbm.at[wid, j], idx4.at[j & 3],
                              semI.at[j & 3]).wait()

    def gather_issue(j):
        p = j & 1
        pltpu.async_copy(xl_hbm.at[idx4.at[j & 3, 0]], bufL2.at[p], semL.at[p])
        pltpu.async_copy(xr_hbm.at[idx4.at[j & 3, 1]], bufR2.at[p], semR.at[p])

    def gather_wait(j):
        p = j & 1
        pltpu.make_async_copy(xl_hbm.at[idx4.at[j & 3, 0]], bufL2.at[p],
                              semL.at[p]).wait()
        pltpu.make_async_copy(xr_hbm.at[idx4.at[j & 3, 1]], bufR2.at[p],
                              semR.at[p]).wait()

    def scatter_issue(j):
        p = j & 1
        pltpu.async_copy(bufR2.at[p], gacc_sh.at[idx4.at[j & 3, 1]],
                         semS.at[p], add=True)
        pltpu.async_copy(exb2.at[p], dacc_sh.at[idx4.at[j & 3, 1]],
                         semE.at[p], add=True)

    def scatter_wait(j):
        p = j & 1
        pltpu.make_async_copy(bufR2.at[p], gacc_sh.at[idx4.at[j & 3, 1]],
                              semS.at[p]).wait()
        pltpu.make_async_copy(exb2.at[p], dacc_sh.at[idx4.at[j & 3, 1]],
                              semE.at[p]).wait()

    def compute(j):
        p = j & 1

        def ebody(e):
            ms = []
            for k in range(C // _L):
                a = bufL2[p, e, pl.ds(k * _L, _L)]
                b = bufR2[p, e, pl.ds(k * _L, _L)]
                m = a + b
                m = jnp.maximum(m, 0.2 * m)
                ms.append(m * atts[k])
            acc = ((ms[0] + ms[1]) + (ms[2] + ms[3])) \
                + ((ms[4] + ms[5]) + (ms[6] + ms[7]))
            cfwd = jnp.cumsum(acc)
            crev = lax.rev(jnp.cumsum(lax.rev(acc, (0,))), (0,))
            exv = jnp.exp((cfwd + crev) - acc - m16)
            exf2[p, pl.ds(e * _L, _L)] = exv

        plsc.parallel_loop(0, _CH, unroll=4)(ebody)

        pvec = jnp.full((_L,), p, jnp.int32)
        for g in range(_GRP):
            dg = plsc.load_gather(exf2, [pvec, lane * (_L + 1) + g * _L * _L])
            exb2[p, pl.ds(g * _L, _L)] = dg

        def sbody(e):
            exv = exf2[p, pl.ds(e * _L, _L)]
            for k in range(C // _L):
                bufR2[p, e, pl.ds(k * _L, _L)] = \
                    bufL2[p, e, pl.ds(k * _L, _L)] * exv

        plsc.parallel_loop(0, _CH, unroll=4)(sbody)

    idx_fetch(0)
    idx_wait(0)
    gather_issue(0)
    idx_fetch(1)

    def chunk_step(j, carry):
        gather_wait(j)

        @pl.when(j >= 1)
        def _():
            scatter_wait(j - 1)

        @pl.when(j + 1 < _NCHUNK)
        def _():
            idx_wait(j + 1)
            gather_issue(j + 1)

        compute(j)

        @pl.when(j + 2 < _NCHUNK)
        def _():
            idx_fetch(j + 2)

        scatter_issue(j)
        return carry

    lax.fori_loop(0, _NCHUNK, chunk_step, 0)
    scatter_wait(_NCHUNK - 1)

    plsc.subcore_barrier()

    @pl.when(s < _NS - 1)
    def _():
        pltpu.sync_copy(gacc_sh.at[pl.ds(s * d_chunk, d_chunk)],
                        gout_hbm.at[pl.ds(c * N + s * d_chunk, d_chunk)])
        pltpu.sync_copy(dacc_sh.at[pl.ds(s * d_chunk, d_chunk)],
                        dbuf.at[pl.ds(0, d_chunk)])
        pltpu.sync_copy(dbuf.at[pl.ds(0, d_chunk)],
                        dout_hbm.at[pl.ds(c * N + s * d_chunk, d_chunk)])

    @pl.when(s == _NS - 1)
    def _():
        pltpu.sync_copy(gacc_sh.at[pl.ds((_NS - 1) * d_chunk, tail)],
                        gout_hbm.at[pl.ds(c * N + (_NS - 1) * d_chunk, tail)])
        pltpu.sync_copy(dacc_sh.at[pl.ds((_NS - 1) * d_chunk, tail)], dbuf)
        pltpu.sync_copy(dbuf,
                        dout_hbm.at[pl.ds(c * N + (_NS - 1) * d_chunk, tail)])


def _sc_edge(xl, xr, sd, att, ml, mr, zg):
    mesh = plsc.VectorSubcoreMesh(core_axis_name="c", subcore_axis_name="s",
                                  num_cores=_NC, num_subcores=_NS)
    f32 = jnp.float32
    i32 = jnp.int32
    call = pl.kernel(
        _sc_edge_body,
        out_type=[jax.ShapeDtypeStruct((_NC * N, H), f32),
                  jax.ShapeDtypeStruct((_NC * N,), f32)],
        mesh=mesh,
        compiler_params=pltpu.CompilerParams(needs_layout_passes=False),
        scratch_types=[
            pltpu.VMEM((4, 2, _CH), i32),
            pltpu.VMEM((2, _CH, H), f32),
            pltpu.VMEM((2, _CH, H), f32),
            pltpu.VMEM((2, _CH), f32),
            pltpu.VMEM((2, _CH * _L), f32),
            pltpu.VMEM((C,), f32),
            pltpu.VMEM((_L,), f32),
            pltpu.VMEM((_L,), f32),
            pltpu.VMEM((640,), f32),
            pltpu.VMEM_SHARED((N, H), f32),
            pltpu.VMEM_SHARED((N,), f32),
            pltpu.SemaphoreType.DMA((4,)),
            pltpu.SemaphoreType.DMA((2,)),
            pltpu.SemaphoreType.DMA((2,)),
            pltpu.SemaphoreType.DMA((2,)),
            pltpu.SemaphoreType.DMA((2,)),
        ],
    )
    return call(xl, xr, sd, att, ml, mr, zg)



def kernel(x, edge_index, train, W_l, b_l, W_r, b_r, att, bias_gat,
           gamma0, beta0, gamma1, beta1, Wt, bt, Ws, bs):
    f32 = jnp.float32

    xn = pl.pallas_call(
        _bn3_body,
        out_shape=jax.ShapeDtypeStruct((B, C, T), f32),
    )(x, gamma0.reshape(C, 1), beta0.reshape(C, 1))

    x2 = xn.reshape(N, C)
    xnT = jnp.swapaxes(xn, 1, 2)

    xl, xr, ml, mr = pl.pallas_call(
        _mm2_body,
        grid=(B,),
        in_specs=[
            pl.BlockSpec((T, C), lambda i: (i, 0)),
            pl.BlockSpec((C, H), lambda i: (0, 0)),
            pl.BlockSpec((C, H), lambda i: (0, 0)),
            pl.BlockSpec((1, H), lambda i: (0, 0)),
            pl.BlockSpec((1, H), lambda i: (0, 0)),
            pl.BlockSpec((1, H), lambda i: (0, 0)),
        ],
        out_specs=[
            pl.BlockSpec((T, H), lambda i: (i, 0)),
            pl.BlockSpec((T, H), lambda i: (i, 0)),
            pl.BlockSpec((1, H), lambda i: (0, 0)),
            pl.BlockSpec((1, H), lambda i: (0, 0)),
        ],
        out_shape=[
            jax.ShapeDtypeStruct((N, H), f32),
            jax.ShapeDtypeStruct((N, H), f32),
            jax.ShapeDtypeStruct((1, H), f32),
            jax.ShapeDtypeStruct((1, H), f32),
        ],
    )(x2, W_l.T, W_r.T, b_l.reshape(1, H), b_r.reshape(1, H),
      att.reshape(1, H))

    conv_call = lambda body, inp, w, b: pl.pallas_call(
        body,
        grid=(B,),
        in_specs=[
            pl.BlockSpec((1, T, C), lambda i: (i, 0, 0)),
            pl.BlockSpec((K, C, H), lambda i: (0, 0, 0)),
            pl.BlockSpec((1, H), lambda i: (0, 0)),
        ],
        out_specs=pl.BlockSpec((1, T, H), lambda i: (i, 0, 0)),
        out_shape=jax.ShapeDtypeStruct((B, T, H), f32),
    )(inp, w, b)

    residT = conv_call(functools.partial(_convT_body, relu=True),
                       xnT, jnp.transpose(Ws, (2, 1, 0)), bs.reshape(1, H))

    src2 = edge_index[0].reshape(_NW, _NCHUNK, _CH)
    dst2 = edge_index[1].reshape(_NW, _NCHUNK, _CH)
    sd = jnp.stack([src2, dst2], axis=2)
    zg = jnp.zeros((640, H), f32)
    gout, dout = _sc_edge(xl, xr, sd, att,
                          ml.reshape(H), mr.reshape(H), zg)

    h2 = pl.pallas_call(
        _bn2_body,
        out_shape=jax.ShapeDtypeStruct((N, H), f32),
    )(gout[:N], gout[N:], dout[:N, None], dout[N:, None],
      bias_gat.reshape(1, H), gamma1.reshape(1, H), beta1.reshape(1, H))

    h3T = jnp.swapaxes(h2.reshape(B, H, T), 1, 2)

    convT = conv_call(functools.partial(_convT_body, relu=False),
                      h3T, jnp.transpose(Wt, (2, 1, 0)), bt.reshape(1, H))

    outT = pl.pallas_call(
        _bn3b_body,
        out_shape=jax.ShapeDtypeStruct((B, T, H), f32),
    )(convT, residT, gamma1.reshape(1, 1, H), beta1.reshape(1, 1, H))

    return jnp.swapaxes(outT, 1, 2)

# --- scband reference (transcript-rebuilt; emitter-appended) ---
"""Pipeline reference for scband-stgcnblock-7447473291365 (READ-ONLY COPY).

The authoritative reference and input builder live on the scoring server;
editing this copy changes nothing except your own understanding.
"""

import jax, jax.numpy as jnp
import numpy as np

B = 10
C = 128
H = 128
T = 1000
N = B * T
E = 320000
K = 9


def _relu(x):
    return jnp.maximum(x, 0.0)


def _bn2(x, gamma, beta, eps=1e-5):
    # BatchNorm1d on 2D [N, C], training-mode batch statistics (biased var)
    mean = jnp.mean(x, axis=0)
    var = jnp.var(x, axis=0)
    return (x - mean) / jnp.sqrt(var + eps) * gamma + beta


def _bn3(x, gamma, beta, eps=1e-5):
    # BatchNorm1d on 3D [B, C, T], normalize over (0, 2)
    mean = jnp.mean(x, axis=(0, 2), keepdims=True)
    var = jnp.var(x, axis=(0, 2), keepdims=True)
    return (x - mean) / jnp.sqrt(var + eps) * gamma[None, :, None] + beta[None, :, None]


def _conv1d_same(x, w, b):
    # x: [B, Cin, T], w: [Cout, Cin, K]
    y = jax.lax.conv_general_dilated(x, w, window_strides=(1,), padding='SAME',
                                     dimension_numbers=('NCH', 'OIH', 'NCH'))
    return y + b[None, :, None]


def setup_inputs(seed: int = 0):
    key = jax.random.key(seed)
    ks = jax.random.split(key, 12)
    s = 0.05
    inp = {}
    inp['x'] = jax.random.normal(ks[0], (B, C, T), dtype=jnp.float32)
    inp['edge_index'] = jax.random.randint(ks[1], (2, E), 0, N, dtype=jnp.int32)
    inp['train'] = 1
    inp['W_l'] = jax.random.normal(ks[2], (H, C), dtype=jnp.float32) * s
    inp['b_l'] = jnp.zeros((H,), dtype=jnp.float32)
    inp['W_r'] = jax.random.normal(ks[3], (H, C), dtype=jnp.float32) * s
    inp['b_r'] = jnp.zeros((H,), dtype=jnp.float32)
    inp['att'] = jax.random.normal(ks[4], (H,), dtype=jnp.float32) * s
    inp['bias_gat'] = jnp.zeros((H,), dtype=jnp.float32)
    inp['gamma0'] = jnp.ones((C,), dtype=jnp.float32)
    inp['beta0'] = jnp.zeros((C,), dtype=jnp.float32)
    inp['gamma1'] = jnp.ones((H,), dtype=jnp.float32)
    inp['beta1'] = jnp.zeros((H,), dtype=jnp.float32)
    inp['Wt'] = jax.random.normal(ks[5], (H, H, K), dtype=jnp.float32) * s
    inp['bt'] = jnp.zeros((H,), dtype=jnp.float32)
    inp['Ws'] = jax.random.normal(ks[6], (H, C, K), dtype=jnp.float32) * s
    inp['bs'] = jnp.zeros((H,), dtype=jnp.float32)
    return inp


def reference(x, edge_index, train, W_l, b_l, W_r, b_r, att, bias_gat,
              gamma0, beta0, gamma1, beta1, Wt, bt, Ws, bs):
    # batch_size > 1 -> apply b0
    x = _bn3(x, gamma0, beta0)
    residual = _relu(_conv1d_same(x, Ws, bs))  # [B, H, T]
    # x.view(T*B, C) on contiguous [B, C, T] tensor == row-major reshape
    x2 = x.reshape(T * B, C)
    # GATv2Conv, heads=1, share_weights=False
    xl = x2 @ W_l.T + b_l  # source transform
    xr = x2 @ W_r.T + b_r  # target transform
    src = edge_index[0]
    dst = edge_index[1]
    m = xl[src] + xr[dst]
    m = jnp.where(m > 0, m, 0.2 * m)  # leaky_relu 0.2
    logits = jnp.sum(m * att, axis=-1)
    seg_max = jax.ops.segment_max(logits, dst, num_segments=N)
    seg_max = jnp.where(jnp.isfinite(seg_max), seg_max, 0.0)
    ex = jnp.exp(logits - seg_max[dst])
    denom = jax.ops.segment_sum(ex, dst, num_segments=N)
    alpha = ex / (denom[dst] + 1e-16)
    gat = jax.ops.segment_sum(alpha[:, None] * xl[src], dst, num_segments=N) + bias_gat
    h = _relu(_bn2(gat, gamma1, beta1))  # [T*B, H]
    h = h.reshape(B, H, T)
    h = jnp.transpose(h, (1, 0, 2))
    h = jnp.swapaxes(h, 0, 1)  # back to [B, H, T]
    h = _relu(_bn3(_conv1d_same(h, Wt, bt), gamma1, beta1))
    h = jnp.transpose(h, (1, 0, 2))
    h = jnp.swapaxes(h, 0, 1)
    out = residual + h
    # dropout in eval mode -> identity (deterministic reference)
    return out

if __name__ == "__main__":
    import jax
    _d = setup_inputs()
    print(jax.jit(kernel)(*tuple(_d.values())))

</pallas_src>

<mosaic_0001>
#map = affine_map<(d0, d1) -> (0, 0)>
#map1 = affine_map<(d0, d1) -> (0, 0, 0, 0)>
#map2 = affine_map<(d0, d1) -> (0)>
module attributes {stable_mosaic.version = 14 : i64} {
  func.func @_sc_edge_body(%arg0: i32, %arg1: i32, %arg2: memref<10000x128xf32, #tpu.memory_space<hbm>>, %arg3: memref<10000x128xf32, #tpu.memory_space<hbm>>, %arg4: memref<32x125x2x80xi32, #tpu.memory_space<hbm>>, %arg5: memref<128xf32, #tpu.memory_space<hbm>>, %arg6: memref<128xf32, #tpu.memory_space<hbm>>, %arg7: memref<128xf32, #tpu.memory_space<hbm>>, %arg8: memref<640x128xf32, #tpu.memory_space<hbm>>, %arg9: memref<20000x128xf32, #tpu.memory_space<hbm>>, %arg10: memref<20000xf32, #tpu.memory_space<hbm>>, %arg11: memref<4x2x80xi32, #tpu.memory_space<vmem>>, %arg12: memref<2x80x128xf32, #tpu.memory_space<vmem>>, %arg13: memref<2x80x128xf32, #tpu.memory_space<vmem>>, %arg14: memref<2x80xf32, #tpu.memory_space<vmem>>, %arg15: memref<2x1280xf32, #tpu.memory_space<vmem>>, %arg16: memref<128xf32, #tpu.memory_space<vmem>>, %arg17: memref<16xf32, #tpu.memory_space<vmem>>, %arg18: memref<16xf32, #tpu.memory_space<vmem>>, %arg19: memref<640xf32, #tpu.memory_space<vmem>>, %arg20: memref<10000x128xf32, #tpu.memory_space<vmem_shared>>, %arg21: memref<10000xf32, #tpu.memory_space<vmem_shared>>, %arg22: memref<4x!tpu.dma_semaphore, #tpu.memory_space<semaphore_mem>>, %arg23: memref<2x!tpu.dma_semaphore, #tpu.memory_space<semaphore_mem>>, %arg24: memref<2x!tpu.dma_semaphore, #tpu.memory_space<semaphore_mem>>, %arg25: memref<2x!tpu.dma_semaphore, #tpu.memory_space<semaphore_mem>>, %arg26: memref<2x!tpu.dma_semaphore, #tpu.memory_space<semaphore_mem>>) attributes {dimension_semantics = [#tpu.dimension_semantics<core_parallel>, #tpu.dimension_semantics<subcore_parallel>], iteration_bounds = array<i64: 2, 16>, scalar_prefetch = 0 : i64, scratch_operands = 16 : i64, tpu.core_type = #tpu.core_type<sc_vector_subcore>, window_params = [{transform_indices = #map}, {transform_indices = #map}, {transform_indices = #map1}, {transform_indices = #map2}, {transform_indices = #map2}, {transform_indices = #map2}, {transform_indices = #map}, {transform_indices = #map}, {transform_indices = #map2}]} {
    %mul3A = arith.constant 16 : i32
    %mul3A_0 = arith.muli %arg0, %mul3A : i32
    %add3A = arith.addi %mul3A_0, %arg1 : i32
    %broadcast_in_dim3A = arith.constant 0.000000e+00 : f32
    %broadcast_in_dim3A_1 = vector.broadcast %broadcast_in_dim3A : f32 to vector<16xf32>
    %swap3A = arith.constant 0 : index
    %swap3A_2 = tpu.vector_load %arg19[%swap3A] {strides = array<i32>} : memref<640xf32, #tpu.memory_space<vmem>>, vector<16xf32>,
    tpu.vector_store %arg19[%swap3A], %broadcast_in_dim3A_1 {strides = array<i32>} : memref<640xf32, #tpu.memory_space<vmem>>, vector<16xf32>,
    %broadcast_in_dim3A_3 = arith.constant 0.000000e+00 : f32
    %broadcast_in_dim3A_4 = vector.broadcast %broadcast_in_dim3A_3 : f32 to vector<16xf32>
    %swap3A_5 = arith.constant 16 : index
    %swap3A_6 = tpu.vector_load %arg19[%swap3A_5] {strides = array<i32>} : memref<640xf32, #tpu.memory_space<vmem>>, vector<16xf32>,
    tpu.vector_store %arg19[%swap3A_5], %broadcast_in_dim3A_4 {strides = array<i32>} : memref<640xf32, #tpu.memory_space<vmem>>, vector<16xf32>,
    %broadcast_in_dim3A_7 = arith.constant 0.000000e+00 : f32
    %broadcast_in_dim3A_8 = vector.broadcast %broadcast_in_dim3A_7 : f32 to vector<16xf32>
    %swap3A_9 = arith.constant 32 : index
    %swap3A_10 = tpu.vector_load %arg19[%swap3A_9] {strides = array<i32>} : memref<640xf32, #tpu.memory_space<vmem>>, vector<16xf32>,
    tpu.vector_store %arg19[%swap3A_9], %broadcast_in_dim3A_8 {strides = array<i32>} : memref<640xf32, #tpu.memory_space<vmem>>, vector<16xf32>,
    %broadcast_in_dim3A_11 = arith.constant 0.000000e+00 : f32
    %broadcast_in_dim3A_12 = vector.broadcast %broadcast_in_dim3A_11 : f32 to vector<16xf32>
    %swap3A_13 = arith.constant 48 : index
    %swap3A_14 = tpu.vector_load %arg19[%swap3A_13] {strides = array<i32>} : memref<640xf32, #tpu.memory_space<vmem>>, vector<16xf32>,
    tpu.vector_store %arg19[%swap3A_13], %broadcast_in_dim3A_12 {strides = array<i32>} : memref<640xf32, #tpu.memory_space<vmem>>, vector<16xf32>,
    %broadcast_in_dim3A_15 = arith.constant 0.000000e+00 : f32
    %broadcast_in_dim3A_16 = vector.broadcast %broadcast_in_dim3A_15 : f32 to vector<16xf32>
    %swap3A_17 = arith.constant 64 : index
    %swap3A_18 = tpu.vector_load %arg19[%swap3A_17] {strides = array<i32>} : memref<640xf32, #tpu.memory_space<vmem>>, vector<16xf32>,
    tpu.vector_store %arg19[%swap3A_17], %broadcast_in_dim3A_16 {strides = array<i32>} : memref<640xf32, #tpu.memory_space<vmem>>, vector<16xf32>,
    %broadcast_in_dim3A_19 = arith.constant 0.000000e+00 : f32
    %broadcast_in_dim3A_20 = vector.broadcast %broadcast_in_dim3A_19 : f32 to vector<16xf32>
    %swap3A_21 = arith.constant 80 : index
    %swap3A_22 = tpu.vector_load %arg19[%swap3A_21] {strides = array<i32>} : memref<640xf32, #tpu.memory_space<vmem>>, vector<16xf32>,
    tpu.vector_store %arg19[%swap3A_21], %broadcast_in_dim3A_20 {strides = array<i32>} : memref<640xf32, #tpu.memory_space<vmem>>, vector<16xf32>,
    %broadcast_in_dim3A_23 = arith.constant 0.000000e+00 : f32
    %broadcast_in_dim3A_24 = vector.broadcast %broadcast_in_dim3A_23 : f32 to vector<16xf32>
    %swap3A_25 = arith.constant 96 : index
    %swap3A_26 = tpu.vector_load %arg19[%swap3A_25] {strides = array<i32>} : memref<640xf32, #tpu.memory_space<vmem>>, vector<16xf32>,
    tpu.vector_store %arg19[%swap3A_25], %broadcast_in_dim3A_24 {strides = array<i32>} : memref<640xf32, #tpu.memory_space<vmem>>, vector<16xf32>,
    %broadcast_in_dim3A_27 = arith.constant 0.000000e+00 : f32
    %broadcast_in_dim3A_28 = vector.broadcast %broadcast_in_dim3A_27 : f32 to vector<16xf32>
    %swap3A_29 = arith.constant 112 : index
    %swap3A_30 = tpu.vector_load %arg19[%swap3A_29] {strides = array<i32>} : memref<640xf32, #tpu.memory_space<vmem>>, vector<16xf32>,
    tpu.vector_store %arg19[%swap3A_29], %broadcast_in_dim3A_28 {strides = array<i32>} : memref<640xf32, #tpu.memory_space<vmem>>, vector<16xf32>,
    %broadcast_in_dim3A_31 = arith.constant 0.000000e+00 : f32
    %broadcast_in_dim3A_32 = vector.broadcast %broadcast_in_dim3A_31 : f32 to vector<16xf32>
    %swap3A_33 = arith.constant 128 : index
    %swap3A_34 = tpu.vector_load %arg19[%swap3A_33] {strides = array<i32>} : memref<640xf32, #tpu.memory_space<vmem>>, vector<16xf32>,
    tpu.vector_store %arg19[%swap3A_33], %broadcast_in_dim3A_32 {strides = array<i32>} : memref<640xf32, #tpu.memory_space<vmem>>, vector<16xf32>,
    %broadcast_in_dim3A_35 = arith.constant 0.000000e+00 : f32
    %broadcast_in_dim3A_36 = vector.broadcast %broadcast_in_dim3A_35 : f32 to vector<16xf32>
    %swap3A_37 = arith.constant 144 : index
    %swap3A_38 = tpu.vector_load %arg19[%swap3A_37] {strides = array<i32>} : memref<640xf32, #tpu.memory_space<vmem>>, vector<16xf32>,
    tpu.vector_store %arg19[%swap3A_37], %broadcast_in_dim3A_36 {strides = array<i32>} : memref<640xf32, #tpu.memory_space<vmem>>, vector<16xf32>,
    %broadcast_in_dim3A_39 = arith.constant 0.000000e+00 : f32
    %broadcast_in_dim3A_40 = vector.broadcast %broadcast_in_dim3A_39 : f32 to vector<16xf32>
    %swap3A_41 = arith.constant 160 : index
    %swap3A_42 = tpu.vector_load %arg19[%swap3A_41] {strides = array<i32>} : memref<640xf32, #tpu.memory_space<vmem>>, vector<16xf32>,
    tpu.vector_store %arg19[%swap3A_41], %broadcast_in_dim3A_40 {strides = array<i32>} : memref<640xf32, #tpu.memory_space<vmem>>, vector<16xf32>,
    %broadcast_in_dim3A_43 = arith.constant 0.000000e+00 : f32
    %broadcast_in_dim3A_44 = vector.broadcast %broadcast_in_dim3A_43 : f32 to vector<16xf32>
    %swap3A_45 = arith.constant 176 : index
    %swap3A_46 = tpu.vector_load %arg19[%swap3A_45] {strides = array<i32>} : memref<640xf32, #tpu.memory_space<vmem>>, vector<16xf32>,
    tpu.vector_store %arg19[%swap3A_45], %broadcast_in_dim3A_44 {strides = array<i32>} : memref<640xf32, #tpu.memory_space<vmem>>, vector<16xf32>,
    %broadcast_in_dim3A_47 = arith.constant 0.000000e+00 : f32
    %broadcast_in_dim3A_48 = vector.broadcast %broadcast_in_dim3A_47 : f32 to vector<16xf32>
    %swap3A_49 = arith.constant 192 : index
    %swap3A_50 = tpu.vector_load %arg19[%swap3A_49] {strides = array<i32>} : memref<640xf32, #tpu.memory_space<vmem>>, vector<16xf32>,
    tpu.vector_store %arg19[%swap3A_49], %broadcast_in_dim3A_48 {strides = array<i32>} : memref<640xf32, #tpu.memory_space<vmem>>, vector<16xf32>,
    %broadcast_in_dim3A_51 = arith.constant 0.000000e+00 : f32
    %broadcast_in_dim3A_52 = vector.broadcast %broadcast_in_dim3A_51 : f32 to vector<16xf32>
    %swap3A_53 = arith.constant 208 : index
    %swap3A_54 = tpu.vector_load %arg19[%swap3A_53] {strides = array<i32>} : memref<640xf32, #tpu.memory_space<vmem>>, vector<16xf32>,
    tpu.vector_store %arg19[%swap3A_53], %broadcast_in_dim3A_52 {strides = array<i32>} : memref<640xf32, #tpu.memory_space<vmem>>, vector<16xf32>,
    %broadcast_in_dim3A_55 = arith.constant 0.000000e+00 : f32
    %broadcast_in_dim3A_56 = vector.broadcast %broadcast_in_dim3A_55 : f32 to vector<16xf32>
    %swap3A_57 = arith.constant 224 : index
    %swap3A_58 = tpu.vector_load %arg19[%swap3A_57] {strides = array<i32>} : memref<640xf32, #tpu.memory_space<vmem>>, vector<16xf32>,
    tpu.vector_store %arg19[%swap3A_57], %broadcast_in_dim3A_56 {strides = array<i32>} : memref<640xf32, #tpu.memory_space<vmem>>, vector<16xf32>,
    %broadcast_in_dim3A_59 = arith.constant 0.000000e+00 : f32
    %broadcast_in_dim3A_60 = vector.broadcast %broadcast_in_dim3A_59 : f32 to vector<16xf32>
    %swap3A_61 = arith.constant 240 : index
    %swap3A_62 = tpu.vector_load %arg19[%swap3A_61] {strides = array<i32>} : memref<640xf32, #tpu.memory_space<vmem>>, vector<16xf32>,
    tpu.vector_store %arg19[%swap3A_61], %broadcast_in_dim3A_60 {strides = array<i32>} : memref<640xf32, #tpu.memory_space<vmem>>, vector<16xf32>,
    %broadcast_in_dim3A_63 = arith.constant 0.000000e+00 : f32
    %broadcast_in_dim3A_64 = vector.broadcast %broadcast_in_dim3A_63 : f32 to vector<16xf32>
    %swap3A_65 = arith.constant 256 : index
    %swap3A_66 = tpu.vector_load %arg19[%swap3A_65] {strides = array<i32>} : memref<640xf32, #tpu.memory_space<vmem>>, vector<16xf32>,
    tpu.vector_store %arg19[%swap3A_65], %broadcast_in_dim3A_64 {strides = array<i32>} : memref<640xf32, #tpu.memory_space<vmem>>, vector<16xf32>,
    %broadcast_in_dim3A_67 = arith.constant 0.000000e+00 : f32
    %broadcast_in_dim3A_68 = vector.broadcast %broadcast_in_dim3A_67 : f32 to vector<16xf32>
    %swap3A_69 = arith.constant 272 : index
    %swap3A_70 = tpu.vector_load %arg19[%swap3A_69] {strides = array<i32>} : memref<640xf32, #tpu.memory_space<vmem>>, vector<16xf32>,
    tpu.vector_store %arg19[%swap3A_69], %broadcast_in_dim3A_68 {strides = array<i32>} : memref<640xf32, #tpu.memory_space<vmem>>, vector<16xf32>,
    %broadcast_in_dim3A_71 = arith.constant 0.000000e+00 : f32
    %broadcast_in_dim3A_72 = vector.broadcast %broadcast_in_dim3A_71 : f32 to vector<16xf32>
    %swap3A_73 = arith.constant 288 : index
    %swap3A_74 = tpu.vector_load %arg19[%swap3A_73] {strides = array<i32>} : memref<640xf32, #tpu.memory_space<vmem>>, vector<16xf32>,
    tpu.vector_store %arg19[%swap3A_73], %broadcast_in_dim3A_72 {strides = array<i32>} : memref<640xf32, #tpu.memory_space<vmem>>, vector<16xf32>,
    %broadcast_in_dim3A_75 = arith.constant 0.000000e+00 : f32
    %broadcast_in_dim3A_76 = vector.broadcast %broadcast_in_dim3A_75 : f32 to vector<16xf32>
    %swap3A_77 = arith.constant 304 : index
    %swap3A_78 = tpu.vector_load %arg19[%swap3A_77] {strides = array<i32>} : memref<640xf32, #tpu.memory_space<vmem>>, vector<16xf32>,
    tpu.vector_store %arg19[%swap3A_77], %broadcast_in_dim3A_76 {strides = array<i32>} : memref<640xf32, #tpu.memory_space<vmem>>, vector<16xf32>,
    %broadcast_in_dim3A_79 = arith.constant 0.000000e+00 : f32
    %broadcast_in_dim3A_80 = vector.broadcast %broadcast_in_dim3A_79 : f32 to vector<16xf32>
    %swap3A_81 = arith.constant 320 : index
    %swap3A_82 = tpu.vector_load %arg19[%swap3A_81] {strides = array<i32>} : memref<640xf32, #tpu.memory_space<vmem>>, vector<16xf32>,
    tpu.vector_store %arg19[%swap3A_81], %broadcast_in_dim3A_80 {strides = array<i32>} : memref<640xf32, #tpu.memory_space<vmem>>, vector<16xf32>,
    %broadcast_in_dim3A_83 = arith.constant 0.000000e+00 : f32
    %broadcast_in_dim3A_84 = vector.broadcast %broadcast_in_dim3A_83 : f32 to vector<16xf32>
    %swap3A_85 = arith.constant 336 : index
    %swap3A_86 = tpu.vector_load %arg19[%swap3A_85] {strides = array<i32>} : memref<640xf32, #tpu.memory_space<vmem>>, vector<16xf32>,
    tpu.vector_store %arg19[%swap3A_85], %broadcast_in_dim3A_84 {strides = array<i32>} : memref<640xf32, #tpu.memory_space<vmem>>, vector<16xf32>,
    %broadcast_in_dim3A_87 = arith.constant 0.000000e+00 : f32
    %broadcast_in_dim3A_88 = vector.broadcast %broadcast_in_dim3A_87 : f32 to vector<16xf32>
    %swap3A_89 = arith.constant 352 : index
    %swap3A_90 = tpu.vector_load %arg19[%swap3A_89] {strides = array<i32>} : memref<640xf32, #tpu.memory_space<vmem>>, vector<16xf32>,
    tpu.vector_store %arg19[%swap3A_89], %broadcast_in_dim3A_88 {strides = array<i32>} : memref<640xf32, #tpu.memory_space<vmem>>, vector<16xf32>,
    %broadcast_in_dim3A_91 = arith.constant 0.000000e+00 : f32
    %broadcast_in_dim3A_92 = vector.broadcast %broadcast_in_dim3A_91 : f32 to vector<16xf32>
    %swap3A_93 = arith.constant 368 : index
    %swap3A_94 = tpu.vector_load %arg19[%swap3A_93] {strides = array<i32>} : memref<640xf32, #tpu.memory_space<vmem>>, vector<16xf32>,
    tpu.vector_store %arg19[%swap3A_93], %broadcast_in_dim3A_92 {strides = array<i32>} : memref<640xf32, #tpu.memory_space<vmem>>, vector<16xf32>,
    %broadcast_in_dim3A_95 = arith.constant 0.000000e+00 : f32
    %broadcast_in_dim3A_96 = vector.broadcast %broadcast_in_dim3A_95 : f32 to vector<16xf32>
    %swap3A_97 = arith.constant 384 : index
    %swap3A_98 = tpu.vector_load %arg19[%swap3A_97] {strides = array<i32>} : memref<640xf32, #tpu.memory_space<vmem>>, vector<16xf32>,
    tpu.vector_store %arg19[%swap3A_97], %broadcast_in_dim3A_96 {strides = array<i32>} : memref<640xf32, #tpu.memory_space<vmem>>, vector<16xf32>,
    %broadcast_in_dim3A_99 = arith.constant 0.000000e+00 : f32
    %broadcast_in_dim3A_100 = vector.broadcast %broadcast_in_dim3A_99 : f32 to vector<16xf32>
    %swap3A_101 = arith.constant 400 : index
    %swap3A_102 = tpu.vector_load %arg19[%swap3A_101] {strides = array<i32>} : memref<640xf32, #tpu.memory_space<vmem>>, vector<16xf32>,
    tpu.vector_store %arg19[%swap3A_101], %broadcast_in_dim3A_100 {strides = array<i32>} : memref<640xf32, #tpu.memory_space<vmem>>, vector<16xf32>,
    %broadcast_in_dim3A_103 = arith.constant 0.000000e+00 : f32
    %broadcast_in_dim3A_104 = vector.broadcast %broadcast_in_dim3A_103 : f32 to vector<16xf32>
    %swap3A_105 = arith.constant 416 : index
    %swap3A_106 = tpu.vector_load %arg19[%swap3A_105] {strides = array<i32>} : memref<640xf32, #tpu.memory_space<vmem>>, vector<16xf32>,
    tpu.vector_store %arg19[%swap3A_105], %broadcast_in_dim3A_104 {strides = array<i32>} : memref<640xf32, #tpu.memory_space<vmem>>, vector<16xf32>,
    %broadcast_in_dim3A_107 = arith.constant 0.000000e+00 : f32
    %broadcast_in_dim3A_108 = vector.broadcast %broadcast_in_dim3A_107 : f32 to vector<16xf32>
    %swap3A_109 = arith.constant 432 : index
    %swap3A_110 = tpu.vector_load %arg19[%swap3A_109] {strides = array<i32>} : memref<640xf32, #tpu.memory_space<vmem>>, vector<16xf32>,
    tpu.vector_store %arg19[%swap3A_109], %broadcast_in_dim3A_108 {strides = array<i32>} : memref<640xf32, #tpu.memory_space<vmem>>, vector<16xf32>,
    %broadcast_in_dim3A_111 = arith.constant 0.000000e+00 : f32
    %broadcast_in_dim3A_112 = vector.broadcast %broadcast_in_dim3A_111 : f32 to vector<16xf32>
    %swap3A_113 = arith.constant 448 : index
    %swap3A_114 = tpu.vector_load %arg19[%swap3A_113] {strides = array<i32>} : memref<640xf32, #tpu.memory_space<vmem>>, vector<16xf32>,
    tpu.vector_store %arg19[%swap3A_113], %broadcast_in_dim3A_112 {strides = array<i32>} : memref<640xf32, #tpu.memory_space<vmem>>, vector<16xf32>,
    %broadcast_in_dim3A_115 = arith.constant 0.000000e+00 : f32
    %broadcast_in_dim3A_116 = vector.broadcast %broadcast_in_dim3A_115 : f32 to vector<16xf32>
    %swap3A_117 = arith.constant 464 : index
    %swap3A_118 = tpu.vector_load %arg19[%swap3A_117] {strides = array<i32>} : memref<640xf32, #tpu.memory_space<vmem>>, vector<16xf32>,
    tpu.vector_store %arg19[%swap3A_117], %broadcast_in_dim3A_116 {strides = array<i32>} : memref<640xf32, #tpu.memory_space<vmem>>, vector<16xf32>,
    %broadcast_in_dim3A_119 = arith.constant 0.000000e+00 : f32
    %broadcast_in_dim3A_120 = vector.broadcast %broadcast_in_dim3A_119 : f32 to vector<16xf32>
    %swap3A_121 = arith.constant 480 : index
    %swap3A_122 = tpu.vector_load %arg19[%swap3A_121] {strides = array<i32>} : memref<640xf32, #tpu.memory_space<vmem>>, vector<16xf32>,
    tpu.vector_store %arg19[%swap3A_121], %broadcast_in_dim3A_120 {strides = array<i32>} : memref<640xf32, #tpu.memory_space<vmem>>, vector<16xf32>,
    %broadcast_in_dim3A_123 = arith.constant 0.000000e+00 : f32
    %broadcast_in_dim3A_124 = vector.broadcast %broadcast_in_dim3A_123 : f32 to vector<16xf32>
    %swap3A_125 = arith.constant 496 : index
    %swap3A_126 = tpu.vector_load %arg19[%swap3A_125] {strides = array<i32>} : memref<640xf32, #tpu.memory_space<vmem>>, vector<16xf32>,
    tpu.vector_store %arg19[%swap3A_125], %broadcast_in_dim3A_124 {strides = array<i32>} : memref<640xf32, #tpu.memory_space<vmem>>, vector<16xf32>,
    %broadcast_in_dim3A_127 = arith.constant 0.000000e+00 : f32
    %broadcast_in_dim3A_128 = vector.broadcast %broadcast_in_dim3A_127 : f32 to vector<16xf32>
    %swap3A_129 = arith.constant 512 : index
    %swap3A_130 = tpu.vector_load %arg19[%swap3A_129] {strides = array<i32>} : memref<640xf32, #tpu.memory_space<vmem>>, vector<16xf32>,
    tpu.vector_store %arg19[%swap3A_129], %broadcast_in_dim3A_128 {strides = array<i32>} : memref<640xf32, #tpu.memory_space<vmem>>, vector<16xf32>,
    %broadcast_in_dim3A_131 = arith.constant 0.000000e+00 : f32
    %broadcast_in_dim3A_132 = vector.broadcast %broadcast_in_dim3A_131 : f32 to vector<16xf32>
    %swap3A_133 = arith.constant 528 : index
    %swap3A_134 = tpu.vector_load %arg19[%swap3A_133] {strides = array<i32>} : memref<640xf32, #tpu.memory_space<vmem>>, vector<16xf32>,
    tpu.vector_store %arg19[%swap3A_133], %broadcast_in_dim3A_132 {strides = array<i32>} : memref<640xf32, #tpu.memory_space<vmem>>, vector<16xf32>,
    %broadcast_in_dim3A_135 = arith.constant 0.000000e+00 : f32
    %broadcast_in_dim3A_136 = vector.broadcast %broadcast_in_dim3A_135 : f32 to vector<16xf32>
    %swap3A_137 = arith.constant 544 : index
    %swap3A_138 = tpu.vector_load %arg19[%swap3A_137] {strides = array<i32>} : memref<640xf32, #tpu.memory_space<vmem>>, vector<16xf32>,
    tpu.vector_store %arg19[%swap3A_137], %broadcast_in_dim3A_136 {strides = array<i32>} : memref<640xf32, #tpu.memory_space<vmem>>, vector<16xf32>,
    %broadcast_in_dim3A_139 = arith.constant 0.000000e+00 : f32
    %broadcast_in_dim3A_140 = vector.broadcast %broadcast_in_dim3A_139 : f32 to vector<16xf32>
    %swap3A_141 = arith.constant 560 : index
    %swap3A_142 = tpu.vector_load %arg19[%swap3A_141] {strides = array<i32>} : memref<640xf32, #tpu.memory_space<vmem>>, vector<16xf32>,
    tpu.vector_store %arg19[%swap3A_141], %broadcast_in_dim3A_140 {strides = array<i32>} : memref<640xf32, #tpu.memory_space<vmem>>, vector<16xf32>,
    %broadcast_in_dim3A_143 = arith.constant 0.000000e+00 : f32
    %broadcast_in_dim3A_144 = vector.broadcast %broadcast_in_dim3A_143 : f32 to vector<16xf32>
    %swap3A_145 = arith.constant 576 : index
    %swap3A_146 = tpu.vector_load %arg19[%swap3A_145] {strides = array<i32>} : memref<640xf32, #tpu.memory_space<vmem>>, vector<16xf32>,
    tpu.vector_store %arg19[%swap3A_145], %broadcast_in_dim3A_144 {strides = array<i32>} : memref<640xf32, #tpu.memory_space<vmem>>, vector<16xf32>,
    %broadcast_in_dim3A_147 = arith.constant 0.000000e+00 : f32
    %broadcast_in_dim3A_148 = vector.broadcast %broadcast_in_dim3A_147 : f32 to vector<16xf32>
    %swap3A_149 = arith.constant 592 : index
    %swap3A_150 = tpu.vector_load %arg19[%swap3A_149] {strides = array<i32>} : memref<640xf32, #tpu.memory_space<vmem>>, vector<16xf32>,
    tpu.vector_store %arg19[%swap3A_149], %broadcast_in_dim3A_148 {strides = array<i32>} : memref<640xf32, #tpu.memory_space<vmem>>, vector<16xf32>,
    %broadcast_in_dim3A_151 = arith.constant 0.000000e+00 : f32
    %broadcast_in_dim3A_152 = vector.broadcast %broadcast_in_dim3A_151 : f32 to vector<16xf32>
    %swap3A_153 = arith.constant 608 : index
    %swap3A_154 = tpu.vector_load %arg19[%swap3A_153] {strides = array<i32>} : memref<640xf32, #tpu.memory_space<vmem>>, vector<16xf32>,
    tpu.vector_store %arg19[%swap3A_153], %broadcast_in_dim3A_152 {strides = array<i32>} : memref<640xf32, #tpu.memory_space<vmem>>, vector<16xf32>,
    %broadcast_in_dim3A_155 = arith.constant 0.000000e+00 : f32
    %broadcast_in_dim3A_156 = vector.broadcast %broadcast_in_dim3A_155 : f32 to vector<16xf32>
    %swap3A_157 = arith.constant 624 : index
    %swap3A_158 = tpu.vector_load %arg19[%swap3A_157] {strides = array<i32>} : memref<640xf32, #tpu.memory_space<vmem>>, vector<16xf32>,
    tpu.vector_store %arg19[%swap3A_157], %broadcast_in_dim3A_156 {strides = array<i32>} : memref<640xf32, #tpu.memory_space<vmem>>, vector<16xf32>,
    %lt3A = arith.constant 15 : i32
    %lt3A_159 = arith.cmpi slt, %arg1, %lt3A : i32
    %convert_element_type3A = arith.extui %lt3A_159 : i1 to i32
    %cond3A = arith.constant 0 : i32
    %cond3A_160 = arith.cmpi ne, %convert_element_type3A, %cond3A : i32
    scf.if %cond3A_160 {
      %mul3A_324 = arith.constant 624 : i32
      %mul3A_325 = arith.muli %arg1, %mul3A_324 : i32
      "tpu.region"() ({
        %run_scoped3A = tpu.sem_alloc : memref<!tpu.dma_semaphore, #tpu.memory_space<semaphore_mem>>
        %dma_start3A_328 = arith.constant 0 : i32
        %dma_start3A_329 = tpu.memref_slice %arg20[%mul3A_325, %dma_start3A_328] : memref<10000x128xf32, #tpu.memory_space<vmem_shared>> -> memref<624x128xf32, #tpu.memory_space<vmem_shared>>
        %dma_start3A_330 = arith.constant 0 : i32
        %dma_start3A_331 = arith.constant 0 : i32
        %dma_start3A_332 = tpu.memref_slice %arg8[%dma_start3A_330, %dma_start3A_331] : memref<640x128xf32, #tpu.memory_space<hbm>> -> memref<624x128xf32, #tpu.memory_space<hbm>>
        tpu.enqueue_dma source(%dma_start3A_332 : memref<624x128xf32, #tpu.memory_space<hbm>>) target(%dma_start3A_329 : memref<624x128xf32, #tpu.memory_space<vmem_shared>>) target_semaphore(%run_scoped3A : memref<!tpu.dma_semaphore, #tpu.memory_space<semaphore_mem>>)
        %dma_wait3A_333 = arith.constant 0 : i32
        %dma_wait3A_334 = tpu.memref_slice %arg20[%mul3A_325, %dma_wait3A_333] : memref<10000x128xf32, #tpu.memory_space<vmem_shared>> -> memref<624x128xf32, #tpu.memory_space<vmem_shared>>
        %dma_wait3A_335 = arith.constant 0 : i32
        %dma_wait3A_336 = arith.constant 0 : i32
        %dma_wait3A_337 = tpu.memref_slice %arg8[%dma_wait3A_335, %dma_wait3A_336] : memref<640x128xf32, #tpu.memory_space<hbm>> -> memref<624x128xf32, #tpu.memory_space<hbm>>
        tpu.wait_dma2 semaphore(%run_scoped3A : memref<!tpu.dma_semaphore, #tpu.memory_space<semaphore_mem>>) src(%dma_wait3A_337 : memref<624x128xf32, #tpu.memory_space<hbm>>) dst(%dma_wait3A_334 : memref<624x128xf32, #tpu.memory_space<vmem_shared>>)
        tpu.yield
      }) : () -> ()
      %mul3A_326 = arith.constant 624 : i32
      %mul3A_327 = arith.muli %arg1, %mul3A_326 : i32
      "tpu.region"() ({
        %run_scoped3A = tpu.sem_alloc : memref<!tpu.dma_semaphore, #tpu.memory_space<semaphore_mem>>
        %dma_start3A_328 = arith.constant 0 : i32
        %dma_start3A_329 = tpu.memref_slice %arg19[%dma_start3A_328] : memref<640xf32, #tpu.memory_space<vmem>> -> memref<624xf32, #tpu.memory_space<vmem>>
        %dma_start3A_330 = tpu.memref_slice %arg21[%mul3A_327] : memref<10000xf32, #tpu.memory_space<vmem_shared>> -> memref<624xf32, #tpu.memory_space<vmem_shared>>
        %dma_start3A_331 = tpu.memref_slice %arg21[%mul3A_327] : memref<10000xf32, #tpu.memory_space<vmem_shared>> -> memref<624xf32, #tpu.memory_space<vmem_shared>>
        %dma_start3A_332 = arith.constant 0 : i32
        %dma_start3A_333 = tpu.memref_slice %arg19[%dma_start3A_332] : memref<640xf32, #tpu.memory_space<vmem>> -> memref<624xf32, #tpu.memory_space<vmem>>
        tpu.enqueue_dma source(%dma_start3A_333 : memref<624xf32, #tpu.memory_space<vmem>>) target(%dma_start3A_331 : memref<624xf32, #tpu.memory_space<vmem_shared>>) target_semaphore(%run_scoped3A : memref<!tpu.dma_semaphore, #tpu.memory_space<semaphore_mem>>)
        %dma_wait3A_334 = arith.constant 0 : i32
        %dma_wait3A_335 = tpu.memref_slice %arg19[%dma_wait3A_334] : memref<640xf32, #tpu.memory_space<vmem>> -> memref<624xf32, #tpu.memory_space<vmem>>
        %dma_wait3A_336 = tpu.memref_slice %arg21[%mul3A_327] : memref<10000xf32, #tpu.memory_space<vmem_shared>> -> memref<624xf32, #tpu.memory_space<vmem_shared>>
        %dma_wait3A_337 = tpu.memref_slice %arg21[%mul3A_327] : memref<10000xf32, #tpu.memory_space<vmem_shared>> -> memref<624xf32, #tpu.memory_space<vmem_shared>>
        %dma_wait3A_338 = arith.constant 0 : i32
        %dma_wait3A_339 = tpu.memref_slice %arg19[%dma_wait3A_338] : memref<640xf32, #tpu.memory_space<vmem>> -> memref<624xf32, #tpu.memory_space<vmem>>
        tpu.wait_dma2 semaphore(%run_scoped3A : memref<!tpu.dma_semaphore, #tpu.memory_space<semaphore_mem>>) src(%dma_wait3A_339 : memref<624xf32, #tpu.memory_space<vmem>>) dst(%dma_wait3A_337 : memref<624xf32, #tpu.memory_space<vmem_shared>>)
        tpu.yield
      }) : () -> ()
    } else {
    }
    %eq3A = arith.constant 15 : i32
    %eq3A_161 = arith.cmpi eq, %arg1, %eq3A : i32
    %convert_element_type3A_162 = arith.extui %eq3A_161 : i1 to i32
    %cond3A_163 = arith.constant 0 : i32
    %cond3A_164 = arith.cmpi ne, %convert_element_type3A_162, %cond3A_163 : i32
    scf.if %cond3A_164 {
      "tpu.region"() ({
        %run_scoped3A = tpu.sem_alloc : memref<!tpu.dma_semaphore, #tpu.memory_space<semaphore_mem>>
        %dma_start3A_324 = arith.constant 9360 : i32
        %dma_start3A_325 = arith.constant 0 : i32
        %dma_start3A_326 = tpu.memref_slice %arg20[%dma_start3A_324, %dma_start3A_325] : memref<10000x128xf32, #tpu.memory_space<vmem_shared>> -> memref<640x128xf32, #tpu.memory_space<vmem_shared>>
        tpu.enqueue_dma source(%arg8 : memref<640x128xf32, #tpu.memory_space<hbm>>) target(%dma_start3A_326 : memref<640x128xf32, #tpu.memory_space<vmem_shared>>) target_semaphore(%run_scoped3A : memref<!tpu.dma_semaphore, #tpu.memory_space<semaphore_mem>>)
        %dma_wait3A_327 = arith.constant 9360 : i32
        %dma_wait3A_328 = arith.constant 0 : i32
        %dma_wait3A_329 = tpu.memref_slice %arg20[%dma_wait3A_327, %dma_wait3A_328] : memref<10000x128xf32, #tpu.memory_space<vmem_shared>> -> memref<640x128xf32, #tpu.memory_space<vmem_shared>>
        tpu.wait_dma2 semaphore(%run_scoped3A : memref<!tpu.dma_semaphore, #tpu.memory_space<semaphore_mem>>) src(%arg8 : memref<640x128xf32, #tpu.memory_space<hbm>>) dst(%dma_wait3A_329 : memref<640x128xf32, #tpu.memory_space<vmem_shared>>)
        tpu.yield
      }) : () -> ()
      "tpu.region"() ({
        %run_scoped3A = tpu.sem_alloc : memref<!tpu.dma_semaphore, #tpu.memory_space<semaphore_mem>>
        %dma_start3A_324 = arith.constant 9360 : i32
        %dma_start3A_325 = tpu.memref_slice %arg21[%dma_start3A_324] : memref<10000xf32, #tpu.memory_space<vmem_shared>> -> memref<640xf32, #tpu.memory_space<vmem_shared>>
        %dma_start3A_326 = arith.constant 9360 : i32
        %dma_start3A_327 = tpu.memref_slice %arg21[%dma_start3A_326] : memref<10000xf32, #tpu.memory_space<vmem_shared>> -> memref<640xf32, #tpu.memory_space<vmem_shared>>
        tpu.enqueue_dma source(%arg19 : memref<640xf32, #tpu.memory_space<vmem>>) target(%dma_start3A_327 : memref<640xf32, #tpu.memory_space<vmem_shared>>) target_semaphore(%run_scoped3A : memref<!tpu.dma_semaphore, #tpu.memory_space<semaphore_mem>>)
        %dma_wait3A_328 = arith.constant 9360 : i32
        %dma_wait3A_329 = tpu.memref_slice %arg21[%dma_wait3A_328] : memref<10000xf32, #tpu.memory_space<vmem_shared>> -> memref<640xf32, #tpu.memory_space<vmem_shared>>
        %dma_wait3A_330 = arith.constant 9360 : i32
        %dma_wait3A_331 = tpu.memref_slice %arg21[%dma_wait3A_330] : memref<10000xf32, #tpu.memory_space<vmem_shared>> -> memref<640xf32, #tpu.memory_space<vmem_shared>>
        tpu.wait_dma2 semaphore(%run_scoped3A : memref<!tpu.dma_semaphore, #tpu.memory_space<semaphore_mem>>) src(%arg19 : memref<640xf32, #tpu.memory_space<vmem>>) dst(%dma_wait3A_331 : memref<640xf32, #tpu.memory_space<vmem_shared>>)
        tpu.yield
      }) : () -> ()
    } else {
    }
    "tpu.region"() ({
      %run_scoped3A = tpu.sem_alloc : memref<!tpu.dma_semaphore, #tpu.memory_space<semaphore_mem>>
      tpu.enqueue_dma source(%arg5 : memref<128xf32, #tpu.memory_space<hbm>>) target(%arg16 : memref<128xf32, #tpu.memory_space<vmem>>) target_semaphore(%run_scoped3A : memref<!tpu.dma_semaphore, #tpu.memory_space<semaphore_mem>>)
      tpu.wait_dma2 semaphore(%run_scoped3A : memref<!tpu.dma_semaphore, #tpu.memory_space<semaphore_mem>>) src(%arg5 : memref<128xf32, #tpu.memory_space<hbm>>) dst(%arg16 : memref<128xf32, #tpu.memory_space<vmem>>)
      tpu.yield
    }) : () -> ()
    "tpu.region"() ({
      %run_scoped3A = tpu.sem_alloc : memref<!tpu.dma_semaphore, #tpu.memory_space<semaphore_mem>>
      %dma_start3A_324 = arith.constant 0 : i32
      %dma_start3A_325 = tpu.memref_slice %arg6[%dma_start3A_324] : memref<128xf32, #tpu.memory_space<hbm>> -> memref<16xf32, #tpu.memory_space<hbm>>
      %dma_start3A_326 = arith.constant 0 : i32
      %dma_start3A_327 = tpu.memref_slice %arg6[%dma_start3A_326] : memref<128xf32, #tpu.memory_space<hbm>> -> memref<16xf32, #tpu.memory_space<hbm>>
      tpu.enqueue_dma source(%dma_start3A_327 : memref<16xf32, #tpu.memory_space<hbm>>) target(%arg17 : memref<16xf32, #tpu.memory_space<vmem>>) target_semaphore(%run_scoped3A : memref<!tpu.dma_semaphore, #tpu.memory_space<semaphore_mem>>)
      %dma_wait3A_328 = arith.constant 0 : i32
      %dma_wait3A_329 = tpu.memref_slice %arg6[%dma_wait3A_328] : memref<128xf32, #tpu.memory_space<hbm>> -> memref<16xf32, #tpu.memory_space<hbm>>
      %dma_wait3A_330 = arith.constant 0 : i32
      %dma_wait3A_331 = tpu.memref_slice %arg6[%dma_wait3A_330] : memref<128xf32, #tpu.memory_space<hbm>> -> memref<16xf32, #tpu.memory_space<hbm>>
      tpu.wait_dma2 semaphore(%run_scoped3A : memref<!tpu.dma_semaphore, #tpu.memory_space<semaphore_mem>>) src(%dma_wait3A_331 : memref<16xf32, #tpu.memory_space<hbm>>) dst(%arg17 : memref<16xf32, #tpu.memory_space<vmem>>)
      tpu.yield
    }) : () -> ()
    "tpu.region"() ({
      %run_scoped3A = tpu.sem_alloc : memref<!tpu.dma_semaphore, #tpu.memory_space<semaphore_mem>>
      %dma_start3A_324 = arith.constant 0 : i32
      %dma_start3A_325 = tpu.memref_slice %arg7[%dma_start3A_324] : memref<128xf32, #tpu.memory_space<hbm>> -> memref<16xf32, #tpu.memory_space<hbm>>
      %dma_start3A_326 = arith.constant 0 : i32
      %dma_start3A_327 = tpu.memref_slice %arg7[%dma_start3A_326] : memref<128xf32, #tpu.memory_space<hbm>> -> memref<16xf32, #tpu.memory_space<hbm>>
      tpu.enqueue_dma source(%dma_start3A_327 : memref<16xf32, #tpu.memory_space<hbm>>) target(%arg18 : memref<16xf32, #tpu.memory_space<vmem>>) target_semaphore(%run_scoped3A : memref<!tpu.dma_semaphore, #tpu.memory_space<semaphore_mem>>)
      %dma_wait3A_328 = arith.constant 0 : i32
      %dma_wait3A_329 = tpu.memref_slice %arg7[%dma_wait3A_328] : memref<128xf32, #tpu.memory_space<hbm>> -> memref<16xf32, #tpu.memory_space<hbm>>
      %dma_wait3A_330 = arith.constant 0 : i32
      %dma_wait3A_331 = tpu.memref_slice %arg7[%dma_wait3A_330] : memref<128xf32, #tpu.memory_space<hbm>> -> memref<16xf32, #tpu.memory_space<hbm>>
      tpu.wait_dma2 semaphore(%run_scoped3A : memref<!tpu.dma_semaphore, #tpu.memory_space<semaphore_mem>>) src(%dma_wait3A_331 : memref<16xf32, #tpu.memory_space<hbm>>) dst(%arg18 : memref<16xf32, #tpu.memory_space<vmem>>)
      tpu.yield
    }) : () -> ()
    %get3A = arith.constant 0 : index
    %get3A_165 = tpu.vector_load %arg17[%get3A] {strides = array<i32>} : memref<16xf32, #tpu.memory_space<vmem>>, vector<16xf32>,
    %get3A_166 = arith.constant 0 : index
    %get3A_167 = tpu.vector_load %arg18[%get3A_166] {strides = array<i32>} : memref<16xf32, #tpu.memory_space<vmem>>, vector<16xf32>,
    %add3A_168 = arith.addf %get3A_165, %get3A_167 : vector<16xf32>
    %get3A_169 = arith.constant 0 : index
    %get3A_170 = tpu.vector_load %arg16[%get3A_169] {strides = array<i32>} : memref<128xf32, #tpu.memory_space<vmem>>, vector<16xf32>,
    %get3A_171 = arith.constant 16 : index
    %get3A_172 = tpu.vector_load %arg16[%get3A_171] {strides = array<i32>} : memref<128xf32, #tpu.memory_space<vmem>>, vector<16xf32>,
    %get3A_173 = arith.constant 32 : index
    %get3A_174 = tpu.vector_load %arg16[%get3A_173] {strides = array<i32>} : memref<128xf32, #tpu.memory_space<vmem>>, vector<16xf32>,
    %get3A_175 = arith.constant 48 : index
    %get3A_176 = tpu.vector_load %arg16[%get3A_175] {strides = array<i32>} : memref<128xf32, #tpu.memory_space<vmem>>, vector<16xf32>,
    %get3A_177 = arith.constant 64 : index
    %get3A_178 = tpu.vector_load %arg16[%get3A_177] {strides = array<i32>} : memref<128xf32, #tpu.memory_space<vmem>>, vector<16xf32>,
    %get3A_179 = arith.constant 80 : index
    %get3A_180 = tpu.vector_load %arg16[%get3A_179] {strides = array<i32>} : memref<128xf32, #tpu.memory_space<vmem>>, vector<16xf32>,
    %get3A_181 = arith.constant 96 : index
    %get3A_182 = tpu.vector_load %arg16[%get3A_181] {strides = array<i32>} : memref<128xf32, #tpu.memory_space<vmem>>, vector<16xf32>,
    %get3A_183 = arith.constant 112 : index
    %get3A_184 = tpu.vector_load %arg16[%get3A_183] {strides = array<i32>} : memref<128xf32, #tpu.memory_space<vmem>>, vector<16xf32>,
    %barrier3A = arith.constant 0 : index
    tpu.barrier barrier_id(%barrier3A)
    %iota3A = tpu.iota {dimensions = array<i32: 0>} : vector<16xi32>
    %dma_start3A = arith.constant 0 : i32
    %dma_start3A_185 = arith.constant 0 : i32
    %dma_start3A_186 = arith.constant 0 : i32
    %dma_start3A_187 = arith.constant 0 : i32
    %dma_start3A_188 = arith.constant 0 : i32
    %dma_start3A_189 = tpu.memref_slice %arg11[%dma_start3A_185, %dma_start3A_187, %dma_start3A_188] : memref<4x2x80xi32, #tpu.memory_space<vmem>> -> memref<1x2x80xi32, #tpu.memory_space<vmem>>
    %dma_start3A_190 = tpu.memref_squeeze %dma_start3A_189 : memref<1x2x80xi32, #tpu.memory_space<vmem>> -> memref<2x80xi32, #tpu.memory_space<vmem>>
    %dma_start3A_191 = arith.constant 0 : i32
    %dma_start3A_192 = arith.constant 0 : i32
    %dma_start3A_193 = tpu.memref_slice %arg4[%add3A, %dma_start3A, %dma_start3A_191, %dma_start3A_192] : memref<32x125x2x80xi32, #tpu.memory_space<hbm>> -> memref<1x1x2x80xi32, #tpu.memory_space<hbm>>
    %dma_start3A_194 = tpu.memref_squeeze %dma_start3A_193 : memref<1x1x2x80xi32, #tpu.memory_space<hbm>> -> memref<2x80xi32, #tpu.memory_space<hbm>>
    %dma_start3A_195 = tpu.memref_slice %arg22[%dma_start3A_186] : memref<4x!tpu.dma_semaphore, #tpu.memory_space<semaphore_mem>> -> memref<1x!tpu.dma_semaphore, #tpu.memory_space<semaphore_mem>>
    %dma_start3A_196 = tpu.memref_squeeze %dma_start3A_195 : memref<1x!tpu.dma_semaphore, #tpu.memory_space<semaphore_mem>> -> memref<!tpu.dma_semaphore, #tpu.memory_space<semaphore_mem>>
    %dma_start3A_197 = arith.constant 0 : i32
    %dma_start3A_198 = arith.constant 0 : i32
    %dma_start3A_199 = tpu.memref_slice %arg11[%dma_start3A_185, %dma_start3A_197, %dma_start3A_198] : memref<4x2x80xi32, #tpu.memory_space<vmem>> -> memref<1x2x80xi32, #tpu.memory_space<vmem>>
    %dma_start3A_200 = tpu.memref_squeeze %dma_start3A_199 : memref<1x2x80xi32, #tpu.memory_space<vmem>> -> memref<2x80xi32, #tpu.memory_space<vmem>>
    %dma_start3A_201 = arith.constant 0 : i32
    %dma_start3A_202 = arith.constant 0 : i32
    %dma_start3A_203 = tpu.memref_slice %arg4[%add3A, %dma_start3A, %dma_start3A_201, %dma_start3A_202] : memref<32x125x2x80xi32, #tpu.memory_space<hbm>> -> memref<1x1x2x80xi32, #tpu.memory_space<hbm>>
    %dma_start3A_204 = tpu.memref_squeeze %dma_start3A_203 : memref<1x1x2x80xi32, #tpu.memory_space<hbm>> -> memref<2x80xi32, #tpu.memory_space<hbm>>
    tpu.enqueue_dma source(%dma_start3A_204 : memref<2x80xi32, #tpu.memory_space<hbm>>) target(%dma_start3A_200 : memref<2x80xi32, #tpu.memory_space<vmem>>) target_semaphore(%dma_start3A_196 : memref<!tpu.dma_semaphore, #tpu.memory_space<semaphore_mem>>)
    %dma_wait3A = arith.constant 0 : i32
    %dma_wait3A_205 = arith.constant 0 : i32
    %dma_wait3A_206 = arith.constant 0 : i32
    %dma_wait3A_207 = arith.constant 0 : i32
    %dma_wait3A_208 = arith.constant 0 : i32
    %dma_wait3A_209 = tpu.memref_slice %arg11[%dma_wait3A_205, %dma_wait3A_207, %dma_wait3A_208] : memref<4x2x80xi32, #tpu.memory_space<vmem>> -> memref<1x2x80xi32, #tpu.memory_space<vmem>>
    %dma_wait3A_210 = tpu.memref_squeeze %dma_wait3A_209 : memref<1x2x80xi32, #tpu.memory_space<vmem>> -> memref<2x80xi32, #tpu.memory_space<vmem>>
    %dma_wait3A_211 = arith.constant 0 : i32
    %dma_wait3A_212 = arith.constant 0 : i32
    %dma_wait3A_213 = tpu.memref_slice %arg4[%add3A, %dma_wait3A, %dma_wait3A_211, %dma_wait3A_212] : memref<32x125x2x80xi32, #tpu.memory_space<hbm>> -> memref<1x1x2x80xi32, #tpu.memory_space<hbm>>
    %dma_wait3A_214 = tpu.memref_squeeze %dma_wait3A_213 : memref<1x1x2x80xi32, #tpu.memory_space<hbm>> -> memref<2x80xi32, #tpu.memory_space<hbm>>
    %dma_wait3A_215 = tpu.memref_slice %arg22[%dma_wait3A_206] : memref<4x!tpu.dma_semaphore, #tpu.memory_space<semaphore_mem>> -> memref<1x!tpu.dma_semaphore, #tpu.memory_space<semaphore_mem>>
    %dma_wait3A_216 = tpu.memref_squeeze %dma_wait3A_215 : memref<1x!tpu.dma_semaphore, #tpu.memory_space<semaphore_mem>> -> memref<!tpu.dma_semaphore, #tpu.memory_space<semaphore_mem>>
    %dma_wait3A_217 = arith.constant 0 : i32
    %dma_wait3A_218 = arith.constant 0 : i32
    %dma_wait3A_219 = tpu.memref_slice %arg11[%dma_wait3A_205, %dma_wait3A_217, %dma_wait3A_218] : memref<4x2x80xi32, #tpu.memory_space<vmem>> -> memref<1x2x80xi32, #tpu.memory_space<vmem>>
    %dma_wait3A_220 = tpu.memref_squeeze %dma_wait3A_219 : memref<1x2x80xi32, #tpu.memory_space<vmem>> -> memref<2x80xi32, #tpu.memory_space<vmem>>
    %dma_wait3A_221 = arith.constant 0 : i32
    %dma_wait3A_222 = arith.constant 0 : i32
    %dma_wait3A_223 = tpu.memref_slice %arg4[%add3A, %dma_wait3A, %dma_wait3A_221, %dma_wait3A_222] : memref<32x125x2x80xi32, #tpu.memory_space<hbm>> -> memref<1x1x2x80xi32, #tpu.memory_space<hbm>>
    %dma_wait3A_224 = tpu.memref_squeeze %dma_wait3A_223 : memref<1x1x2x80xi32, #tpu.memory_space<hbm>> -> memref<2x80xi32, #tpu.memory_space<hbm>>
    tpu.wait_dma2 semaphore(%dma_wait3A_216 : memref<!tpu.dma_semaphore, #tpu.memory_space<semaphore_mem>>) src(%dma_wait3A_224 : memref<2x80xi32, #tpu.memory_space<hbm>>) dst(%dma_wait3A_220 : memref<2x80xi32, #tpu.memory_space<vmem>>)
    %dma_start3A_225 = arith.constant 0 : i32
    %dma_start3A_226 = arith.constant 0 : i32
    %dma_start3A_227 = arith.constant 0 : i32
    %dma_start3A_228 = arith.constant 0 : i32
    %dma_start3A_229 = arith.constant 0 : i32
    %dma_start3A_230 = arith.constant 0 : i32
    %dma_start3A_231 = tpu.memref_slice %arg12[%dma_start3A_227, %dma_start3A_229, %dma_start3A_230] : memref<2x80x128xf32, #tpu.memory_space<vmem>> -> memref<1x80x128xf32, #tpu.memory_space<vmem>>
    %dma_start3A_232 = tpu.memref_squeeze %dma_start3A_231 : memref<1x80x128xf32, #tpu.memory_space<vmem>> -> memref<80x128xf32, #tpu.memory_space<vmem>>
    %dma_start3A_233 = arith.constant 0 : i32
    %dma_start3A_234 = tpu.memref_slice %arg11[%dma_start3A_225, %dma_start3A_226, %dma_start3A_233] : memref<4x2x80xi32, #tpu.memory_space<vmem>> -> memref<1x1x80xi32, #tpu.memory_space<vmem>>
    %dma_start3A_235 = tpu.memref_squeeze %dma_start3A_234 : memref<1x1x80xi32, #tpu.memory_space<vmem>> -> memref<80xi32, #tpu.memory_space<vmem>>
    %dma_start3A_236 = arith.constant 0 : i32
    %dma_start3A_237 = arith.constant 0 : i32
    %dma_start3A_238 = tpu.memref_slice %arg2[%dma_start3A_236, %dma_start3A_237] : memref<10000x128xf32, #tpu.memory_space<hbm>> -> memref<10000x128xf32, #tpu.memory_space<hbm>>
    %dma_start3A_239 = tpu.memref_slice %arg23[%dma_start3A_228] : memref<2x!tpu.dma_semaphore, #tpu.memory_space<semaphore_mem>> -> memref<1x!tpu.dma_semaphore, #tpu.memory_space<semaphore_mem>>
    %dma_start3A_240 = tpu.memref_squeeze %dma_start3A_239 : memref<1x!tpu.dma_semaphore, #tpu.memory_space<semaphore_mem>> -> memref<!tpu.dma_semaphore, #tpu.memory_space<semaphore_mem>>
    tpu.enqueue_indirect_dma source(%dma_start3A_238 : memref<10000x128xf32, #tpu.memory_space<hbm>>) target(%dma_start3A_232 : memref<80x128xf32, #tpu.memory_space<vmem>>) offsets(%dma_start3A_235 : memref<80xi32, #tpu.memory_space<vmem>>) semaphore(%dma_start3A_240 : memref<!tpu.dma_semaphore, #tpu.memory_space<semaphore_mem>>)
    %dma_start3A_241 = arith.constant 0 : i32
    %dma_start3A_242 = arith.constant 1 : i32
    %dma_start3A_243 = arith.constant 0 : i32
    %dma_start3A_244 = arith.constant 0 : i32
    %dma_start3A_245 = arith.constant 0 : i32
    %dma_start3A_246 = arith.constant 0 : i32
    %dma_start3A_247 = tpu.memref_slice %arg13[%dma_start3A_243, %dma_start3A_245, %dma_start3A_246] : memref<2x80x128xf32, #tpu.memory_space<vmem>> -> memref<1x80x128xf32, #tpu.memory_space<vmem>>
    %dma_start3A_248 = tpu.memref_squeeze %dma_start3A_247 : memref<1x80x128xf32, #tpu.memory_space<vmem>> -> memref<80x128xf32, #tpu.memory_space<vmem>>
    %dma_start3A_249 = arith.constant 0 : i32
    %dma_start3A_250 = tpu.memref_slice %arg11[%dma_start3A_241, %dma_start3A_242, %dma_start3A_249] : memref<4x2x80xi32, #tpu.memory_space<vmem>> -> memref<1x1x80xi32, #tpu.memory_space<vmem>>
    %dma_start3A_251 = tpu.memref_squeeze %dma_start3A_250 : memref<1x1x80xi32, #tpu.memory_space<vmem>> -> memref<80xi32, #tpu.memory_space<vmem>>
    %dma_start3A_252 = arith.constant 0 : i32
    %dma_start3A_253 = arith.constant 0 : i32
    %dma_start3A_254 = tpu.memref_slice %arg3[%dma_start3A_252, %dma_start3A_253] : memref<10000x128xf32, #tpu.memory_space<hbm>> -> memref<10000x128xf32, #tpu.memory_space<hbm>>
    %dma_start3A_255 = tpu.memref_slice %arg24[%dma_start3A_244] : memref<2x!tpu.dma_semaphore, #tpu.memory_space<semaphore_mem>> -> memref<1x!tpu.dma_semaphore, #tpu.memory_space<semaphore_mem>>
    %dma_start3A_256 = tpu.memref_squeeze %dma_start3A_255 : memref<1x!tpu.dma_semaphore, #tpu.memory_space<semaphore_mem>> -> memref<!tpu.dma_semaphore, #tpu.memory_space<semaphore_mem>>
    tpu.enqueue_indirect_dma source(%dma_start3A_254 : memref<10000x128xf32, #tpu.memory_space<hbm>>) target(%dma_start3A_248 : memref<80x128xf32, #tpu.memory_space<vmem>>) offsets(%dma_start3A_251 : memref<80xi32, #tpu.memory_space<vmem>>) semaphore(%dma_start3A_256 : memref<!tpu.dma_semaphore, #tpu.memory_space<semaphore_mem>>)
    %dma_start3A_257 = arith.constant 1 : i32
    %dma_start3A_258 = arith.constant 1 : i32
    %dma_start3A_259 = arith.constant 1 : i32
    %dma_start3A_260 = arith.constant 0 : i32
    %dma_start3A_261 = arith.constant 0 : i32
    %dma_start3A_262 = tpu.memref_slice %arg11[%dma_start3A_258, %dma_start3A_260, %dma_start3A_261] : memref<4x2x80xi32, #tpu.memory_space<vmem>> -> memref<1x2x80xi32, #tpu.memory_space<vmem>>
    %dma_start3A_263 = tpu.memref_squeeze %dma_start3A_262 : memref<1x2x80xi32, #tpu.memory_space<vmem>> -> memref<2x80xi32, #tpu.memory_space<vmem>>
    %dma_start3A_264 = arith.constant 0 : i32
    %dma_start3A_265 = arith.constant 0 : i32
    %dma_start3A_266 = tpu.memref_slice %arg4[%add3A, %dma_start3A_257, %dma_start3A_264, %dma_start3A_265] : memref<32x125x2x80xi32, #tpu.memory_space<hbm>> -> memref<1x1x2x80xi32, #tpu.memory_space<hbm>>
    %dma_start3A_267 = tpu.memref_squeeze %dma_start3A_266 : memref<1x1x2x80xi32, #tpu.memory_space<hbm>> -> memref<2x80xi32, #tpu.memory_space<hbm>>
    %dma_start3A_268 = tpu.memref_slice %arg22[%dma_start3A_259] : memref<4x!tpu.dma_semaphore, #tpu.memory_space<semaphore_mem>> -> memref<1x!tpu.dma_semaphore, #tpu.memory_space<semaphore_mem>>
    %dma_start3A_269 = tpu.memref_squeeze %dma_start3A_268 : memref<1x!tpu.dma_semaphore, #tpu.memory_space<semaphore_mem>> -> memref<!tpu.dma_semaphore, #tpu.memory_space<semaphore_mem>>
    %dma_start3A_270 = arith.constant 0 : i32
    %dma_start3A_271 = arith.constant 0 : i32
    %dma_start3A_272 = tpu.memref_slice %arg11[%dma_start3A_258, %dma_start3A_270, %dma_start3A_271] : memref<4x2x80xi32, #tpu.memory_space<vmem>> -> memref<1x2x80xi32, #tpu.memory_space<vmem>>
    %dma_start3A_273 = tpu.memref_squeeze %dma_start3A_272 : memref<1x2x80xi32, #tpu.memory_space<vmem>> -> memref<2x80xi32, #tpu.memory_space<vmem>>
    %dma_start3A_274 = arith.constant 0 : i32
    %dma_start3A_275 = arith.constant 0 : i32
    %dma_start3A_276 = tpu.memref_slice %arg4[%add3A, %dma_start3A_257, %dma_start3A_274, %dma_start3A_275] : memref<32x125x2x80xi32, #tpu.memory_space<hbm>> -> memref<1x1x2x80xi32, #tpu.memory_space<hbm>>
    %dma_start3A_277 = tpu.memref_squeeze %dma_start3A_276 : memref<1x1x2x80xi32, #tpu.memory_space<hbm>> -> memref<2x80xi32, #tpu.memory_space<hbm>>
    tpu.enqueue_dma source(%dma_start3A_277 : memref<2x80xi32, #tpu.memory_space<hbm>>) target(%dma_start3A_273 : memref<2x80xi32, #tpu.memory_space<vmem>>) target_semaphore(%dma_start3A_269 : memref<!tpu.dma_semaphore, #tpu.memory_space<semaphore_mem>>)
    %scan3A = arith.constant 0 : i32
    %scan3A_278 = arith.constant 0 : i32
    %scan3A_279 = arith.constant 125 : i32
    %scan3A_280 = arith.addi %scan3A_278, %scan3A_279 : i32
    %scan3A_281 = arith.constant 1 : i32
    scf.for %scan3A_324 = %scan3A_278 to %scan3A_280 step %scan3A_281  : i32 {
      %and3A = arith.constant 1 : i32
      %and3A_325 = arith.andi %scan3A_324, %and3A : i32
      %and3A_326 = arith.constant 3 : i32
      %and3A_327 = arith.andi %scan3A_324, %and3A_326 : i32
      %dma_wait3A_328 = arith.constant 0 : i32
      %dma_wait3A_329 = arith.constant 0 : i32
      %dma_wait3A_330 = arith.constant 0 : i32
      %dma_wait3A_331 = tpu.memref_slice %arg12[%and3A_325, %dma_wait3A_329, %dma_wait3A_330] : memref<2x80x128xf32, #tpu.memory_space<vmem>> -> memref<1x80x128xf32, #tpu.memory_space<vmem>>
      %dma_wait3A_332 = tpu.memref_squeeze %dma_wait3A_331 : memref<1x80x128xf32, #tpu.memory_space<vmem>> -> memref<80x128xf32, #tpu.memory_space<vmem>>
      %dma_wait3A_333 = arith.constant 0 : i32
      %dma_wait3A_334 = tpu.memref_slice %arg11[%and3A_327, %dma_wait3A_328, %dma_wait3A_333] : memref<4x2x80xi32, #tpu.memory_space<vmem>> -> memref<1x1x80xi32, #tpu.memory_space<vmem>>
      %dma_wait3A_335 = tpu.memref_squeeze %dma_wait3A_334 : memref<1x1x80xi32, #tpu.memory_space<vmem>> -> memref<80xi32, #tpu.memory_space<vmem>>
      %dma_wait3A_336 = arith.constant 0 : i32
      %dma_wait3A_337 = arith.constant 0 : i32
      %dma_wait3A_338 = tpu.memref_slice %arg2[%dma_wait3A_336, %dma_wait3A_337] : memref<10000x128xf32, #tpu.memory_space<hbm>> -> memref<10000x128xf32, #tpu.memory_space<hbm>>
      %dma_wait3A_339 = tpu.memref_slice %arg23[%and3A_325] : memref<2x!tpu.dma_semaphore, #tpu.memory_space<semaphore_mem>> -> memref<1x!tpu.dma_semaphore, #tpu.memory_space<semaphore_mem>>
      %dma_wait3A_340 = tpu.memref_squeeze %dma_wait3A_339 : memref<1x!tpu.dma_semaphore, #tpu.memory_space<semaphore_mem>> -> memref<!tpu.dma_semaphore, #tpu.memory_space<semaphore_mem>>
      tpu.wait_indirect_dma semaphore(%dma_wait3A_340 : memref<!tpu.dma_semaphore, #tpu.memory_space<semaphore_mem>>) src(%dma_wait3A_338 : memref<10000x128xf32, #tpu.memory_space<hbm>>) dst(%dma_wait3A_332 : memref<80x128xf32, #tpu.memory_space<vmem>>)
      %and3A_341 = arith.constant 3 : i32
      %and3A_342 = arith.andi %scan3A_324, %and3A_341 : i32
      %dma_wait3A_343 = arith.constant 1 : i32
      %dma_wait3A_344 = arith.constant 0 : i32
      %dma_wait3A_345 = arith.constant 0 : i32
      %dma_wait3A_346 = tpu.memref_slice %arg13[%and3A_325, %dma_wait3A_344, %dma_wait3A_345] : memref<2x80x128xf32, #tpu.memory_space<vmem>> -> memref<1x80x128xf32, #tpu.memory_space<vmem>>
      %dma_wait3A_347 = tpu.memref_squeeze %dma_wait3A_346 : memref<1x80x128xf32, #tpu.memory_space<vmem>> -> memref<80x128xf32, #tpu.memory_space<vmem>>
      %dma_wait3A_348 = arith.constant 0 : i32
      %dma_wait3A_349 = tpu.memref_slice %arg11[%and3A_342, %dma_wait3A_343, %dma_wait3A_348] : memref<4x2x80xi32, #tpu.memory_space<vmem>> -> memref<1x1x80xi32, #tpu.memory_space<vmem>>
      %dma_wait3A_350 = tpu.memref_squeeze %dma_wait3A_349 : memref<1x1x80xi32, #tpu.memory_space<vmem>> -> memref<80xi32, #tpu.memory_space<vmem>>
      %dma_wait3A_351 = arith.constant 0 : i32
      %dma_wait3A_352 = arith.constant 0 : i32
      %dma_wait3A_353 = tpu.memref_slice %arg3[%dma_wait3A_351, %dma_wait3A_352] : memref<10000x128xf32, #tpu.memory_space<hbm>> -> memref<10000x128xf32, #tpu.memory_space<hbm>>
      %dma_wait3A_354 = tpu.memref_slice %arg24[%and3A_325] : memref<2x!tpu.dma_semaphore, #tpu.memory_space<semaphore_mem>> -> memref<1x!tpu.dma_semaphore, #tpu.memory_space<semaphore_mem>>
      %dma_wait3A_355 = tpu.memref_squeeze %dma_wait3A_354 : memref<1x!tpu.dma_semaphore, #tpu.memory_space<semaphore_mem>> -> memref<!tpu.dma_semaphore, #tpu.memory_space<semaphore_mem>>
      tpu.wait_indirect_dma semaphore(%dma_wait3A_355 : memref<!tpu.dma_semaphore, #tpu.memory_space<semaphore_mem>>) src(%dma_wait3A_353 : memref<10000x128xf32, #tpu.memory_space<hbm>>) dst(%dma_wait3A_347 : memref<80x128xf32, #tpu.memory_space<vmem>>)
      %ge3A = arith.constant 1 : i32
      %ge3A_356 = arith.cmpi sge, %scan3A_324, %ge3A : i32
      %convert_element_type3A_357 = arith.extui %ge3A_356 : i1 to i32
      %cond3A_358 = arith.constant 0 : i32
      %cond3A_359 = arith.cmpi ne, %convert_element_type3A_357, %cond3A_358 : i32
      scf.if %cond3A_359 {
        %sub3A = arith.constant 1 : i32
        %sub3A_461 = arith.subi %scan3A_324, %sub3A : i32
        %and3A_462 = arith.constant 1 : i32
        %and3A_463 = arith.andi %sub3A_461, %and3A_462 : i32
        %and3A_464 = arith.constant 3 : i32
        %and3A_465 = arith.andi %sub3A_461, %and3A_464 : i32
        %dma_wait3A_466 = arith.constant 1 : i32
        %dma_wait3A_467 = arith.constant 0 : i32
        %dma_wait3A_468 = arith.constant 0 : i32
        %dma_wait3A_469 = tpu.memref_slice %arg13[%and3A_463, %dma_wait3A_467, %dma_wait3A_468] : memref<2x80x128xf32, #tpu.memory_space<vmem>> -> memref<1x80x128xf32, #tpu.memory_space<vmem>>
        %dma_wait3A_470 = tpu.memref_squeeze %dma_wait3A_469 : memref<1x80x128xf32, #tpu.memory_space<vmem>> -> memref<80x128xf32, #tpu.memory_space<vmem>>
        %dma_wait3A_471 = arith.constant 0 : i32
        %dma_wait3A_472 = tpu.memref_slice %arg11[%and3A_465, %dma_wait3A_466, %dma_wait3A_471] : memref<4x2x80xi32, #tpu.memory_space<vmem>> -> memref<1x1x80xi32, #tpu.memory_space<vmem>>
        %dma_wait3A_473 = tpu.memref_squeeze %dma_wait3A_472 : memref<1x1x80xi32, #tpu.memory_space<vmem>> -> memref<80xi32, #tpu.memory_space<vmem>>
        %dma_wait3A_474 = arith.constant 0 : i32
        %dma_wait3A_475 = arith.constant 0 : i32
        %dma_wait3A_476 = tpu.memref_slice %arg20[%dma_wait3A_474, %dma_wait3A_475] : memref<10000x128xf32, #tpu.memory_space<vmem_shared>> -> memref<10000x128xf32, #tpu.memory_space<vmem_shared>>
        %dma_wait3A_477 = tpu.memref_slice %arg25[%and3A_463] : memref<2x!tpu.dma_semaphore, #tpu.memory_space<semaphore_mem>> -> memref<1x!tpu.dma_semaphore, #tpu.memory_space<semaphore_mem>>
        %dma_wait3A_478 = tpu.memref_squeeze %dma_wait3A_477 : memref<1x!tpu.dma_semaphore, #tpu.memory_space<semaphore_mem>> -> memref<!tpu.dma_semaphore, #tpu.memory_space<semaphore_mem>>
        tpu.wait_indirect_dma semaphore(%dma_wait3A_478 : memref<!tpu.dma_semaphore, #tpu.memory_space<semaphore_mem>>) src(%dma_wait3A_470 : memref<80x128xf32, #tpu.memory_space<vmem>>) dst(%dma_wait3A_476 : memref<10000x128xf32, #tpu.memory_space<vmem_shared>>)
        %and3A_479 = arith.constant 3 : i32
        %and3A_480 = arith.andi %sub3A_461, %and3A_479 : i32
        %dma_wait3A_481 = arith.constant 1 : i32
        %dma_wait3A_482 = arith.constant 0 : i32
        %dma_wait3A_483 = tpu.memref_slice %arg14[%and3A_463, %dma_wait3A_482] : memref<2x80xf32, #tpu.memory_space<vmem>> -> memref<1x80xf32, #tpu.memory_space<vmem>>
        %dma_wait3A_484 = tpu.memref_squeeze %dma_wait3A_483 : memref<1x80xf32, #tpu.memory_space<vmem>> -> memref<80xf32, #tpu.memory_space<vmem>>
        %dma_wait3A_485 = arith.constant 0 : i32
        %dma_wait3A_486 = tpu.memref_slice %arg11[%and3A_480, %dma_wait3A_481, %dma_wait3A_485] : memref<4x2x80xi32, #tpu.memory_space<vmem>> -> memref<1x1x80xi32, #tpu.memory_space<vmem>>
        %dma_wait3A_487 = tpu.memref_squeeze %dma_wait3A_486 : memref<1x1x80xi32, #tpu.memory_space<vmem>> -> memref<80xi32, #tpu.memory_space<vmem>>
        %dma_wait3A_488 = arith.constant 0 : i32
        %dma_wait3A_489 = tpu.memref_slice %arg21[%dma_wait3A_488] : memref<10000xf32, #tpu.memory_space<vmem_shared>> -> memref<10000xf32, #tpu.memory_space<vmem_shared>>
        %dma_wait3A_490 = tpu.memref_slice %arg26[%and3A_463] : memref<2x!tpu.dma_semaphore, #tpu.memory_space<semaphore_mem>> -> memref<1x!tpu.dma_semaphore, #tpu.memory_space<semaphore_mem>>
        %dma_wait3A_491 = tpu.memref_squeeze %dma_wait3A_490 : memref<1x!tpu.dma_semaphore, #tpu.memory_space<semaphore_mem>> -> memref<!tpu.dma_semaphore, #tpu.memory_space<semaphore_mem>>
        tpu.wait_indirect_dma semaphore(%dma_wait3A_491 : memref<!tpu.dma_semaphore, #tpu.memory_space<semaphore_mem>>) src(%dma_wait3A_484 : memref<80xf32, #tpu.memory_space<vmem>>) dst(%dma_wait3A_489 : memref<10000xf32, #tpu.memory_space<vmem_shared>>)
      } else {
      }
      %add3A_360 = arith.constant 1 : i32
      %add3A_361 = arith.addi %scan3A_324, %add3A_360 : i32
      %lt3A_362 = arith.constant 125 : i32
      %lt3A_363 = arith.cmpi slt, %add3A_361, %lt3A_362 : i32
      %convert_element_type3A_364 = arith.extui %lt3A_363 : i1 to i32
      %cond3A_365 = arith.constant 0 : i32
      %cond3A_366 = arith.cmpi ne, %convert_element_type3A_364, %cond3A_365 : i32
      scf.if %cond3A_366 {
        %add3A_461 = arith.constant 1 : i32
        %add3A_462 = arith.addi %scan3A_324, %add3A_461 : i32
        %and3A_463 = arith.constant 3 : i32
        %and3A_464 = arith.andi %add3A_462, %and3A_463 : i32
        %and3A_465 = arith.constant 3 : i32
        %and3A_466 = arith.andi %add3A_462, %and3A_465 : i32
        %dma_wait3A_467 = arith.constant 0 : i32
        %dma_wait3A_468 = arith.constant 0 : i32
        %dma_wait3A_469 = tpu.memref_slice %arg11[%and3A_464, %dma_wait3A_467, %dma_wait3A_468] : memref<4x2x80xi32, #tpu.memory_space<vmem>> -> memref<1x2x80xi32, #tpu.memory_space<vmem>>
        %dma_wait3A_470 = tpu.memref_squeeze %dma_wait3A_469 : memref<1x2x80xi32, #tpu.memory_space<vmem>> -> memref<2x80xi32, #tpu.memory_space<vmem>>
        %dma_wait3A_471 = arith.constant 0 : i32
        %dma_wait3A_472 = arith.constant 0 : i32
        %dma_wait3A_473 = tpu.memref_slice %arg4[%add3A, %add3A_462, %dma_wait3A_471, %dma_wait3A_472] : memref<32x125x2x80xi32, #tpu.memory_space<hbm>> -> memref<1x1x2x80xi32, #tpu.memory_space<hbm>>
        %dma_wait3A_474 = tpu.memref_squeeze %dma_wait3A_473 : memref<1x1x2x80xi32, #tpu.memory_space<hbm>> -> memref<2x80xi32, #tpu.memory_space<hbm>>
        %dma_wait3A_475 = tpu.memref_slice %arg22[%and3A_466] : memref<4x!tpu.dma_semaphore, #tpu.memory_space<semaphore_mem>> -> memref<1x!tpu.dma_semaphore, #tpu.memory_space<semaphore_mem>>
        %dma_wait3A_476 = tpu.memref_squeeze %dma_wait3A_475 : memref<1x!tpu.dma_semaphore, #tpu.memory_space<semaphore_mem>> -> memref<!tpu.dma_semaphore, #tpu.memory_space<semaphore_mem>>
        %dma_wait3A_477 = arith.constant 0 : i32
        %dma_wait3A_478 = arith.constant 0 : i32
        %dma_wait3A_479 = tpu.memref_slice %arg11[%and3A_464, %dma_wait3A_477, %dma_wait3A_478] : memref<4x2x80xi32, #tpu.memory_space<vmem>> -> memref<1x2x80xi32, #tpu.memory_space<vmem>>
        %dma_wait3A_480 = tpu.memref_squeeze %dma_wait3A_479 : memref<1x2x80xi32, #tpu.memory_space<vmem>> -> memref<2x80xi32, #tpu.memory_space<vmem>>
        %dma_wait3A_481 = arith.constant 0 : i32
        %dma_wait3A_482 = arith.constant 0 : i32
        %dma_wait3A_483 = tpu.memref_slice %arg4[%add3A, %add3A_462, %dma_wait3A_481, %dma_wait3A_482] : memref<32x125x2x80xi32, #tpu.memory_space<hbm>> -> memref<1x1x2x80xi32, #tpu.memory_space<hbm>>
        %dma_wait3A_484 = tpu.memref_squeeze %dma_wait3A_483 : memref<1x1x2x80xi32, #tpu.memory_space<hbm>> -> memref<2x80xi32, #tpu.memory_space<hbm>>
        tpu.wait_dma2 semaphore(%dma_wait3A_476 : memref<!tpu.dma_semaphore, #tpu.memory_space<semaphore_mem>>) src(%dma_wait3A_484 : memref<2x80xi32, #tpu.memory_space<hbm>>) dst(%dma_wait3A_480 : memref<2x80xi32, #tpu.memory_space<vmem>>)
        %add3A_485 = arith.constant 1 : i32
        %add3A_486 = arith.addi %scan3A_324, %add3A_485 : i32
        %and3A_487 = arith.constant 1 : i32
        %and3A_488 = arith.andi %add3A_486, %and3A_487 : i32
        %and3A_489 = arith.constant 3 : i32
        %and3A_490 = arith.andi %add3A_486, %and3A_489 : i32
        %dma_start3A_491 = arith.constant 0 : i32
        %dma_start3A_492 = arith.constant 0 : i32
        %dma_start3A_493 = arith.constant 0 : i32
        %dma_start3A_494 = tpu.memref_slice %arg12[%and3A_488, %dma_start3A_492, %dma_start3A_493] : memref<2x80x128xf32, #tpu.memory_space<vmem>> -> memref<1x80x128xf32, #tpu.memory_space<vmem>>
        %dma_start3A_495 = tpu.memref_squeeze %dma_start3A_494 : memref<1x80x128xf32, #tpu.memory_space<vmem>> -> memref<80x128xf32, #tpu.memory_space<vmem>>
        %dma_start3A_496 = arith.constant 0 : i32
        %dma_start3A_497 = tpu.memref_slice %arg11[%and3A_490, %dma_start3A_491, %dma_start3A_496] : memref<4x2x80xi32, #tpu.memory_space<vmem>> -> memref<1x1x80xi32, #tpu.memory_space<vmem>>
        %dma_start3A_498 = tpu.memref_squeeze %dma_start3A_497 : memref<1x1x80xi32, #tpu.memory_space<vmem>> -> memref<80xi32, #tpu.memory_space<vmem>>
        %dma_start3A_499 = arith.constant 0 : i32
        %dma_start3A_500 = arith.constant 0 : i32
        %dma_start3A_501 = tpu.memref_slice %arg2[%dma_start3A_499, %dma_start3A_500] : memref<10000x128xf32, #tpu.memory_space<hbm>> -> memref<10000x128xf32, #tpu.memory_space<hbm>>
        %dma_start3A_502 = tpu.memref_slice %arg23[%and3A_488] : memref<2x!tpu.dma_semaphore, #tpu.memory_space<semaphore_mem>> -> memref<1x!tpu.dma_semaphore, #tpu.memory_space<semaphore_mem>>
        %dma_start3A_503 = tpu.memref_squeeze %dma_start3A_502 : memref<1x!tpu.dma_semaphore, #tpu.memory_space<semaphore_mem>> -> memref<!tpu.dma_semaphore, #tpu.memory_space<semaphore_mem>>
        tpu.enqueue_indirect_dma source(%dma_start3A_501 : memref<10000x128xf32, #tpu.memory_space<hbm>>) target(%dma_start3A_495 : memref<80x128xf32, #tpu.memory_space<vmem>>) offsets(%dma_start3A_498 : memref<80xi32, #tpu.memory_space<vmem>>) semaphore(%dma_start3A_503 : memref<!tpu.dma_semaphore, #tpu.memory_space<semaphore_mem>>)
        %and3A_504 = arith.constant 3 : i32
        %and3A_505 = arith.andi %add3A_486, %and3A_504 : i32
        %dma_start3A_506 = arith.constant 1 : i32
        %dma_start3A_507 = arith.constant 0 : i32
        %dma_start3A_508 = arith.constant 0 : i32
        %dma_start3A_509 = tpu.memref_slice %arg13[%and3A_488, %dma_start3A_507, %dma_start3A_508] : memref<2x80x128xf32, #tpu.memory_space<vmem>> -> memref<1x80x128xf32, #tpu.memory_space<vmem>>
        %dma_start3A_510 = tpu.memref_squeeze %dma_start3A_509 : memref<1x80x128xf32, #tpu.memory_space<vmem>> -> memref<80x128xf32, #tpu.memory_space<vmem>>
        %dma_start3A_511 = arith.constant 0 : i32
        %dma_start3A_512 = tpu.memref_slice %arg11[%and3A_505, %dma_start3A_506, %dma_start3A_511] : memref<4x2x80xi32, #tpu.memory_space<vmem>> -> memref<1x1x80xi32, #tpu.memory_space<vmem>>
        %dma_start3A_513 = tpu.memref_squeeze %dma_start3A_512 : memref<1x1x80xi32, #tpu.memory_space<vmem>> -> memref<80xi32, #tpu.memory_space<vmem>>
        %dma_start3A_514 = arith.constant 0 : i32
        %dma_start3A_515 = arith.constant 0 : i32
        %dma_start3A_516 = tpu.memref_slice %arg3[%dma_start3A_514, %dma_start3A_515] : memref<10000x128xf32, #tpu.memory_space<hbm>> -> memref<10000x128xf32, #tpu.memory_space<hbm>>
        %dma_start3A_517 = tpu.memref_slice %arg24[%and3A_488] : memref<2x!tpu.dma_semaphore, #tpu.memory_space<semaphore_mem>> -> memref<1x!tpu.dma_semaphore, #tpu.memory_space<semaphore_mem>>
        %dma_start3A_518 = tpu.memref_squeeze %dma_start3A_517 : memref<1x!tpu.dma_semaphore, #tpu.memory_space<semaphore_mem>> -> memref<!tpu.dma_semaphore, #tpu.memory_space<semaphore_mem>>
        tpu.enqueue_indirect_dma source(%dma_start3A_516 : memref<10000x128xf32, #tpu.memory_space<hbm>>) target(%dma_start3A_510 : memref<80x128xf32, #tpu.memory_space<vmem>>) offsets(%dma_start3A_513 : memref<80xi32, #tpu.memory_space<vmem>>) semaphore(%dma_start3A_518 : memref<!tpu.dma_semaphore, #tpu.memory_space<semaphore_mem>>)
      } else {
      }
      %and3A_367 = arith.constant 1 : i32
      %and3A_368 = arith.andi %scan3A_324, %and3A_367 : i32
      %parallel_loop3A = arith.constant 0 : i32
      %parallel_loop3A_369 = arith.constant 80 : i32
      %parallel_loop3A_370 = arith.constant 1 : i32
      scf.for %parallel_loop3A_461 = %parallel_loop3A to %parallel_loop3A_369 step %parallel_loop3A_370  : i32 {
        %parallel_loop3A_462 = arith.index_cast %and3A_368 : i32 to index
        %parallel_loop3A_463 = arith.index_cast %parallel_loop3A_461 : i32 to index
        %parallel_loop3A_464 = arith.constant 0 : index
        %parallel_loop3A_465 = tpu.vector_load %arg12[%parallel_loop3A_462, %parallel_loop3A_463, %parallel_loop3A_464] {strides = array<i32>} : memref<2x80x128xf32, #tpu.memory_space<vmem>>, vector<16xf32>,
        %parallel_loop3A_466 = arith.index_cast %and3A_368 : i32 to index
        %parallel_loop3A_467 = arith.index_cast %parallel_loop3A_461 : i32 to index
        %parallel_loop3A_468 = arith.constant 0 : index
        %parallel_loop3A_469 = tpu.vector_load %arg13[%parallel_loop3A_466, %parallel_loop3A_467, %parallel_loop3A_468] {strides = array<i32>} : memref<2x80x128xf32, #tpu.memory_space<vmem>>, vector<16xf32>,
        %parallel_loop3A_470 = arith.addf %parallel_loop3A_465, %parallel_loop3A_469 : vector<16xf32>
        %parallel_loop3A_471 = arith.constant 2.000000e-01 : f32
        %parallel_loop3A_472 = vector.broadcast %parallel_loop3A_471 : f32 to vector<16xf32>
        %parallel_loop3A_473 = arith.mulf %parallel_loop3A_472, %parallel_loop3A_470 : vector<16xf32>
        %parallel_loop3A_474 = arith.maximumf %parallel_loop3A_470, %parallel_loop3A_473 : vector<16xf32>
        %parallel_loop3A_475 = arith.mulf %parallel_loop3A_474, %get3A_170 : vector<16xf32>
        %parallel_loop3A_476 = arith.index_cast %and3A_368 : i32 to index
        %parallel_loop3A_477 = arith.index_cast %parallel_loop3A_461 : i32 to index
        %parallel_loop3A_478 = arith.constant 16 : index
        %parallel_loop3A_479 = tpu.vector_load %arg12[%parallel_loop3A_476, %parallel_loop3A_477, %parallel_loop3A_478] {strides = array<i32>} : memref<2x80x128xf32, #tpu.memory_space<vmem>>, vector<16xf32>,
        %parallel_loop3A_480 = arith.index_cast %and3A_368 : i32 to index
        %parallel_loop3A_481 = arith.index_cast %parallel_loop3A_461 : i32 to index
        %parallel_loop3A_482 = arith.constant 16 : index
        %parallel_loop3A_483 = tpu.vector_load %arg13[%parallel_loop3A_480, %parallel_loop3A_481, %parallel_loop3A_482] {strides = array<i32>} : memref<2x80x128xf32, #tpu.memory_space<vmem>>, vector<16xf32>,
        %parallel_loop3A_484 = arith.addf %parallel_loop3A_479, %parallel_loop3A_483 : vector<16xf32>
        %parallel_loop3A_485 = arith.constant 2.000000e-01 : f32
        %parallel_loop3A_486 = vector.broadcast %parallel_loop3A_485 : f32 to vector<16xf32>
        %parallel_loop3A_487 = arith.mulf %parallel_loop3A_486, %parallel_loop3A_484 : vector<16xf32>
        %parallel_loop3A_488 = arith.maximumf %parallel_loop3A_484, %parallel_loop3A_487 : vector<16xf32>
        %parallel_loop3A_489 = arith.mulf %parallel_loop3A_488, %get3A_172 : vector<16xf32>
        %parallel_loop3A_490 = arith.index_cast %and3A_368 : i32 to index
        %parallel_loop3A_491 = arith.index_cast %parallel_loop3A_461 : i32 to index
        %parallel_loop3A_492 = arith.constant 32 : index
        %parallel_loop3A_493 = tpu.vector_load %arg12[%parallel_loop3A_490, %parallel_loop3A_491, %parallel_loop3A_492] {strides = array<i32>} : memref<2x80x128xf32, #tpu.memory_space<vmem>>, vector<16xf32>,
        %parallel_loop3A_494 = arith.index_cast %and3A_368 : i32 to index
        %parallel_loop3A_495 = arith.index_cast %parallel_loop3A_461 : i32 to index
        %parallel_loop3A_496 = arith.constant 32 : index
        %parallel_loop3A_497 = tpu.vector_load %arg13[%parallel_loop3A_494, %parallel_loop3A_495, %parallel_loop3A_496] {strides = array<i32>} : memref<2x80x128xf32, #tpu.memory_space<vmem>>, vector<16xf32>,
        %parallel_loop3A_498 = arith.addf %parallel_loop3A_493, %parallel_loop3A_497 : vector<16xf32>
        %parallel_loop3A_499 = arith.constant 2.000000e-01 : f32
        %parallel_loop3A_500 = vector.broadcast %parallel_loop3A_499 : f32 to vector<16xf32>
        %parallel_loop3A_501 = arith.mulf %parallel_loop3A_500, %parallel_loop3A_498 : vector<16xf32>
        %parallel_loop3A_502 = arith.maximumf %parallel_loop3A_498, %parallel_loop3A_501 : vector<16xf32>
        %parallel_loop3A_503 = arith.mulf %parallel_loop3A_502, %get3A_174 : vector<16xf32>
        %parallel_loop3A_504 = arith.index_cast %and3A_368 : i32 to index
        %parallel_loop3A_505 = arith.index_cast %parallel_loop3A_461 : i32 to index
        %parallel_loop3A_506 = arith.constant 48 : index
        %parallel_loop3A_507 = tpu.vector_load %arg12[%parallel_loop3A_504, %parallel_loop3A_505, %parallel_loop3A_506] {strides = array<i32>} : memref<2x80x128xf32, #tpu.memory_space<vmem>>, vector<16xf32>,
        %parallel_loop3A_508 = arith.index_cast %and3A_368 : i32 to index
        %parallel_loop3A_509 = arith.index_cast %parallel_loop3A_461 : i32 to index
        %parallel_loop3A_510 = arith.constant 48 : index
        %parallel_loop3A_511 = tpu.vector_load %arg13[%parallel_loop3A_508, %parallel_loop3A_509, %parallel_loop3A_510] {strides = array<i32>} : memref<2x80x128xf32, #tpu.memory_space<vmem>>, vector<16xf32>,
        %parallel_loop3A_512 = arith.addf %parallel_loop3A_507, %parallel_loop3A_511 : vector<16xf32>
        %parallel_loop3A_513 = arith.constant 2.000000e-01 : f32
        %parallel_loop3A_514 = vector.broadcast %parallel_loop3A_513 : f32 to vector<16xf32>
        %parallel_loop3A_515 = arith.mulf %parallel_loop3A_514, %parallel_loop3A_512 : vector<16xf32>
        %parallel_loop3A_516 = arith.maximumf %parallel_loop3A_512, %parallel_loop3A_515 : vector<16xf32>
        %parallel_loop3A_517 = arith.mulf %parallel_loop3A_516, %get3A_176 : vector<16xf32>
        %parallel_loop3A_518 = arith.index_cast %and3A_368 : i32 to index
        %parallel_loop3A_519 = arith.index_cast %parallel_loop3A_461 : i32 to index
        %parallel_loop3A_520 = arith.constant 64 : index
        %parallel_loop3A_521 = tpu.vector_load %arg12[%parallel_loop3A_518, %parallel_loop3A_519, %parallel_loop3A_520] {strides = array<i32>} : memref<2x80x128xf32, #tpu.memory_space<vmem>>, vector<16xf32>,
        %parallel_loop3A_522 = arith.index_cast %and3A_368 : i32 to index
        %parallel_loop3A_523 = arith.index_cast %parallel_loop3A_461 : i32 to index
        %parallel_loop3A_524 = arith.constant 64 : index
        %parallel_loop3A_525 = tpu.vector_load %arg13[%parallel_loop3A_522, %parallel_loop3A_523, %parallel_loop3A_524] {strides = array<i32>} : memref<2x80x128xf32, #tpu.memory_space<vmem>>, vector<16xf32>,
        %parallel_loop3A_526 = arith.addf %parallel_loop3A_521, %parallel_loop3A_525 : vector<16xf32>
        %parallel_loop3A_527 = arith.constant 2.000000e-01 : f32
        %parallel_loop3A_528 = vector.broadcast %parallel_loop3A_527 : f32 to vector<16xf32>
        %parallel_loop3A_529 = arith.mulf %parallel_loop3A_528, %parallel_loop3A_526 : vector<16xf32>
        %parallel_loop3A_530 = arith.maximumf %parallel_loop3A_526, %parallel_loop3A_529 : vector<16xf32>
        %parallel_loop3A_531 = arith.mulf %parallel_loop3A_530, %get3A_178 : vector<16xf32>
        %parallel_loop3A_532 = arith.index_cast %and3A_368 : i32 to index
        %parallel_loop3A_533 = arith.index_cast %parallel_loop3A_461 : i32 to index
        %parallel_loop3A_534 = arith.constant 80 : index
        %parallel_loop3A_535 = tpu.vector_load %arg12[%parallel_loop3A_532, %parallel_loop3A_533, %parallel_loop3A_534] {strides = array<i32>} : memref<2x80x128xf32, #tpu.memory_space<vmem>>, vector<16xf32>,
        %parallel_loop3A_536 = arith.index_cast %and3A_368 : i32 to index
        %parallel_loop3A_537 = arith.index_cast %parallel_loop3A_461 : i32 to index
        %parallel_loop3A_538 = arith.constant 80 : index
        %parallel_loop3A_539 = tpu.vector_load %arg13[%parallel_loop3A_536, %parallel_loop3A_537, %parallel_loop3A_538] {strides = array<i32>} : memref<2x80x128xf32, #tpu.memory_space<vmem>>, vector<16xf32>,
        %parallel_loop3A_540 = arith.addf %parallel_loop3A_535, %parallel_loop3A_539 : vector<16xf32>
        %parallel_loop3A_541 = arith.constant 2.000000e-01 : f32
        %parallel_loop3A_542 = vector.broadcast %parallel_loop3A_541 : f32 to vector<16xf32>
        %parallel_loop3A_543 = arith.mulf %parallel_loop3A_542, %parallel_loop3A_540 : vector<16xf32>
        %parallel_loop3A_544 = arith.maximumf %parallel_loop3A_540, %parallel_loop3A_543 : vector<16xf32>
        %parallel_loop3A_545 = arith.mulf %parallel_loop3A_544, %get3A_180 : vector<16xf32>
        %parallel_loop3A_546 = arith.index_cast %and3A_368 : i32 to index
        %parallel_loop3A_547 = arith.index_cast %parallel_loop3A_461 : i32 to index
        %parallel_loop3A_548 = arith.constant 96 : index
        %parallel_loop3A_549 = tpu.vector_load %arg12[%parallel_loop3A_546, %parallel_loop3A_547, %parallel_loop3A_548] {strides = array<i32>} : memref<2x80x128xf32, #tpu.memory_space<vmem>>, vector<16xf32>,
        %parallel_loop3A_550 = arith.index_cast %and3A_368 : i32 to index
        %parallel_loop3A_551 = arith.index_cast %parallel_loop3A_461 : i32 to index
        %parallel_loop3A_552 = arith.constant 96 : index
        %parallel_loop3A_553 = tpu.vector_load %arg13[%parallel_loop3A_550, %parallel_loop3A_551, %parallel_loop3A_552] {strides = array<i32>} : memref<2x80x128xf32, #tpu.memory_space<vmem>>, vector<16xf32>,
        %parallel_loop3A_554 = arith.addf %parallel_loop3A_549, %parallel_loop3A_553 : vector<16xf32>
        %parallel_loop3A_555 = arith.constant 2.000000e-01 : f32
        %parallel_loop3A_556 = vector.broadcast %parallel_loop3A_555 : f32 to vector<16xf32>
        %parallel_loop3A_557 = arith.mulf %parallel_loop3A_556, %parallel_loop3A_554 : vector<16xf32>
        %parallel_loop3A_558 = arith.maximumf %parallel_loop3A_554, %parallel_loop3A_557 : vector<16xf32>
        %parallel_loop3A_559 = arith.mulf %parallel_loop3A_558, %get3A_182 : vector<16xf32>
        %parallel_loop3A_560 = arith.index_cast %and3A_368 : i32 to index
        %parallel_loop3A_561 = arith.index_cast %parallel_loop3A_461 : i32 to index
        %parallel_loop3A_562 = arith.constant 112 : index
        %parallel_loop3A_563 = tpu.vector_load %arg12[%parallel_loop3A_560, %parallel_loop3A_561, %parallel_loop3A_562] {strides = array<i32>} : memref<2x80x128xf32, #tpu.memory_space<vmem>>, vector<16xf32>,
        %parallel_loop3A_564 = arith.index_cast %and3A_368 : i32 to index
        %parallel_loop3A_565 = arith.index_cast %parallel_loop3A_461 : i32 to index
        %parallel_loop3A_566 = arith.constant 112 : index
        %parallel_loop3A_567 = tpu.vector_load %arg13[%parallel_loop3A_564, %parallel_loop3A_565, %parallel_loop3A_566] {strides = array<i32>} : memref<2x80x128xf32, #tpu.memory_space<vmem>>, vector<16xf32>,
        %parallel_loop3A_568 = arith.addf %parallel_loop3A_563, %parallel_loop3A_567 : vector<16xf32>
        %parallel_loop3A_569 = arith.constant 2.000000e-01 : f32
        %parallel_loop3A_570 = vector.broadcast %parallel_loop3A_569 : f32 to vector<16xf32>
        %parallel_loop3A_571 = arith.mulf %parallel_loop3A_570, %parallel_loop3A_568 : vector<16xf32>
        %parallel_loop3A_572 = arith.maximumf %parallel_loop3A_568, %parallel_loop3A_571 : vector<16xf32>
        %parallel_loop3A_573 = arith.mulf %parallel_loop3A_572, %get3A_184 : vector<16xf32>
        %parallel_loop3A_574 = arith.addf %parallel_loop3A_475, %parallel_loop3A_489 : vector<16xf32>
        %parallel_loop3A_575 = arith.addf %parallel_loop3A_503, %parallel_loop3A_517 : vector<16xf32>
        %parallel_loop3A_576 = arith.addf %parallel_loop3A_574, %parallel_loop3A_575 : vector<16xf32>
        %parallel_loop3A_577 = arith.addf %parallel_loop3A_531, %parallel_loop3A_545 : vector<16xf32>
        %parallel_loop3A_578 = arith.addf %parallel_loop3A_559, %parallel_loop3A_573 : vector<16xf32>
        %parallel_loop3A_579 = arith.addf %parallel_loop3A_577, %parallel_loop3A_578 : vector<16xf32>
        %parallel_loop3A_580 = arith.addf %parallel_loop3A_576, %parallel_loop3A_579 : vector<16xf32>
        %parallel_loop3A_581 = arith.constant true
        %parallel_loop3A_582 = vector.broadcast %parallel_loop3A_581 : i1 to vector<16xi1>
        %parallel_loop3A_583 = tpu.scan <sum>, %parallel_loop3A_580 masked %parallel_loop3A_582 : vector<16xf32>, vector<16xi1> -> vector<16xf32>
        %parallel_loop3A_584 = arith.constant 15 : i32
        %parallel_loop3A_585 = vector.broadcast %parallel_loop3A_584 : i32 to vector<16xi32>
        %parallel_loop3A_586 = tpu.iota {dimensions = array<i32: 0>} : vector<16xi32>
        %parallel_loop3A_587 = arith.subi %parallel_loop3A_585, %parallel_loop3A_586 : vector<16xi32>
        %parallel_loop3A_588 = tpu.dynamic_gather %parallel_loop3A_580[%parallel_loop3A_587] in [0] : vector<16xf32>, vector<16xi32> -> vector<16xf32>
        %parallel_loop3A_589 = arith.constant true
        %parallel_loop3A_590 = vector.broadcast %parallel_loop3A_589 : i1 to vector<16xi1>
        %parallel_loop3A_591 = tpu.scan <sum>, %parallel_loop3A_588 masked %parallel_loop3A_590 : vector<16xf32>, vector<16xi1> -> vector<16xf32>
        %parallel_loop3A_592 = arith.constant 15 : i32
        %parallel_loop3A_593 = vector.broadcast %parallel_loop3A_592 : i32 to vector<16xi32>
        %parallel_loop3A_594 = tpu.iota {dimensions = array<i32: 0>} : vector<16xi32>
        %parallel_loop3A_595 = arith.subi %parallel_loop3A_593, %parallel_loop3A_594 : vector<16xi32>
        %parallel_loop3A_596 = tpu.dynamic_gather %parallel_loop3A_591[%parallel_loop3A_595] in [0] : vector<16xf32>, vector<16xi32> -> vector<16xf32>
        %parallel_loop3A_597 = arith.addf %parallel_loop3A_583, %parallel_loop3A_596 : vector<16xf32>
        %parallel_loop3A_598 = arith.subf %parallel_loop3A_597, %parallel_loop3A_580 : vector<16xf32>
        %parallel_loop3A_599 = arith.subf %parallel_loop3A_598, %add3A_168 : vector<16xf32>
        %parallel_loop3A_600 = math.exp %parallel_loop3A_599 : vector<16xf32>
        %parallel_loop3A_601 = arith.constant 16 : i32
        %parallel_loop3A_602 = arith.muli %parallel_loop3A_461, %parallel_loop3A_601 : i32
        %parallel_loop3A_603 = arith.index_cast %and3A_368 : i32 to index
        %parallel_loop3A_604 = arith.index_cast %parallel_loop3A_602 : i32 to index
        %parallel_loop3A_605 = tpu.vector_load %arg15[%parallel_loop3A_603, %parallel_loop3A_604] {strides = array<i32>} : memref<2x1280xf32, #tpu.memory_space<vmem>>, vector<16xf32>,
        tpu.vector_store %arg15[%parallel_loop3A_603, %parallel_loop3A_604], %parallel_loop3A_600 {strides = array<i32>} : memref<2x1280xf32, #tpu.memory_space<vmem>>, vector<16xf32>,
      } {sc.loop_unroll_factor = 4 : i64, sc.parallel_access}
      %broadcast_in_dim3A_371 = vector.broadcast %and3A_368 : i32 to vector<16xi32>
      %mul3A_372 = arith.constant 17 : i32
      %mul3A_373 = vector.broadcast %mul3A_372 : i32 to vector<16xi32>
      %mul3A_374 = arith.muli %iota3A, %mul3A_373 : vector<16xi32>
      %add3A_375 = arith.constant 0 : i32
      %add3A_376 = vector.broadcast %add3A_375 : i32 to vector<16xi32>
      %add3A_377 = arith.addi %mul3A_374, %add3A_376 : vector<16xi32>
      %gather3A = tpu.vector_load_idx %arg15[%broadcast_in_dim3A_371, %add3A_377] : memref<2x1280xf32, #tpu.memory_space<vmem>>[vector<16xi32>, vector<16xi32>], vector<16xf32>,
      %swap3A_378 = arith.index_cast %and3A_368 : i32 to index
      %swap3A_379 = arith.constant 0 : index
      %swap3A_380 = tpu.vector_load %arg14[%swap3A_378, %swap3A_379] {strides = array<i32>} : memref<2x80xf32, #tpu.memory_space<vmem>>, vector<16xf32>,
      tpu.vector_store %arg14[%swap3A_378, %swap3A_379], %gather3A {strides = array<i32>} : memref<2x80xf32, #tpu.memory_space<vmem>>, vector<16xf32>,
      %mul3A_381 = arith.constant 17 : i32
      %mul3A_382 = vector.broadcast %mul3A_381 : i32 to vector<16xi32>
      %mul3A_383 = arith.muli %iota3A, %mul3A_382 : vector<16xi32>
      %add3A_384 = arith.constant 256 : i32
      %add3A_385 = vector.broadcast %add3A_384 : i32 to vector<16xi32>
      %add3A_386 = arith.addi %mul3A_383, %add3A_385 : vector<16xi32>
      %gather3A_387 = tpu.vector_load_idx %arg15[%broadcast_in_dim3A_371, %add3A_386] : memref<2x1280xf32, #tpu.memory_space<vmem>>[vector<16xi32>, vector<16xi32>], vector<16xf32>,
      %swap3A_388 = arith.index_cast %and3A_368 : i32 to index
      %swap3A_389 = arith.constant 16 : index
      %swap3A_390 = tpu.vector_load %arg14[%swap3A_388, %swap3A_389] {strides = array<i32>} : memref<2x80xf32, #tpu.memory_space<vmem>>, vector<16xf32>,
      tpu.vector_store %arg14[%swap3A_388, %swap3A_389], %gather3A_387 {strides = array<i32>} : memref<2x80xf32, #tpu.memory_space<vmem>>, vector<16xf32>,
      %mul3A_391 = arith.constant 17 : i32
      %mul3A_392 = vector.broadcast %mul3A_391 : i32 to vector<16xi32>
      %mul3A_393 = arith.muli %iota3A, %mul3A_392 : vector<16xi32>
      %add3A_394 = arith.constant 512 : i32
      %add3A_395 = vector.broadcast %add3A_394 : i32 to vector<16xi32>
      %add3A_396 = arith.addi %mul3A_393, %add3A_395 : vector<16xi32>
      %gather3A_397 = tpu.vector_load_idx %arg15[%broadcast_in_dim3A_371, %add3A_396] : memref<2x1280xf32, #tpu.memory_space<vmem>>[vector<16xi32>, vector<16xi32>], vector<16xf32>,
      %swap3A_398 = arith.index_cast %and3A_368 : i32 to index
      %swap3A_399 = arith.constant 32 : index
      %swap3A_400 = tpu.vector_load %arg14[%swap3A_398, %swap3A_399] {strides = array<i32>} : memref<2x80xf32, #tpu.memory_space<vmem>>, vector<16xf32>,
      tpu.vector_store %arg14[%swap3A_398, %swap3A_399], %gather3A_397 {strides = array<i32>} : memref<2x80xf32, #tpu.memory_space<vmem>>, vector<16xf32>,
      %mul3A_401 = arith.constant 17 : i32
      %mul3A_402 = vector.broadcast %mul3A_401 : i32 to vector<16xi32>
      %mul3A_403 = arith.muli %iota3A, %mul3A_402 : vector<16xi32>
      %add3A_404 = arith.constant 768 : i32
      %add3A_405 = vector.broadcast %add3A_404 : i32 to vector<16xi32>
      %add3A_406 = arith.addi %mul3A_403, %add3A_405 : vector<16xi32>
      %gather3A_407 = tpu.vector_load_idx %arg15[%broadcast_in_dim3A_371, %add3A_406] : memref<2x1280xf32, #tpu.memory_space<vmem>>[vector<16xi32>, vector<16xi32>], vector<16xf32>,
      %swap3A_408 = arith.index_cast %and3A_368 : i32 to index
      %swap3A_409 = arith.constant 48 : index
      %swap3A_410 = tpu.vector_load %arg14[%swap3A_408, %swap3A_409] {strides = array<i32>} : memref<2x80xf32, #tpu.memory_space<vmem>>, vector<16xf32>,
      tpu.vector_store %arg14[%swap3A_408, %swap3A_409], %gather3A_407 {strides = array<i32>} : memref<2x80xf32, #tpu.memory_space<vmem>>, vector<16xf32>,
      %mul3A_411 = arith.constant 17 : i32
      %mul3A_412 = vector.broadcast %mul3A_411 : i32 to vector<16xi32>
      %mul3A_413 = arith.muli %iota3A, %mul3A_412 : vector<16xi32>
      %add3A_414 = arith.constant 1024 : i32
      %add3A_415 = vector.broadcast %add3A_414 : i32 to vector<16xi32>
      %add3A_416 = arith.addi %mul3A_413, %add3A_415 : vector<16xi32>
      %gather3A_417 = tpu.vector_load_idx %arg15[%broadcast_in_dim3A_371, %add3A_416] : memref<2x1280xf32, #tpu.memory_space<vmem>>[vector<16xi32>, vector<16xi32>], vector<16xf32>,
      %swap3A_418 = arith.index_cast %and3A_368 : i32 to index
      %swap3A_419 = arith.constant 64 : index
      %swap3A_420 = tpu.vector_load %arg14[%swap3A_418, %swap3A_419] {strides = array<i32>} : memref<2x80xf32, #tpu.memory_space<vmem>>, vector<16xf32>,
      tpu.vector_store %arg14[%swap3A_418, %swap3A_419], %gather3A_417 {strides = array<i32>} : memref<2x80xf32, #tpu.memory_space<vmem>>, vector<16xf32>,
      %parallel_loop3A_421 = arith.constant 0 : i32
      %parallel_loop3A_422 = arith.constant 80 : i32
      %parallel_loop3A_423 = arith.constant 1 : i32
      scf.for %parallel_loop3A_461 = %parallel_loop3A_421 to %parallel_loop3A_422 step %parallel_loop3A_423  : i32 {
        %parallel_loop3A_462 = arith.constant 16 : i32
        %parallel_loop3A_463 = arith.muli %parallel_loop3A_461, %parallel_loop3A_462 : i32
        %parallel_loop3A_464 = arith.index_cast %and3A_368 : i32 to index
        %parallel_loop3A_465 = arith.index_cast %parallel_loop3A_463 : i32 to index
        %parallel_loop3A_466 = tpu.vector_load %arg15[%parallel_loop3A_464, %parallel_loop3A_465] {strides = array<i32>} : memref<2x1280xf32, #tpu.memory_space<vmem>>, vector<16xf32>,
        %parallel_loop3A_467 = arith.index_cast %and3A_368 : i32 to index
        %parallel_loop3A_468 = arith.index_cast %parallel_loop3A_461 : i32 to index
        %parallel_loop3A_469 = arith.constant 0 : index
        %parallel_loop3A_470 = tpu.vector_load %arg12[%parallel_loop3A_467, %parallel_loop3A_468, %parallel_loop3A_469] {strides = array<i32>} : memref<2x80x128xf32, #tpu.memory_space<vmem>>, vector<16xf32>,
        %parallel_loop3A_471 = arith.mulf %parallel_loop3A_470, %parallel_loop3A_466 : vector<16xf32>
        %parallel_loop3A_472 = arith.index_cast %and3A_368 : i32 to index
        %parallel_loop3A_473 = arith.index_cast %parallel_loop3A_461 : i32 to index
        %parallel_loop3A_474 = arith.constant 0 : index
        %parallel_loop3A_475 = tpu.vector_load %arg13[%parallel_loop3A_472, %parallel_loop3A_473, %parallel_loop3A_474] {strides = array<i32>} : memref<2x80x128xf32, #tpu.memory_space<vmem>>, vector<16xf32>,
        tpu.vector_store %arg13[%parallel_loop3A_472, %parallel_loop3A_473, %parallel_loop3A_474], %parallel_loop3A_471 {strides = array<i32>} : memref<2x80x128xf32, #tpu.memory_space<vmem>>, vector<16xf32>,
        %parallel_loop3A_476 = arith.index_cast %and3A_368 : i32 to index
        %parallel_loop3A_477 = arith.index_cast %parallel_loop3A_461 : i32 to index
        %parallel_loop3A_478 = arith.constant 16 : index
        %parallel_loop3A_479 = tpu.vector_load %arg12[%parallel_loop3A_476, %parallel_loop3A_477, %parallel_loop3A_478] {strides = array<i32>} : memref<2x80x128xf32, #tpu.memory_space<vmem>>, vector<16xf32>,
        %parallel_loop3A_480 = arith.mulf %parallel_loop3A_479, %parallel_loop3A_466 : vector<16xf32>
        %parallel_loop3A_481 = arith.index_cast %and3A_368 : i32 to index
        %parallel_loop3A_482 = arith.index_cast %parallel_loop3A_461 : i32 to index
        %parallel_loop3A_483 = arith.constant 16 : index
        %parallel_loop3A_484 = tpu.vector_load %arg13[%parallel_loop3A_481, %parallel_loop3A_482, %parallel_loop3A_483] {strides = array<i32>} : memref<2x80x128xf32, #tpu.memory_space<vmem>>, vector<16xf32>,
        tpu.vector_store %arg13[%parallel_loop3A_481, %parallel_loop3A_482, %parallel_loop3A_483], %parallel_loop3A_480 {strides = array<i32>} : memref<2x80x128xf32, #tpu.memory_space<vmem>>, vector<16xf32>,
        %parallel_loop3A_485 = arith.index_cast %and3A_368 : i32 to index
        %parallel_loop3A_486 = arith.index_cast %parallel_loop3A_461 : i32 to index
        %parallel_loop3A_487 = arith.constant 32 : index
        %parallel_loop3A_488 = tpu.vector_load %arg12[%parallel_loop3A_485, %parallel_loop3A_486, %parallel_loop3A_487] {strides = array<i32>} : memref<2x80x128xf32, #tpu.memory_space<vmem>>, vector<16xf32>,
        %parallel_loop3A_489 = arith.mulf %parallel_loop3A_488, %parallel_loop3A_466 : vector<16xf32>
        %parallel_loop3A_490 = arith.index_cast %and3A_368 : i32 to index
        %parallel_loop3A_491 = arith.index_cast %parallel_loop3A_461 : i32 to index
        %parallel_loop3A_492 = arith.constant 32 : index
        %parallel_loop3A_493 = tpu.vector_load %arg13[%parallel_loop3A_490, %parallel_loop3A_491, %parallel_loop3A_492] {strides = array<i32>} : memref<2x80x128xf32, #tpu.memory_space<vmem>>, vector<16xf32>,
        tpu.vector_store %arg13[%parallel_loop3A_490, %parallel_loop3A_491, %parallel_loop3A_492], %parallel_loop3A_489 {strides = array<i32>} : memref<2x80x128xf32, #tpu.memory_space<vmem>>, vector<16xf32>,
        %parallel_loop3A_494 = arith.index_cast %and3A_368 : i32 to index
        %parallel_loop3A_495 = arith.index_cast %parallel_loop3A_461 : i32 to index
        %parallel_loop3A_496 = arith.constant 48 : index
        %parallel_loop3A_497 = tpu.vector_load %arg12[%parallel_loop3A_494, %parallel_loop3A_495, %parallel_loop3A_496] {strides = array<i32>} : memref<2x80x128xf32, #tpu.memory_space<vmem>>, vector<16xf32>,
        %parallel_loop3A_498 = arith.mulf %parallel_loop3A_497, %parallel_loop3A_466 : vector<16xf32>
        %parallel_loop3A_499 = arith.index_cast %and3A_368 : i32 to index
        %parallel_loop3A_500 = arith.index_cast %parallel_loop3A_461 : i32 to index
        %parallel_loop3A_501 = arith.constant 48 : index
        %parallel_loop3A_502 = tpu.vector_load %arg13[%parallel_loop3A_499, %parallel_loop3A_500, %parallel_loop3A_501] {strides = array<i32>} : memref<2x80x128xf32, #tpu.memory_space<vmem>>, vector<16xf32>,
        tpu.vector_store %arg13[%parallel_loop3A_499, %parallel_loop3A_500, %parallel_loop3A_501], %parallel_loop3A_498 {strides = array<i32>} : memref<2x80x128xf32, #tpu.memory_space<vmem>>, vector<16xf32>,
        %parallel_loop3A_503 = arith.index_cast %and3A_368 : i32 to index
        %parallel_loop3A_504 = arith.index_cast %parallel_loop3A_461 : i32 to index
        %parallel_loop3A_505 = arith.constant 64 : index
        %parallel_loop3A_506 = tpu.vector_load %arg12[%parallel_loop3A_503, %parallel_loop3A_504, %parallel_loop3A_505] {strides = array<i32>} : memref<2x80x128xf32, #tpu.memory_space<vmem>>, vector<16xf32>,
        %parallel_loop3A_507 = arith.mulf %parallel_loop3A_506, %parallel_loop3A_466 : vector<16xf32>
        %parallel_loop3A_508 = arith.index_cast %and3A_368 : i32 to index
        %parallel_loop3A_509 = arith.index_cast %parallel_loop3A_461 : i32 to index
        %parallel_loop3A_510 = arith.constant 64 : index
        %parallel_loop3A_511 = tpu.vector_load %arg13[%parallel_loop3A_508, %parallel_loop3A_509, %parallel_loop3A_510] {strides = array<i32>} : memref<2x80x128xf32, #tpu.memory_space<vmem>>, vector<16xf32>,
        tpu.vector_store %arg13[%parallel_loop3A_508, %parallel_loop3A_509, %parallel_loop3A_510], %parallel_loop3A_507 {strides = array<i32>} : memref<2x80x128xf32, #tpu.memory_space<vmem>>, vector<16xf32>,
        %parallel_loop3A_512 = arith.index_cast %and3A_368 : i32 to index
        %parallel_loop3A_513 = arith.index_cast %parallel_loop3A_461 : i32 to index
        %parallel_loop3A_514 = arith.constant 80 : index
        %parallel_loop3A_515 = tpu.vector_load %arg12[%parallel_loop3A_512, %parallel_loop3A_513, %parallel_loop3A_514] {strides = array<i32>} : memref<2x80x128xf32, #tpu.memory_space<vmem>>, vector<16xf32>,
        %parallel_loop3A_516 = arith.mulf %parallel_loop3A_515, %parallel_loop3A_466 : vector<16xf32>
        %parallel_loop3A_517 = arith.index_cast %and3A_368 : i32 to index
        %parallel_loop3A_518 = arith.index_cast %parallel_loop3A_461 : i32 to index
        %parallel_loop3A_519 = arith.constant 80 : index
        %parallel_loop3A_520 = tpu.vector_load %arg13[%parallel_loop3A_517, %parallel_loop3A_518, %parallel_loop3A_519] {strides = array<i32>} : memref<2x80x128xf32, #tpu.memory_space<vmem>>, vector<16xf32>,
        tpu.vector_store %arg13[%parallel_loop3A_517, %parallel_loop3A_518, %parallel_loop3A_519], %parallel_loop3A_516 {strides = array<i32>} : memref<2x80x128xf32, #tpu.memory_space<vmem>>, vector<16xf32>,
        %parallel_loop3A_521 = arith.index_cast %and3A_368 : i32 to index
        %parallel_loop3A_522 = arith.index_cast %parallel_loop3A_461 : i32 to index
        %parallel_loop3A_523 = arith.constant 96 : index
        %parallel_loop3A_524 = tpu.vector_load %arg12[%parallel_loop3A_521, %parallel_loop3A_522, %parallel_loop3A_523] {strides = array<i32>} : memref<2x80x128xf32, #tpu.memory_space<vmem>>, vector<16xf32>,
        %parallel_loop3A_525 = arith.mulf %parallel_loop3A_524, %parallel_loop3A_466 : vector<16xf32>
        %parallel_loop3A_526 = arith.index_cast %and3A_368 : i32 to index
        %parallel_loop3A_527 = arith.index_cast %parallel_loop3A_461 : i32 to index
        %parallel_loop3A_528 = arith.constant 96 : index
        %parallel_loop3A_529 = tpu.vector_load %arg13[%parallel_loop3A_526, %parallel_loop3A_527, %parallel_loop3A_528] {strides = array<i32>} : memref<2x80x128xf32, #tpu.memory_space<vmem>>, vector<16xf32>,
        tpu.vector_store %arg13[%parallel_loop3A_526, %parallel_loop3A_527, %parallel_loop3A_528], %parallel_loop3A_525 {strides = array<i32>} : memref<2x80x128xf32, #tpu.memory_space<vmem>>, vector<16xf32>,
        %parallel_loop3A_530 = arith.index_cast %and3A_368 : i32 to index
        %parallel_loop3A_531 = arith.index_cast %parallel_loop3A_461 : i32 to index
        %parallel_loop3A_532 = arith.constant 112 : index
        %parallel_loop3A_533 = tpu.vector_load %arg12[%parallel_loop3A_530, %parallel_loop3A_531, %parallel_loop3A_532] {strides = array<i32>} : memref<2x80x128xf32, #tpu.memory_space<vmem>>, vector<16xf32>,
        %parallel_loop3A_534 = arith.mulf %parallel_loop3A_533, %parallel_loop3A_466 : vector<16xf32>
        %parallel_loop3A_535 = arith.index_cast %and3A_368 : i32 to index
        %parallel_loop3A_536 = arith.index_cast %parallel_loop3A_461 : i32 to index
        %parallel_loop3A_537 = arith.constant 112 : index
        %parallel_loop3A_538 = tpu.vector_load %arg13[%parallel_loop3A_535, %parallel_loop3A_536, %parallel_loop3A_537] {strides = array<i32>} : memref<2x80x128xf32, #tpu.memory_space<vmem>>, vector<16xf32>,
        tpu.vector_store %arg13[%parallel_loop3A_535, %parallel_loop3A_536, %parallel_loop3A_537], %parallel_loop3A_534 {strides = array<i32>} : memref<2x80x128xf32, #tpu.memory_space<vmem>>, vector<16xf32>,
      } {sc.loop_unroll_factor = 4 : i64, sc.parallel_access}
      %add3A_424 = arith.constant 2 : i32
      %add3A_425 = arith.addi %scan3A_324, %add3A_424 : i32
      %lt3A_426 = arith.constant 125 : i32
      %lt3A_427 = arith.cmpi slt, %add3A_425, %lt3A_426 : i32
      %convert_element_type3A_428 = arith.extui %lt3A_427 : i1 to i32
      %cond3A_429 = arith.constant 0 : i32
      %cond3A_430 = arith.cmpi ne, %convert_element_type3A_428, %cond3A_429 : i32
      scf.if %cond3A_430 {
        %add3A_461 = arith.constant 2 : i32
        %add3A_462 = arith.addi %scan3A_324, %add3A_461 : i32
        %and3A_463 = arith.constant 3 : i32
        %and3A_464 = arith.andi %add3A_462, %and3A_463 : i32
        %and3A_465 = arith.constant 3 : i32
        %and3A_466 = arith.andi %add3A_462, %and3A_465 : i32
        %dma_start3A_467 = arith.constant 0 : i32
        %dma_start3A_468 = arith.constant 0 : i32
        %dma_start3A_469 = tpu.memref_slice %arg11[%and3A_464, %dma_start3A_467, %dma_start3A_468] : memref<4x2x80xi32, #tpu.memory_space<vmem>> -> memref<1x2x80xi32, #tpu.memory_space<vmem>>
        %dma_start3A_470 = tpu.memref_squeeze %dma_start3A_469 : memref<1x2x80xi32, #tpu.memory_space<vmem>> -> memref<2x80xi32, #tpu.memory_space<vmem>>
        %dma_start3A_471 = arith.constant 0 : i32
        %dma_start3A_472 = arith.constant 0 : i32
        %dma_start3A_473 = tpu.memref_slice %arg4[%add3A, %add3A_462, %dma_start3A_471, %dma_start3A_472] : memref<32x125x2x80xi32, #tpu.memory_space<hbm>> -> memref<1x1x2x80xi32, #tpu.memory_space<hbm>>
        %dma_start3A_474 = tpu.memref_squeeze %dma_start3A_473 : memref<1x1x2x80xi32, #tpu.memory_space<hbm>> -> memref<2x80xi32, #tpu.memory_space<hbm>>
        %dma_start3A_475 = tpu.memref_slice %arg22[%and3A_466] : memref<4x!tpu.dma_semaphore, #tpu.memory_space<semaphore_mem>> -> memref<1x!tpu.dma_semaphore, #tpu.memory_space<semaphore_mem>>
        %dma_start3A_476 = tpu.memref_squeeze %dma_start3A_475 : memref<1x!tpu.dma_semaphore, #tpu.memory_space<semaphore_mem>> -> memref<!tpu.dma_semaphore, #tpu.memory_space<semaphore_mem>>
        %dma_start3A_477 = arith.constant 0 : i32
        %dma_start3A_478 = arith.constant 0 : i32
        %dma_start3A_479 = tpu.memref_slice %arg11[%and3A_464, %dma_start3A_477, %dma_start3A_478] : memref<4x2x80xi32, #tpu.memory_space<vmem>> -> memref<1x2x80xi32, #tpu.memory_space<vmem>>
        %dma_start3A_480 = tpu.memref_squeeze %dma_start3A_479 : memref<1x2x80xi32, #tpu.memory_space<vmem>> -> memref<2x80xi32, #tpu.memory_space<vmem>>
        %dma_start3A_481 = arith.constant 0 : i32
        %dma_start3A_482 = arith.constant 0 : i32
        %dma_start3A_483 = tpu.memref_slice %arg4[%add3A, %add3A_462, %dma_start3A_481, %dma_start3A_482] : memref<32x125x2x80xi32, #tpu.memory_space<hbm>> -> memref<1x1x2x80xi32, #tpu.memory_space<hbm>>
        %dma_start3A_484 = tpu.memref_squeeze %dma_start3A_483 : memref<1x1x2x80xi32, #tpu.memory_space<hbm>> -> memref<2x80xi32, #tpu.memory_space<hbm>>
        tpu.enqueue_dma source(%dma_start3A_484 : memref<2x80xi32, #tpu.memory_space<hbm>>) target(%dma_start3A_480 : memref<2x80xi32, #tpu.memory_space<vmem>>) target_semaphore(%dma_start3A_476 : memref<!tpu.dma_semaphore, #tpu.memory_space<semaphore_mem>>)
      } else {
      }
      %and3A_431 = arith.constant 1 : i32
      %and3A_432 = arith.andi %scan3A_324, %and3A_431 : i32
      %and3A_433 = arith.constant 3 : i32
      %and3A_434 = arith.andi %scan3A_324, %and3A_433 : i32
      %dma_start3A_435 = arith.constant 1 : i32
      %dma_start3A_436 = arith.constant 0 : i32
      %dma_start3A_437 = arith.constant 0 : i32
      %dma_start3A_438 = tpu.memref_slice %arg13[%and3A_432, %dma_start3A_436, %dma_start3A_437] : memref<2x80x128xf32, #tpu.memory_space<vmem>> -> memref<1x80x128xf32, #tpu.memory_space<vmem>>
      %dma_start3A_439 = tpu.memref_squeeze %dma_start3A_438 : memref<1x80x128xf32, #tpu.memory_space<vmem>> -> memref<80x128xf32, #tpu.memory_space<vmem>>
      %dma_start3A_440 = arith.constant 0 : i32
      %dma_start3A_441 = tpu.memref_slice %arg11[%and3A_434, %dma_start3A_435, %dma_start3A_440] : memref<4x2x80xi32, #tpu.memory_space<vmem>> -> memref<1x1x80xi32, #tpu.memory_space<vmem>>
      %dma_start3A_442 = tpu.memref_squeeze %dma_start3A_441 : memref<1x1x80xi32, #tpu.memory_space<vmem>> -> memref<80xi32, #tpu.memory_space<vmem>>
      %dma_start3A_443 = arith.constant 0 : i32
      %dma_start3A_444 = arith.constant 0 : i32
      %dma_start3A_445 = tpu.memref_slice %arg20[%dma_start3A_443, %dma_start3A_444] : memref<10000x128xf32, #tpu.memory_space<vmem_shared>> -> memref<10000x128xf32, #tpu.memory_space<vmem_shared>>
      %dma_start3A_446 = tpu.memref_slice %arg25[%and3A_432] : memref<2x!tpu.dma_semaphore, #tpu.memory_space<semaphore_mem>> -> memref<1x!tpu.dma_semaphore, #tpu.memory_space<semaphore_mem>>
      %dma_start3A_447 = tpu.memref_squeeze %dma_start3A_446 : memref<1x!tpu.dma_semaphore, #tpu.memory_space<semaphore_mem>> -> memref<!tpu.dma_semaphore, #tpu.memory_space<semaphore_mem>>
      tpu.enqueue_indirect_dma source(%dma_start3A_439 : memref<80x128xf32, #tpu.memory_space<vmem>>) target(%dma_start3A_445 : memref<10000x128xf32, #tpu.memory_space<vmem_shared>>) offsets(%dma_start3A_442 : memref<80xi32, #tpu.memory_space<vmem>>) semaphore(%dma_start3A_447 : memref<!tpu.dma_semaphore, #tpu.memory_space<semaphore_mem>>) {add = true}
      %and3A_448 = arith.constant 3 : i32
      %and3A_449 = arith.andi %scan3A_324, %and3A_448 : i32
      %dma_start3A_450 = arith.constant 1 : i32
      %dma_start3A_451 = arith.constant 0 : i32
      %dma_start3A_452 = tpu.memref_slice %arg14[%and3A_432, %dma_start3A_451] : memref<2x80xf32, #tpu.memory_space<vmem>> -> memref<1x80xf32, #tpu.memory_space<vmem>>
      %dma_start3A_453 = tpu.memref_squeeze %dma_start3A_452 : memref<1x80xf32, #tpu.memory_space<vmem>> -> memref<80xf32, #tpu.memory_space<vmem>>
      %dma_start3A_454 = arith.constant 0 : i32
      %dma_start3A_455 = tpu.memref_slice %arg11[%and3A_449, %dma_start3A_450, %dma_start3A_454] : memref<4x2x80xi32, #tpu.memory_space<vmem>> -> memref<1x1x80xi32, #tpu.memory_space<vmem>>
      %dma_start3A_456 = tpu.memref_squeeze %dma_start3A_455 : memref<1x1x80xi32, #tpu.memory_space<vmem>> -> memref<80xi32, #tpu.memory_space<vmem>>
      %dma_start3A_457 = arith.constant 0 : i32
      %dma_start3A_458 = tpu.memref_slice %arg21[%dma_start3A_457] : memref<10000xf32, #tpu.memory_space<vmem_shared>> -> memref<10000xf32, #tpu.memory_space<vmem_shared>>
      %dma_start3A_459 = tpu.memref_slice %arg26[%and3A_432] : memref<2x!tpu.dma_semaphore, #tpu.memory_space<semaphore_mem>> -> memref<1x!tpu.dma_semaphore, #tpu.memory_space<semaphore_mem>>
      %dma_start3A_460 = tpu.memref_squeeze %dma_start3A_459 : memref<1x!tpu.dma_semaphore, #tpu.memory_space<semaphore_mem>> -> memref<!tpu.dma_semaphore, #tpu.memory_space<semaphore_mem>>
      tpu.enqueue_indirect_dma source(%dma_start3A_453 : memref<80xf32, #tpu.memory_space<vmem>>) target(%dma_start3A_458 : memref<10000xf32, #tpu.memory_space<vmem_shared>>) offsets(%dma_start3A_456 : memref<80xi32, #tpu.memory_space<vmem>>) semaphore(%dma_start3A_460 : memref<!tpu.dma_semaphore, #tpu.memory_space<semaphore_mem>>) {add = true}
    }
    %scan3A_282 = arith.constant 125 : i32
    %dma_wait3A_283 = arith.constant 0 : i32
    %dma_wait3A_284 = arith.constant 0 : i32
    %dma_wait3A_285 = arith.constant 1 : i32
    %dma_wait3A_286 = arith.constant 0 : i32
    %dma_wait3A_287 = arith.constant 0 : i32
    %dma_wait3A_288 = arith.constant 0 : i32
    %dma_wait3A_289 = tpu.memref_slice %arg13[%dma_wait3A_283, %dma_wait3A_287, %dma_wait3A_288] : memref<2x80x128xf32, #tpu.memory_space<vmem>> -> memref<1x80x128xf32, #tpu.memory_space<vmem>>
    %dma_wait3A_290 = tpu.memref_squeeze %dma_wait3A_289 : memref<1x80x128xf32, #tpu.memory_space<vmem>> -> memref<80x128xf32, #tpu.memory_space<vmem>>
    %dma_wait3A_291 = arith.constant 0 : i32
    %dma_wait3A_292 = tpu.memref_slice %arg11[%dma_wait3A_284, %dma_wait3A_285, %dma_wait3A_291] : memref<4x2x80xi32, #tpu.memory_space<vmem>> -> memref<1x1x80xi32, #tpu.memory_space<vmem>>
    %dma_wait3A_293 = tpu.memref_squeeze %dma_wait3A_292 : memref<1x1x80xi32, #tpu.memory_space<vmem>> -> memref<80xi32, #tpu.memory_space<vmem>>
    %dma_wait3A_294 = arith.constant 0 : i32
    %dma_wait3A_295 = arith.constant 0 : i32
    %dma_wait3A_296 = tpu.memref_slice %arg20[%dma_wait3A_294, %dma_wait3A_295] : memref<10000x128xf32, #tpu.memory_space<vmem_shared>> -> memref<10000x128xf32, #tpu.memory_space<vmem_shared>>
    %dma_wait3A_297 = tpu.memref_slice %arg25[%dma_wait3A_286] : memref<2x!tpu.dma_semaphore, #tpu.memory_space<semaphore_mem>> -> memref<1x!tpu.dma_semaphore, #tpu.memory_space<semaphore_mem>>
    %dma_wait3A_298 = tpu.memref_squeeze %dma_wait3A_297 : memref<1x!tpu.dma_semaphore, #tpu.memory_space<semaphore_mem>> -> memref<!tpu.dma_semaphore, #tpu.memory_space<semaphore_mem>>
    tpu.wait_indirect_dma semaphore(%dma_wait3A_298 : memref<!tpu.dma_semaphore, #tpu.memory_space<semaphore_mem>>) src(%dma_wait3A_290 : memref<80x128xf32, #tpu.memory_space<vmem>>) dst(%dma_wait3A_296 : memref<10000x128xf32, #tpu.memory_space<vmem_shared>>)
    %dma_wait3A_299 = arith.constant 0 : i32
    %dma_wait3A_300 = arith.constant 0 : i32
    %dma_wait3A_301 = arith.constant 1 : i32
    %dma_wait3A_302 = arith.constant 0 : i32
    %dma_wait3A_303 = arith.constant 0 : i32
    %dma_wait3A_304 = tpu.memref_slice %arg14[%dma_wait3A_299, %dma_wait3A_303] : memref<2x80xf32, #tpu.memory_space<vmem>> -> memref<1x80xf32, #tpu.memory_space<vmem>>
    %dma_wait3A_305 = tpu.memref_squeeze %dma_wait3A_304 : memref<1x80xf32, #tpu.memory_space<vmem>> -> memref<80xf32, #tpu.memory_space<vmem>>
    %dma_wait3A_306 = arith.constant 0 : i32
    %dma_wait3A_307 = tpu.memref_slice %arg11[%dma_wait3A_300, %dma_wait3A_301, %dma_wait3A_306] : memref<4x2x80xi32, #tpu.memory_space<vmem>> -> memref<1x1x80xi32, #tpu.memory_space<vmem>>
    %dma_wait3A_308 = tpu.memref_squeeze %dma_wait3A_307 : memref<1x1x80xi32, #tpu.memory_space<vmem>> -> memref<80xi32, #tpu.memory_space<vmem>>
    %dma_wait3A_309 = arith.constant 0 : i32
    %dma_wait3A_310 = tpu.memref_slice %arg21[%dma_wait3A_309] : memref<10000xf32, #tpu.memory_space<vmem_shared>> -> memref<10000xf32, #tpu.memory_space<vmem_shared>>
    %dma_wait3A_311 = tpu.memref_slice %arg26[%dma_wait3A_302] : memref<2x!tpu.dma_semaphore, #tpu.memory_space<semaphore_mem>> -> memref<1x!tpu.dma_semaphore, #tpu.memory_space<semaphore_mem>>
    %dma_wait3A_312 = tpu.memref_squeeze %dma_wait3A_311 : memref<1x!tpu.dma_semaphore, #tpu.memory_space<semaphore_mem>> -> memref<!tpu.dma_semaphore, #tpu.memory_space<semaphore_mem>>
    tpu.wait_indirect_dma semaphore(%dma_wait3A_312 : memref<!tpu.dma_semaphore, #tpu.memory_space<semaphore_mem>>) src(%dma_wait3A_305 : memref<80xf32, #tpu.memory_space<vmem>>) dst(%dma_wait3A_310 : memref<10000xf32, #tpu.memory_space<vmem_shared>>)
    %barrier3A_313 = arith.constant 0 : index
    tpu.barrier barrier_id(%barrier3A_313)
    %lt3A_314 = arith.constant 15 : i32
    %lt3A_315 = arith.cmpi slt, %arg1, %lt3A_314 : i32
    %convert_element_type3A_316 = arith.extui %lt3A_315 : i1 to i32
    %cond3A_317 = arith.constant 0 : i32
    %cond3A_318 = arith.cmpi ne, %convert_element_type3A_316, %cond3A_317 : i32
    scf.if %cond3A_318 {
      %mul3A_324 = arith.constant 624 : i32
      %mul3A_325 = arith.muli %arg1, %mul3A_324 : i32
      %mul3A_326 = arith.constant 10000 : i32
      %mul3A_327 = arith.muli %arg0, %mul3A_326 : i32
      %mul3A_328 = arith.constant 624 : i32
      %mul3A_329 = arith.muli %arg1, %mul3A_328 : i32
      %add3A_330 = arith.addi %mul3A_327, %mul3A_329 : i32
      "tpu.region"() ({
        %run_scoped3A = tpu.sem_alloc : memref<!tpu.dma_semaphore, #tpu.memory_space<semaphore_mem>>
        %dma_start3A_338 = arith.constant 0 : i32
        %dma_start3A_339 = tpu.memref_slice %arg9[%add3A_330, %dma_start3A_338] : memref<20000x128xf32, #tpu.memory_space<hbm>> -> memref<624x128xf32, #tpu.memory_space<hbm>>
        %dma_start3A_340 = arith.constant 0 : i32
        %dma_start3A_341 = tpu.memref_slice %arg20[%mul3A_325, %dma_start3A_340] : memref<10000x128xf32, #tpu.memory_space<vmem_shared>> -> memref<624x128xf32, #tpu.memory_space<vmem_shared>>
        tpu.enqueue_dma source(%dma_start3A_341 : memref<624x128xf32, #tpu.memory_space<vmem_shared>>) target(%dma_start3A_339 : memref<624x128xf32, #tpu.memory_space<hbm>>) target_semaphore(%run_scoped3A : memref<!tpu.dma_semaphore, #tpu.memory_space<semaphore_mem>>)
        %dma_wait3A_342 = arith.constant 0 : i32
        %dma_wait3A_343 = tpu.memref_slice %arg9[%add3A_330, %dma_wait3A_342] : memref<20000x128xf32, #tpu.memory_space<hbm>> -> memref<624x128xf32, #tpu.memory_space<hbm>>
        %dma_wait3A_344 = arith.constant 0 : i32
        %dma_wait3A_345 = tpu.memref_slice %arg20[%mul3A_325, %dma_wait3A_344] : memref<10000x128xf32, #tpu.memory_space<vmem_shared>> -> memref<624x128xf32, #tpu.memory_space<vmem_shared>>
        tpu.wait_dma2 semaphore(%run_scoped3A : memref<!tpu.dma_semaphore, #tpu.memory_space<semaphore_mem>>) src(%dma_wait3A_345 : memref<624x128xf32, #tpu.memory_space<vmem_shared>>) dst(%dma_wait3A_343 : memref<624x128xf32, #tpu.memory_space<hbm>>)
        tpu.yield
      }) : () -> ()
      %mul3A_331 = arith.constant 624 : i32
      %mul3A_332 = arith.muli %arg1, %mul3A_331 : i32
      "tpu.region"() ({
        %run_scoped3A = tpu.sem_alloc : memref<!tpu.dma_semaphore, #tpu.memory_space<semaphore_mem>>
        %dma_start3A_338 = arith.constant 0 : i32
        %dma_start3A_339 = tpu.memref_slice %arg19[%dma_start3A_338] : memref<640xf32, #tpu.memory_space<vmem>> -> memref<624xf32, #tpu.memory_space<vmem>>
        %dma_start3A_340 = tpu.memref_slice %arg21[%mul3A_332] : memref<10000xf32, #tpu.memory_space<vmem_shared>> -> memref<624xf32, #tpu.memory_space<vmem_shared>>
        %dma_start3A_341 = arith.constant 0 : i32
        %dma_start3A_342 = tpu.memref_slice %arg19[%dma_start3A_341] : memref<640xf32, #tpu.memory_space<vmem>> -> memref<624xf32, #tpu.memory_space<vmem>>
        %dma_start3A_343 = tpu.memref_slice %arg21[%mul3A_332] : memref<10000xf32, #tpu.memory_space<vmem_shared>> -> memref<624xf32, #tpu.memory_space<vmem_shared>>
        tpu.enqueue_dma source(%dma_start3A_343 : memref<624xf32, #tpu.memory_space<vmem_shared>>) target(%dma_start3A_342 : memref<624xf32, #tpu.memory_space<vmem>>) target_semaphore(%run_scoped3A : memref<!tpu.dma_semaphore, #tpu.memory_space<semaphore_mem>>)
        %dma_wait3A_344 = arith.constant 0 : i32
        %dma_wait3A_345 = tpu.memref_slice %arg19[%dma_wait3A_344] : memref<640xf32, #tpu.memory_space<vmem>> -> memref<624xf32, #tpu.memory_space<vmem>>
        %dma_wait3A_346 = tpu.memref_slice %arg21[%mul3A_332] : memref<10000xf32, #tpu.memory_space<vmem_shared>> -> memref<624xf32, #tpu.memory_space<vmem_shared>>
        %dma_wait3A_347 = arith.constant 0 : i32
        %dma_wait3A_348 = tpu.memref_slice %arg19[%dma_wait3A_347] : memref<640xf32, #tpu.memory_space<vmem>> -> memref<624xf32, #tpu.memory_space<vmem>>
        %dma_wait3A_349 = tpu.memref_slice %arg21[%mul3A_332] : memref<10000xf32, #tpu.memory_space<vmem_shared>> -> memref<624xf32, #tpu.memory_space<vmem_shared>>
        tpu.wait_dma2 semaphore(%run_scoped3A : memref<!tpu.dma_semaphore, #tpu.memory_space<semaphore_mem>>) src(%dma_wait3A_349 : memref<624xf32, #tpu.memory_space<vmem_shared>>) dst(%dma_wait3A_348 : memref<624xf32, #tpu.memory_space<vmem>>)
        tpu.yield
      }) : () -> ()
      %mul3A_333 = arith.constant 10000 : i32
      %mul3A_334 = arith.muli %arg0, %mul3A_333 : i32
      %mul3A_335 = arith.constant 624 : i32
      %mul3A_336 = arith.muli %arg1, %mul3A_335 : i32
      %add3A_337 = arith.addi %mul3A_334, %mul3A_336 : i32
      "tpu.region"() ({
        %run_scoped3A = tpu.sem_alloc : memref<!tpu.dma_semaphore, #tpu.memory_space<semaphore_mem>>
        %dma_start3A_338 = arith.constant 0 : i32
        %dma_start3A_339 = tpu.memref_slice %arg19[%dma_start3A_338] : memref<640xf32, #tpu.memory_space<vmem>> -> memref<624xf32, #tpu.memory_space<vmem>>
        %dma_start3A_340 = tpu.memref_slice %arg10[%add3A_337] : memref<20000xf32, #tpu.memory_space<hbm>> -> memref<624xf32, #tpu.memory_space<hbm>>
        %dma_start3A_341 = tpu.memref_slice %arg10[%add3A_337] : memref<20000xf32, #tpu.memory_space<hbm>> -> memref<624xf32, #tpu.memory_space<hbm>>
        %dma_start3A_342 = arith.constant 0 : i32
        %dma_start3A_343 = tpu.memref_slice %arg19[%dma_start3A_342] : memref<640xf32, #tpu.memory_space<vmem>> -> memref<624xf32, #tpu.memory_space<vmem>>
        tpu.enqueue_dma source(%dma_start3A_343 : memref<624xf32, #tpu.memory_space<vmem>>) target(%dma_start3A_341 : memref<624xf32, #tpu.memory_space<hbm>>) target_semaphore(%run_scoped3A : memref<!tpu.dma_semaphore, #tpu.memory_space<semaphore_mem>>)
        %dma_wait3A_344 = arith.constant 0 : i32
        %dma_wait3A_345 = tpu.memref_slice %arg19[%dma_wait3A_344] : memref<640xf32, #tpu.memory_space<vmem>> -> memref<624xf32, #tpu.memory_space<vmem>>
        %dma_wait3A_346 = tpu.memref_slice %arg10[%add3A_337] : memref<20000xf32, #tpu.memory_space<hbm>> -> memref<624xf32, #tpu.memory_space<hbm>>
        %dma_wait3A_347 = tpu.memref_slice %arg10[%add3A_337] : memref<20000xf32, #tpu.memory_space<hbm>> -> memref<624xf32, #tpu.memory_space<hbm>>
        %dma_wait3A_348 = arith.constant 0 : i32
        %dma_wait3A_349 = tpu.memref_slice %arg19[%dma_wait3A_348] : memref<640xf32, #tpu.memory_space<vmem>> -> memref<624xf32, #tpu.memory_space<vmem>>
        tpu.wait_dma2 semaphore(%run_scoped3A : memref<!tpu.dma_semaphore, #tpu.memory_space<semaphore_mem>>) src(%dma_wait3A_349 : memref<624xf32, #tpu.memory_space<vmem>>) dst(%dma_wait3A_347 : memref<624xf32, #tpu.memory_space<hbm>>)
        tpu.yield
      }) : () -> ()
    } else {
    }
    %eq3A_319 = arith.constant 15 : i32
    %eq3A_320 = arith.cmpi eq, %arg1, %eq3A_319 : i32
    %convert_element_type3A_321 = arith.extui %eq3A_320 : i1 to i32
    %cond3A_322 = arith.constant 0 : i32
    %cond3A_323 = arith.cmpi ne, %convert_element_type3A_321, %cond3A_322 : i32
    scf.if %cond3A_323 {
      %mul3A_324 = arith.constant 10000 : i32
      %mul3A_325 = arith.muli %arg0, %mul3A_324 : i32
      %add3A_326 = arith.constant 9360 : i32
      %add3A_327 = arith.addi %mul3A_325, %add3A_326 : i32
      "tpu.region"() ({
        %run_scoped3A = tpu.sem_alloc : memref<!tpu.dma_semaphore, #tpu.memory_space<semaphore_mem>>
        %dma_start3A_332 = arith.constant 0 : i32
        %dma_start3A_333 = tpu.memref_slice %arg9[%add3A_327, %dma_start3A_332] : memref<20000x128xf32, #tpu.memory_space<hbm>> -> memref<640x128xf32, #tpu.memory_space<hbm>>
        %dma_start3A_334 = arith.constant 9360 : i32
        %dma_start3A_335 = arith.constant 0 : i32
        %dma_start3A_336 = tpu.memref_slice %arg20[%dma_start3A_334, %dma_start3A_335] : memref<10000x128xf32, #tpu.memory_space<vmem_shared>> -> memref<640x128xf32, #tpu.memory_space<vmem_shared>>
        tpu.enqueue_dma source(%dma_start3A_336 : memref<640x128xf32, #tpu.memory_space<vmem_shared>>) target(%dma_start3A_333 : memref<640x128xf32, #tpu.memory_space<hbm>>) target_semaphore(%run_scoped3A : memref<!tpu.dma_semaphore, #tpu.memory_space<semaphore_mem>>)
        %dma_wait3A_337 = arith.constant 0 : i32
        %dma_wait3A_338 = tpu.memref_slice %arg9[%add3A_327, %dma_wait3A_337] : memref<20000x128xf32, #tpu.memory_space<hbm>> -> memref<640x128xf32, #tpu.memory_space<hbm>>
        %dma_wait3A_339 = arith.constant 9360 : i32
        %dma_wait3A_340 = arith.constant 0 : i32
        %dma_wait3A_341 = tpu.memref_slice %arg20[%dma_wait3A_339, %dma_wait3A_340] : memref<10000x128xf32, #tpu.memory_space<vmem_shared>> -> memref<640x128xf32, #tpu.memory_space<vmem_shared>>
        tpu.wait_dma2 semaphore(%run_scoped3A : memref<!tpu.dma_semaphore, #tpu.memory_space<semaphore_mem>>) src(%dma_wait3A_341 : memref<640x128xf32, #tpu.memory_space<vmem_shared>>) dst(%dma_wait3A_338 : memref<640x128xf32, #tpu.memory_space<hbm>>)
        tpu.yield
      }) : () -> ()
      "tpu.region"() ({
        %run_scoped3A = tpu.sem_alloc : memref<!tpu.dma_semaphore, #tpu.memory_space<semaphore_mem>>
        %dma_start3A_332 = arith.constant 9360 : i32
        %dma_start3A_333 = tpu.memref_slice %arg21[%dma_start3A_332] : memref<10000xf32, #tpu.memory_space<vmem_shared>> -> memref<640xf32, #tpu.memory_space<vmem_shared>>
        %dma_start3A_334 = arith.constant 9360 : i32
        %dma_start3A_335 = tpu.memref_slice %arg21[%dma_start3A_334] : memref<10000xf32, #tpu.memory_space<vmem_shared>> -> memref<640xf32, #tpu.memory_space<vmem_shared>>
        tpu.enqueue_dma source(%dma_start3A_335 : memref<640xf32, #tpu.memory_space<vmem_shared>>) target(%arg19 : memref<640xf32, #tpu.memory_space<vmem>>) target_semaphore(%run_scoped3A : memref<!tpu.dma_semaphore, #tpu.memory_space<semaphore_mem>>)
        %dma_wait3A_336 = arith.constant 9360 : i32
        %dma_wait3A_337 = tpu.memref_slice %arg21[%dma_wait3A_336] : memref<10000xf32, #tpu.memory_space<vmem_shared>> -> memref<640xf32, #tpu.memory_space<vmem_shared>>
        %dma_wait3A_338 = arith.constant 9360 : i32
        %dma_wait3A_339 = tpu.memref_slice %arg21[%dma_wait3A_338] : memref<10000xf32, #tpu.memory_space<vmem_shared>> -> memref<640xf32, #tpu.memory_space<vmem_shared>>
        tpu.wait_dma2 semaphore(%run_scoped3A : memref<!tpu.dma_semaphore, #tpu.memory_space<semaphore_mem>>) src(%dma_wait3A_339 : memref<640xf32, #tpu.memory_space<vmem_shared>>) dst(%arg19 : memref<640xf32, #tpu.memory_space<vmem>>)
        tpu.yield
      }) : () -> ()
      %mul3A_328 = arith.constant 10000 : i32
      %mul3A_329 = arith.muli %arg0, %mul3A_328 : i32
      %add3A_330 = arith.constant 9360 : i32
      %add3A_331 = arith.addi %mul3A_329, %add3A_330 : i32
      "tpu.region"() ({
        %run_scoped3A = tpu.sem_alloc : memref<!tpu.dma_semaphore, #tpu.memory_space<semaphore_mem>>
        %dma_start3A_332 = tpu.memref_slice %arg10[%add3A_331] : memref<20000xf32, #tpu.memory_space<hbm>> -> memref<640xf32, #tpu.memory_space<hbm>>
        %dma_start3A_333 = tpu.memref_slice %arg10[%add3A_331] : memref<20000xf32, #tpu.memory_space<hbm>> -> memref<640xf32, #tpu.memory_space<hbm>>
        tpu.enqueue_dma source(%arg19 : memref<640xf32, #tpu.memory_space<vmem>>) target(%dma_start3A_333 : memref<640xf32, #tpu.memory_space<hbm>>) target_semaphore(%run_scoped3A : memref<!tpu.dma_semaphore, #tpu.memory_space<semaphore_mem>>)
        %dma_wait3A_334 = tpu.memref_slice %arg10[%add3A_331] : memref<20000xf32, #tpu.memory_space<hbm>> -> memref<640xf32, #tpu.memory_space<hbm>>
        %dma_wait3A_335 = tpu.memref_slice %arg10[%add3A_331] : memref<20000xf32, #tpu.memory_space<hbm>> -> memref<640xf32, #tpu.memory_space<hbm>>
        tpu.wait_dma2 semaphore(%run_scoped3A : memref<!tpu.dma_semaphore, #tpu.memory_space<semaphore_mem>>) src(%arg19 : memref<640xf32, #tpu.memory_space<vmem>>) dst(%dma_wait3A_335 : memref<640xf32, #tpu.memory_space<hbm>>)
        tpu.yield
      }) : () -> ()
    } else {
    }
    return
  }
}

module attributes {stable_mosaic.version = 14 : i64} {
  func.func @_bn3_body(%arg0: memref<10x128x1000xf32, #tpu.memory_space<vmem>>, %arg1: memref<128x1xf32, #tpu.memory_space<vmem>>, %arg2: memref<128x1xf32, #tpu.memory_space<vmem>>, %arg3: memref<10x128x1000xf32, #tpu.memory_space<vmem>>) attributes {dimension_semantics = [], scalar_prefetch = 0 : i64, scratch_operands = 0 : i64, tpu.core_type = #tpu.core_type<tc>} {
    %get3A = arith.constant 0 : index
    %get3A_0 = arith.constant 0 : index
    %get3A_1 = arith.constant 0 : index
    %get3A_2 = vector.load %arg0[%get3A, %get3A_0, %get3A_1] : memref<10x128x1000xf32, #tpu.memory_space<vmem>>, vector<10x128x1000xf32>
    %reduce_sum3A = arith.constant dense<0.000000e+00> : vector<128xf32>
    %reduce_sum3A_3 = vector.multi_reduction <add>, %get3A_2, %reduce_sum3A [0, 2] : vector<10x128x1000xf32> to vector<128xf32>
    %broadcast_in_dim3A = vector.shape_cast %reduce_sum3A_3 : vector<128xf32> to vector<1x128x1xf32>
    %div3A = arith.constant 1.000000e+04 : f32
    %div3A_4 = vector.broadcast %div3A : f32 to vector<1x128x1xf32>
    %div3A_5 = arith.divf %broadcast_in_dim3A, %div3A_4 : vector<1x128x1xf32>
    %sub3A = vector.broadcast %div3A_5 : vector<1x128x1xf32> to vector<10x128x1000xf32>
    %sub3A_6 = arith.subf %get3A_2, %sub3A : vector<10x128x1000xf32>
    %integer_pow3A = arith.mulf %sub3A_6, %sub3A_6 : vector<10x128x1000xf32>
    %reduce_sum3A_7 = arith.constant dense<0.000000e+00> : vector<128xf32>
    %reduce_sum3A_8 = vector.multi_reduction <add>, %integer_pow3A, %reduce_sum3A_7 [0, 2] : vector<10x128x1000xf32> to vector<128xf32>
    %broadcast_in_dim3A_9 = vector.shape_cast %reduce_sum3A_8 : vector<128xf32> to vector<1x128x1xf32>
    %div3A_10 = arith.constant 1.000000e+04 : f32
    %div3A_11 = vector.broadcast %div3A_10 : f32 to vector<1x128x1xf32>
    %div3A_12 = arith.divf %broadcast_in_dim3A_9, %div3A_11 : vector<1x128x1xf32>
    %sub3A_13 = vector.broadcast %div3A_5 : vector<1x128x1xf32> to vector<10x128x1000xf32>
    %sub3A_14 = arith.subf %get3A_2, %sub3A_13 : vector<10x128x1000xf32>
    %add3A = arith.constant 9.99999974E-6 : f32
    %add3A_15 = vector.broadcast %add3A : f32 to vector<1x128x1xf32>
    %add3A_16 = arith.addf %div3A_12, %add3A_15 : vector<1x128x1xf32>
    %rsqrt3A = math.rsqrt %add3A_16 : vector<1x128x1xf32>
    %mul3A = vector.broadcast %rsqrt3A : vector<1x128x1xf32> to vector<10x128x1000xf32>
    %mul3A_17 = arith.mulf %sub3A_14, %mul3A : vector<10x128x1000xf32>
    %get3A_18 = arith.constant 0 : index
    %get3A_19 = arith.constant 0 : index
    %get3A_20 = vector.load %arg1[%get3A_18, %get3A_19] : memref<128x1xf32, #tpu.memory_space<vmem>>, vector<128x1xf32>
    %broadcast_in_dim3A_21 = vector.shape_cast %get3A_20 : vector<128x1xf32> to vector<1x128x1xf32>
    %mul3A_22 = vector.broadcast %broadcast_in_dim3A_21 : vector<1x128x1xf32> to vector<10x128x1000xf32>
    %mul3A_23 = arith.mulf %mul3A_17, %mul3A_22 : vector<10x128x1000xf32>
    %get3A_24 = arith.constant 0 : index
    %get3A_25 = arith.constant 0 : index
    %get3A_26 = vector.load %arg2[%get3A_24, %get3A_25] : memref<128x1xf32, #tpu.memory_space<vmem>>, vector<128x1xf32>
    %broadcast_in_dim3A_27 = vector.shape_cast %get3A_26 : vector<128x1xf32> to vector<1x128x1xf32>
    %add3A_28 = vector.broadcast %broadcast_in_dim3A_27 : vector<1x128x1xf32> to vector<10x128x1000xf32>
    %add3A_29 = arith.addf %mul3A_23, %add3A_28 : vector<10x128x1000xf32>
    %swap3A = arith.constant 0 : index
    %swap3A_30 = arith.constant 0 : index
    %swap3A_31 = arith.constant 0 : index
    %swap3A_32 = vector.load %arg3[%swap3A, %swap3A_30, %swap3A_31] : memref<10x128x1000xf32, #tpu.memory_space<vmem>>, vector<10x128x1000xf32>
    tpu.vector_store %arg3[%swap3A, %swap3A_30, %swap3A_31], %add3A_29 {strides = array<i32>} : memref<10x128x1000xf32, #tpu.memory_space<vmem>>, vector<10x128x1000xf32>,
    return
  }
}

module attributes {stable_mosaic.version = 14 : i64} {
  func.func @_mm2_body(%arg0: i32, %arg1: memref<1000x128xf32, #tpu.memory_space<vmem>>, %arg2: memref<128x128xf32, #tpu.memory_space<vmem>>, %arg3: memref<128x128xf32, #tpu.memory_space<vmem>>, %arg4: memref<1x128xf32, #tpu.memory_space<vmem>>, %arg5: memref<1x128xf32, #tpu.memory_space<vmem>>, %arg6: memref<1x128xf32, #tpu.memory_space<vmem>>, %arg7: memref<1000x128xf32, #tpu.memory_space<vmem>>, %arg8: memref<1000x128xf32, #tpu.memory_space<vmem>>, %arg9: memref<1x128xf32, #tpu.memory_space<vmem>>, %arg10: memref<1x128xf32, #tpu.memory_space<vmem>>) attributes {dimension_semantics = [#tpu.dimension_semantics<arbitrary>], iteration_bounds = array<i64: 10>, scalar_prefetch = 0 : i64, scratch_operands = 0 : i64, tpu.core_type = #tpu.core_type<tc>, window_params = [{transform_indices = @transform_0, window_bounds = array<i64: 1000, 128>}, {pipeline_mode = #tpu.pipeline_mode<synchronous>, transform_indices = @transform_1, window_bounds = array<i64: 128, 128>}, {pipeline_mode = #tpu.pipeline_mode<synchronous>, transform_indices = @transform_2, window_bounds = array<i64: 128, 128>}, {pipeline_mode = #tpu.pipeline_mode<synchronous>, transform_indices = @transform_3, window_bounds = array<i64: 1, 128>}, {pipeline_mode = #tpu.pipeline_mode<synchronous>, transform_indices = @transform_4, window_bounds = array<i64: 1, 128>}, {pipeline_mode = #tpu.pipeline_mode<synchronous>, transform_indices = @transform_5, window_bounds = array<i64: 1, 128>}, {transform_indices = @transform_6, window_bounds = array<i64: 1000, 128>}, {transform_indices = @transform_7, window_bounds = array<i64: 1000, 128>}, {pipeline_mode = #tpu.pipeline_mode<synchronous>, transform_indices = @transform_8, window_bounds = array<i64: 1, 128>}, {pipeline_mode = #tpu.pipeline_mode<synchronous>, transform_indices = @transform_9, window_bounds = array<i64: 1, 128>}]} {
    %get3A = arith.constant 0 : index
    %get3A_0 = arith.constant 0 : index
    %get3A_1 = vector.load %arg1[%get3A, %get3A_0] : memref<1000x128xf32, #tpu.memory_space<vmem>>, vector<1000x128xf32>
    %get3A_2 = arith.constant 0 : index
    %get3A_3 = arith.constant 0 : index
    %get3A_4 = vector.load %arg2[%get3A_2, %get3A_3] : memref<128x128xf32, #tpu.memory_space<vmem>>, vector<128x128xf32>
    %dot_general3A = arith.constant dense<0.000000e+00> : vector<1000x128xf32>
    %dot_general3A_5 = tpu.matmul %get3A_1, %get3A_4, %dot_general3A {dimension_numbers = #tpu.dot_dimension_numbers<[1], [0], [0], [1], [0, 0, 1, 1], [], []>, precision = #tpu.contract_precision<fp32>, transpose_lhs_hint = false} : vector<1000x128xf32>, vector<128x128xf32>, vector<1000x128xf32> -> vector<1000x128xf32>
    %get3A_6 = arith.constant 0 : index
    %get3A_7 = arith.constant 0 : index
    %get3A_8 = vector.load %arg4[%get3A_6, %get3A_7] : memref<1x128xf32, #tpu.memory_space<vmem>>, vector<1x128xf32>
    %add3A = vector.broadcast %get3A_8 : vector<1x128xf32> to vector<1000x128xf32>
    %add3A_9 = arith.addf %dot_general3A_5, %add3A : vector<1000x128xf32>
    %get3A_10 = arith.constant 0 : index
    %get3A_11 = arith.constant 0 : index
    %get3A_12 = vector.load %arg3[%get3A_10, %get3A_11] : memref<128x128xf32, #tpu.memory_space<vmem>>, vector<128x128xf32>
    %dot_general3A_13 = arith.constant dense<0.000000e+00> : vector<1000x128xf32>
    %dot_general3A_14 = tpu.matmul %get3A_1, %get3A_12, %dot_general3A_13 {dimension_numbers = #tpu.dot_dimension_numbers<[1], [0], [0], [1], [0, 0, 1, 1], [], []>, precision = #tpu.contract_precision<fp32>, transpose_lhs_hint = false} : vector<1000x128xf32>, vector<128x128xf32>, vector<1000x128xf32> -> vector<1000x128xf32>
    %get3A_15 = arith.constant 0 : index
    %get3A_16 = arith.constant 0 : index
    %get3A_17 = vector.load %arg5[%get3A_15, %get3A_16] : memref<1x128xf32, #tpu.memory_space<vmem>>, vector<1x128xf32>
    %add3A_18 = vector.broadcast %get3A_17 : vector<1x128xf32> to vector<1000x128xf32>
    %add3A_19 = arith.addf %dot_general3A_14, %add3A_18 : vector<1000x128xf32>
    %swap3A = arith.constant 0 : index
    %swap3A_20 = arith.constant 0 : index
    %swap3A_21 = vector.load %arg7[%swap3A, %swap3A_20] : memref<1000x128xf32, #tpu.memory_space<vmem>>, vector<1000x128xf32>
    tpu.vector_store %arg7[%swap3A, %swap3A_20], %add3A_9 {strides = array<i32>} : memref<1000x128xf32, #tpu.memory_space<vmem>>, vector<1000x128xf32>,
    %swap3A_22 = arith.constant 0 : index
    %swap3A_23 = arith.constant 0 : index
    %swap3A_24 = vector.load %arg8[%swap3A_22, %swap3A_23] : memref<1000x128xf32, #tpu.memory_space<vmem>>, vector<1000x128xf32>
    tpu.vector_store %arg8[%swap3A_22, %swap3A_23], %add3A_19 {strides = array<i32>} : memref<1000x128xf32, #tpu.memory_space<vmem>>, vector<1000x128xf32>,
    %get3A_25 = arith.constant 0 : index
    %get3A_26 = arith.constant 0 : index
    %get3A_27 = vector.load %arg6[%get3A_25, %get3A_26] : memref<1x128xf32, #tpu.memory_space<vmem>>, vector<1x128xf32>
    %abs3A = math.absf %get3A_27 : vector<1x128xf32>
    %mul3A = vector.broadcast %get3A_27 : vector<1x128xf32> to vector<1000x128xf32>
    %mul3A_28 = arith.mulf %add3A_9, %mul3A : vector<1000x128xf32>
    %reduce_sum3A = arith.constant dense<0.000000e+00> : vector<1000xf32>
    %reduce_sum3A_29 = vector.multi_reduction <add>, %mul3A_28, %reduce_sum3A [1] : vector<1000x128xf32> to vector<1000xf32>
    %broadcast_in_dim3A = vector.shape_cast %reduce_sum3A_29 : vector<1000xf32> to vector<1000x1xf32>
    %abs3A_30 = math.absf %add3A_9 : vector<1000x128xf32>
    %mul3A_31 = vector.broadcast %abs3A : vector<1x128xf32> to vector<1000x128xf32>
    %mul3A_32 = arith.mulf %abs3A_30, %mul3A_31 : vector<1000x128xf32>
    %reduce_sum3A_33 = arith.constant dense<0.000000e+00> : vector<1000xf32>
    %reduce_sum3A_34 = vector.multi_reduction <add>, %mul3A_32, %reduce_sum3A_33 [1] : vector<1000x128xf32> to vector<1000xf32>
    %broadcast_in_dim3A_35 = vector.shape_cast %reduce_sum3A_34 : vector<1000xf32> to vector<1000x1xf32>
    %mul3A_36 = vector.broadcast %get3A_27 : vector<1x128xf32> to vector<1000x128xf32>
    %mul3A_37 = arith.mulf %add3A_19, %mul3A_36 : vector<1000x128xf32>
    %reduce_sum3A_38 = arith.constant dense<0.000000e+00> : vector<1000xf32>
    %reduce_sum3A_39 = vector.multi_reduction <add>, %mul3A_37, %reduce_sum3A_38 [1] : vector<1000x128xf32> to vector<1000xf32>
    %broadcast_in_dim3A_40 = vector.shape_cast %reduce_sum3A_39 : vector<1000xf32> to vector<1000x1xf32>
    %abs3A_41 = math.absf %add3A_19 : vector<1000x128xf32>
    %mul3A_42 = vector.broadcast %abs3A : vector<1x128xf32> to vector<1000x128xf32>
    %mul3A_43 = arith.mulf %abs3A_41, %mul3A_42 : vector<1000x128xf32>
    %reduce_sum3A_44 = arith.constant dense<0.000000e+00> : vector<1000xf32>
    %reduce_sum3A_45 = vector.multi_reduction <add>, %mul3A_43, %reduce_sum3A_44 [1] : vector<1000x128xf32> to vector<1000xf32>
    %broadcast_in_dim3A_46 = vector.shape_cast %reduce_sum3A_45 : vector<1000xf32> to vector<1000x1xf32>
    %mul3A_47 = arith.constant 6.000000e-01 : f32
    %mul3A_48 = vector.broadcast %mul3A_47 : f32 to vector<1000x1xf32>
    %mul3A_49 = arith.mulf %mul3A_48, %broadcast_in_dim3A : vector<1000x1xf32>
    %mul3A_50 = arith.constant 4.000000e-01 : f32
    %mul3A_51 = vector.broadcast %mul3A_50 : f32 to vector<1000x1xf32>
    %mul3A_52 = arith.mulf %mul3A_51, %broadcast_in_dim3A_35 : vector<1000x1xf32>
    %add3A_53 = arith.addf %mul3A_49, %mul3A_52 : vector<1000x1xf32>
    %reduce_max3A = vector.shape_cast %add3A_53 : vector<1000x1xf32> to vector<1x1000x1xf32>
    %reduce_max3A_54 = arith.constant dense<0xFF800000> : vector<1xf32>
    %reduce_max3A_55 = vector.multi_reduction <maximumf>, %reduce_max3A, %reduce_max3A_54 [1, 2] : vector<1x1000x1xf32> to vector<1xf32>
    %reduce_max3A_56 = vector.shape_cast %reduce_max3A_55 : vector<1xf32> to vector<1x1x1xf32>
    %reduce_max3A_57 = vector.extract %reduce_max3A_56[0, 0, 0] : f32 from vector<1x1x1xf32>
    %mul3A_58 = arith.constant 6.000000e-01 : f32
    %mul3A_59 = vector.broadcast %mul3A_58 : f32 to vector<1000x1xf32>
    %mul3A_60 = arith.mulf %mul3A_59, %broadcast_in_dim3A_40 : vector<1000x1xf32>
    %mul3A_61 = arith.constant 4.000000e-01 : f32
    %mul3A_62 = vector.broadcast %mul3A_61 : f32 to vector<1000x1xf32>
    %mul3A_63 = arith.mulf %mul3A_62, %broadcast_in_dim3A_46 : vector<1000x1xf32>
    %add3A_64 = arith.addf %mul3A_60, %mul3A_63 : vector<1000x1xf32>
    %reduce_max3A_65 = vector.shape_cast %add3A_64 : vector<1000x1xf32> to vector<1x1000x1xf32>
    %reduce_max3A_66 = arith.constant dense<0xFF800000> : vector<1xf32>
    %reduce_max3A_67 = vector.multi_reduction <maximumf>, %reduce_max3A_65, %reduce_max3A_66 [1, 2] : vector<1x1000x1xf32> to vector<1xf32>
    %reduce_max3A_68 = vector.shape_cast %reduce_max3A_67 : vector<1xf32> to vector<1x1x1xf32>
    %reduce_max3A_69 = vector.extract %reduce_max3A_68[0, 0, 0] : f32 from vector<1x1x1xf32>
    %eq3A = arith.constant 0 : i32
    %eq3A_70 = arith.cmpi eq, %arg0, %eq3A : i32
    %convert_element_type3A = arith.extui %eq3A_70 : i1 to i32
    %cond3A = arith.constant 0 : i32
    %cond3A_71 = arith.cmpi ne, %convert_element_type3A, %cond3A : i32
    scf.if %cond3A_71 {
      %broadcast_in_dim3A_87 = arith.constant 0xFF800000 : f32
      %broadcast_in_dim3A_88 = vector.broadcast %broadcast_in_dim3A_87 : f32 to vector<1x128xf32>
      %swap3A_89 = arith.constant 0 : index
      %swap3A_90 = arith.constant 0 : index
      %swap3A_91 = vector.load %arg9[%swap3A_89, %swap3A_90] : memref<1x128xf32, #tpu.memory_space<vmem>>, vector<1x128xf32>
      tpu.vector_store %arg9[%swap3A_89, %swap3A_90], %broadcast_in_dim3A_88 {strides = array<i32>} : memref<1x128xf32, #tpu.memory_space<vmem>>, vector<1x128xf32>,
      %broadcast_in_dim3A_92 = arith.constant 0xFF800000 : f32
      %broadcast_in_dim3A_93 = vector.broadcast %broadcast_in_dim3A_92 : f32 to vector<1x128xf32>
      %swap3A_94 = arith.constant 0 : index
      %swap3A_95 = arith.constant 0 : index
      %swap3A_96 = vector.load %arg10[%swap3A_94, %swap3A_95] : memref<1x128xf32, #tpu.memory_space<vmem>>, vector<1x128xf32>
      tpu.vector_store %arg10[%swap3A_94, %swap3A_95], %broadcast_in_dim3A_93 {strides = array<i32>} : memref<1x128xf32, #tpu.memory_space<vmem>>, vector<1x128xf32>,
    } else {
    }
    %get3A_72 = arith.constant 0 : index
    %get3A_73 = arith.constant 0 : index
    %get3A_74 = vector.load %arg9[%get3A_72, %get3A_73] : memref<1x128xf32, #tpu.memory_space<vmem>>, vector<1x128xf32>
    %max3A = vector.broadcast %reduce_max3A_57 : f32 to vector<1x128xf32>
    %max3A_75 = arith.maximumf %get3A_74, %max3A : vector<1x128xf32>
    %swap3A_76 = arith.constant 0 : index
    %swap3A_77 = arith.constant 0 : index
    %swap3A_78 = vector.load %arg9[%swap3A_76, %swap3A_77] : memref<1x128xf32, #tpu.memory_space<vmem>>, vector<1x128xf32>
    tpu.vector_store %arg9[%swap3A_76, %swap3A_77], %max3A_75 {strides = array<i32>} : memref<1x128xf32, #tpu.memory_space<vmem>>, vector<1x128xf32>,
    %get3A_79 = arith.constant 0 : index
    %get3A_80 = arith.constant 0 : index
    %get3A_81 = vector.load %arg10[%get3A_79, %get3A_80] : memref<1x128xf32, #tpu.memory_space<vmem>>, vector<1x128xf32>
    %max3A_82 = vector.broadcast %reduce_max3A_69 : f32 to vector<1x128xf32>
    %max3A_83 = arith.maximumf %get3A_81, %max3A_82 : vector<1x128xf32>
    %swap3A_84 = arith.constant 0 : index
    %swap3A_85 = arith.constant 0 : index
    %swap3A_86 = vector.load %arg10[%swap3A_84, %swap3A_85] : memref<1x128xf32, #tpu.memory_space<vmem>>, vector<1x128xf32>
    tpu.vector_store %arg10[%swap3A_84, %swap3A_85], %max3A_83 {strides = array<i32>} : memref<1x128xf32, #tpu.memory_space<vmem>>, vector<1x128xf32>,
    return
  }
  func.func @transform_0(%arg0: i32) -> (i32, i32) {
    %c0_i32 = arith.constant 0 : i32
    %c0_i32_0 = arith.constant 0 : i32
    return %arg0, %c0_i32 : i32, i32
  }
  func.func @transform_1(%arg0: i32) -> (i32, i32) {
    %c0_i32 = arith.constant 0 : i32
    %c0_i32_0 = arith.constant 0 : i32
    %c0_i32_1 = arith.constant 0 : i32
    return %c0_i32, %c0_i32_0 : i32, i32
  }
  func.func @transform_2(%arg0: i32) -> (i32, i32) {
    %c0_i32 = arith.constant 0 : i32
    %c0_i32_0 = arith.constant 0 : i32
    %c0_i32_1 = arith.constant 0 : i32
    return %c0_i32, %c0_i32_0 : i32, i32
  }
  func.func @transform_3(%arg0: i32) -> (i32, i32) {
    %c0_i32 = arith.constant 0 : i32
    %c0_i32_0 = arith.constant 0 : i32
    %c0_i32_1 = arith.constant 0 : i32
    return %c0_i32, %c0_i32_0 : i32, i32
  }
  func.func @transform_4(%arg0: i32) -> (i32, i32) {
    %c0_i32 = arith.constant 0 : i32
    %c0_i32_0 = arith.constant 0 : i32
    %c0_i32_1 = arith.constant 0 : i32
    return %c0_i32, %c0_i32_0 : i32, i32
  }
  func.func @transform_5(%arg0: i32) -> (i32, i32) {
    %c0_i32 = arith.constant 0 : i32
    %c0_i32_0 = arith.constant 0 : i32
    %c0_i32_1 = arith.constant 0 : i32
    return %c0_i32, %c0_i32_0 : i32, i32
  }
  func.func @transform_6(%arg0: i32) -> (i32, i32) {
    %c0_i32 = arith.constant 0 : i32
    %c0_i32_0 = arith.constant 0 : i32
    return %arg0, %c0_i32 : i32, i32
  }
  func.func @transform_7(%arg0: i32) -> (i32, i32) {
    %c0_i32 = arith.constant 0 : i32
    %c0_i32_0 = arith.constant 0 : i32
    return %arg0, %c0_i32 : i32, i32
  }
  func.func @transform_8(%arg0: i32) -> (i32, i32) {
    %c0_i32 = arith.constant 0 : i32
    %c0_i32_0 = arith.constant 0 : i32
    %c0_i32_1 = arith.constant 0 : i32
    return %c0_i32, %c0_i32_0 : i32, i32
  }
  func.func @transform_9(%arg0: i32) -> (i32, i32) {
    %c0_i32 = arith.constant 0 : i32
    %c0_i32_0 = arith.constant 0 : i32
    %c0_i32_1 = arith.constant 0 : i32
    return %c0_i32, %c0_i32_0 : i32, i32
  }
}

module attributes {stable_mosaic.version = 14 : i64} {
  func.func @_convT_body(%arg0: i32, %arg1: memref<1x1000x128xf32, #tpu.memory_space<vmem>>, %arg2: memref<9x128x128xf32, #tpu.memory_space<vmem>>, %arg3: memref<1x128xf32, #tpu.memory_space<vmem>>, %arg4: memref<1x1000x128xf32, #tpu.memory_space<vmem>>) attributes {dimension_semantics = [#tpu.dimension_semantics<arbitrary>], iteration_bounds = array<i64: 10>, scalar_prefetch = 0 : i64, scratch_operands = 0 : i64, tpu.core_type = #tpu.core_type<tc>, window_params = [{transform_indices = @transform_0, window_bounds = array<i64: 1, 1000, 128>}, {pipeline_mode = #tpu.pipeline_mode<synchronous>, transform_indices = @transform_1, window_bounds = array<i64: 9, 128, 128>}, {pipeline_mode = #tpu.pipeline_mode<synchronous>, transform_indices = @transform_2, window_bounds = array<i64: 1, 128>}, {transform_indices = @transform_3, window_bounds = array<i64: 1, 1000, 128>}]} {
    %get3A = arith.constant 0 : index
    %get3A_0 = arith.constant 0 : index
    %get3A_1 = arith.constant 0 : index
    %get3A_2 = vector.load %arg1[%get3A, %get3A_0, %get3A_1] : memref<1x1000x128xf32, #tpu.memory_space<vmem>>, vector<1x1000x128xf32>
    %get3A_3 = vector.shape_cast %get3A_2 : vector<1x1000x128xf32> to vector<1000x128xf32>
    %broadcast_in_dim3A = arith.constant 0.000000e+00 : f32
    %broadcast_in_dim3A_4 = vector.broadcast %broadcast_in_dim3A : f32 to vector<4x128xf32>
    %broadcast_in_dim3A_5 = arith.constant 0.000000e+00 : f32
    %broadcast_in_dim3A_6 = vector.broadcast %broadcast_in_dim3A_5 : f32 to vector<4x128xf32>
    %concatenate3A = tpu.concatenate %broadcast_in_dim3A_4, %get3A_3, %broadcast_in_dim3A_6 in 0 : vector<4x128xf32>, vector<1000x128xf32>, vector<4x128xf32> -> vector<1008x128xf32>
    %get3A_7 = arith.constant 0 : index
    %get3A_8 = arith.constant 0 : index
    %get3A_9 = vector.load %arg3[%get3A_7, %get3A_8] : memref<1x128xf32, #tpu.memory_space<vmem>>, vector<1x128xf32>
    %broadcast_in_dim3A_10 = arith.constant 1.000000e+00 : f32
    %broadcast_in_dim3A_11 = vector.broadcast %broadcast_in_dim3A_10 : f32 to vector<1000x1xf32>
    %mul3A = vector.broadcast %get3A_9 : vector<1x128xf32> to vector<1000x128xf32>
    %mul3A_12 = vector.broadcast %broadcast_in_dim3A_11 : vector<1000x1xf32> to vector<1000x128xf32>
    %mul3A_13 = arith.mulf %mul3A, %mul3A_12 : vector<1000x128xf32>
    %slice3A = vector.extract_strided_slice %concatenate3A {offsets = [0, 0], sizes = [1000, 128], strides = [1, 1]} : vector<1008x128xf32> to vector<1000x128xf32>
    %get3A_14 = arith.constant 0 : index
    %get3A_15 = arith.constant 0 : index
    %get3A_16 = arith.constant 0 : index
    %get3A_17 = vector.load %arg2[%get3A_14, %get3A_15, %get3A_16] : memref<9x128x128xf32, #tpu.memory_space<vmem>>, vector<1x128x128xf32>
    %get3A_18 = vector.shape_cast %get3A_17 : vector<1x128x128xf32> to vector<128x128xf32>
    %dot_general3A = arith.constant dense<0.000000e+00> : vector<1000x128xf32>
    %dot_general3A_19 = tpu.matmul %slice3A, %get3A_18, %dot_general3A {dimension_numbers = #tpu.dot_dimension_numbers<[1], [0], [0], [1], [0, 0, 1, 1], [], []>, transpose_lhs_hint = false} : vector<1000x128xf32>, vector<128x128xf32>, vector<1000x128xf32> -> vector<1000x128xf32>
    %add3A = arith.addf %mul3A_13, %dot_general3A_19 : vector<1000x128xf32>
    %slice3A_20 = vector.extract_strided_slice %concatenate3A {offsets = [1, 0], sizes = [1000, 128], strides = [1, 1]} : vector<1008x128xf32> to vector<1000x128xf32>
    %get3A_21 = arith.constant 1 : index
    %get3A_22 = arith.constant 0 : index
    %get3A_23 = arith.constant 0 : index
    %get3A_24 = vector.load %arg2[%get3A_21, %get3A_22, %get3A_23] : memref<9x128x128xf32, #tpu.memory_space<vmem>>, vector<1x128x128xf32>
    %get3A_25 = vector.shape_cast %get3A_24 : vector<1x128x128xf32> to vector<128x128xf32>
    %dot_general3A_26 = arith.constant dense<0.000000e+00> : vector<1000x128xf32>
    %dot_general3A_27 = tpu.matmul %slice3A_20, %get3A_25, %dot_general3A_26 {dimension_numbers = #tpu.dot_dimension_numbers<[1], [0], [0], [1], [0, 0, 1, 1], [], []>, transpose_lhs_hint = false} : vector<1000x128xf32>, vector<128x128xf32>, vector<1000x128xf32> -> vector<1000x128xf32>
    %add3A_28 = arith.addf %add3A, %dot_general3A_27 : vector<1000x128xf32>
    %slice3A_29 = vector.extract_strided_slice %concatenate3A {offsets = [2, 0], sizes = [1000, 128], strides = [1, 1]} : vector<1008x128xf32> to vector<1000x128xf32>
    %get3A_30 = arith.constant 2 : index
    %get3A_31 = arith.constant 0 : index
    %get3A_32 = arith.constant 0 : index
    %get3A_33 = vector.load %arg2[%get3A_30, %get3A_31, %get3A_32] : memref<9x128x128xf32, #tpu.memory_space<vmem>>, vector<1x128x128xf32>
    %get3A_34 = vector.shape_cast %get3A_33 : vector<1x128x128xf32> to vector<128x128xf32>
    %dot_general3A_35 = arith.constant dense<0.000000e+00> : vector<1000x128xf32>
    %dot_general3A_36 = tpu.matmul %slice3A_29, %get3A_34, %dot_general3A_35 {dimension_numbers = #tpu.dot_dimension_numbers<[1], [0], [0], [1], [0, 0, 1, 1], [], []>, transpose_lhs_hint = false} : vector<1000x128xf32>, vector<128x128xf32>, vector<1000x128xf32> -> vector<1000x128xf32>
    %add3A_37 = arith.addf %add3A_28, %dot_general3A_36 : vector<1000x128xf32>
    %slice3A_38 = vector.extract_strided_slice %concatenate3A {offsets = [3, 0], sizes = [1000, 128], strides = [1, 1]} : vector<1008x128xf32> to vector<1000x128xf32>
    %get3A_39 = arith.constant 3 : index
    %get3A_40 = arith.constant 0 : index
    %get3A_41 = arith.constant 0 : index
    %get3A_42 = vector.load %arg2[%get3A_39, %get3A_40, %get3A_41] : memref<9x128x128xf32, #tpu.memory_space<vmem>>, vector<1x128x128xf32>
    %get3A_43 = vector.shape_cast %get3A_42 : vector<1x128x128xf32> to vector<128x128xf32>
    %dot_general3A_44 = arith.constant dense<0.000000e+00> : vector<1000x128xf32>
    %dot_general3A_45 = tpu.matmul %slice3A_38, %get3A_43, %dot_general3A_44 {dimension_numbers = #tpu.dot_dimension_numbers<[1], [0], [0], [1], [0, 0, 1, 1], [], []>, transpose_lhs_hint = false} : vector<1000x128xf32>, vector<128x128xf32>, vector<1000x128xf32> -> vector<1000x128xf32>
    %add3A_46 = arith.addf %add3A_37, %dot_general3A_45 : vector<1000x128xf32>
    %slice3A_47 = vector.extract_strided_slice %concatenate3A {offsets = [4, 0], sizes = [1000, 128], strides = [1, 1]} : vector<1008x128xf32> to vector<1000x128xf32>
    %get3A_48 = arith.constant 4 : index
    %get3A_49 = arith.constant 0 : index
    %get3A_50 = arith.constant 0 : index
    %get3A_51 = vector.load %arg2[%get3A_48, %get3A_49, %get3A_50] : memref<9x128x128xf32, #tpu.memory_space<vmem>>, vector<1x128x128xf32>
    %get3A_52 = vector.shape_cast %get3A_51 : vector<1x128x128xf32> to vector<128x128xf32>
    %dot_general3A_53 = arith.constant dense<0.000000e+00> : vector<1000x128xf32>
    %dot_general3A_54 = tpu.matmul %slice3A_47, %get3A_52, %dot_general3A_53 {dimension_numbers = #tpu.dot_dimension_numbers<[1], [0], [0], [1], [0, 0, 1, 1], [], []>, transpose_lhs_hint = false} : vector<1000x128xf32>, vector<128x128xf32>, vector<1000x128xf32> -> vector<1000x128xf32>
    %add3A_55 = arith.addf %add3A_46, %dot_general3A_54 : vector<1000x128xf32>
    %slice3A_56 = vector.extract_strided_slice %concatenate3A {offsets = [5, 0], sizes = [1000, 128], strides = [1, 1]} : vector<1008x128xf32> to vector<1000x128xf32>
    %get3A_57 = arith.constant 5 : index
    %get3A_58 = arith.constant 0 : index
    %get3A_59 = arith.constant 0 : index
    %get3A_60 = vector.load %arg2[%get3A_57, %get3A_58, %get3A_59] : memref<9x128x128xf32, #tpu.memory_space<vmem>>, vector<1x128x128xf32>
    %get3A_61 = vector.shape_cast %get3A_60 : vector<1x128x128xf32> to vector<128x128xf32>
    %dot_general3A_62 = arith.constant dense<0.000000e+00> : vector<1000x128xf32>
    %dot_general3A_63 = tpu.matmul %slice3A_56, %get3A_61, %dot_general3A_62 {dimension_numbers = #tpu.dot_dimension_numbers<[1], [0], [0], [1], [0, 0, 1, 1], [], []>, transpose_lhs_hint = false} : vector<1000x128xf32>, vector<128x128xf32>, vector<1000x128xf32> -> vector<1000x128xf32>
    %add3A_64 = arith.addf %add3A_55, %dot_general3A_63 : vector<1000x128xf32>
    %slice3A_65 = vector.extract_strided_slice %concatenate3A {offsets = [6, 0], sizes = [1000, 128], strides = [1, 1]} : vector<1008x128xf32> to vector<1000x128xf32>
    %get3A_66 = arith.constant 6 : index
    %get3A_67 = arith.constant 0 : index
    %get3A_68 = arith.constant 0 : index
    %get3A_69 = vector.load %arg2[%get3A_66, %get3A_67, %get3A_68] : memref<9x128x128xf32, #tpu.memory_space<vmem>>, vector<1x128x128xf32>
    %get3A_70 = vector.shape_cast %get3A_69 : vector<1x128x128xf32> to vector<128x128xf32>
    %dot_general3A_71 = arith.constant dense<0.000000e+00> : vector<1000x128xf32>
    %dot_general3A_72 = tpu.matmul %slice3A_65, %get3A_70, %dot_general3A_71 {dimension_numbers = #tpu.dot_dimension_numbers<[1], [0], [0], [1], [0, 0, 1, 1], [], []>, transpose_lhs_hint = false} : vector<1000x128xf32>, vector<128x128xf32>, vector<1000x128xf32> -> vector<1000x128xf32>
    %add3A_73 = arith.addf %add3A_64, %dot_general3A_72 : vector<1000x128xf32>
    %slice3A_74 = vector.extract_strided_slice %concatenate3A {offsets = [7, 0], sizes = [1000, 128], strides = [1, 1]} : vector<1008x128xf32> to vector<1000x128xf32>
    %get3A_75 = arith.constant 7 : index
    %get3A_76 = arith.constant 0 : index
    %get3A_77 = arith.constant 0 : index
    %get3A_78 = vector.load %arg2[%get3A_75, %get3A_76, %get3A_77] : memref<9x128x128xf32, #tpu.memory_space<vmem>>, vector<1x128x128xf32>
    %get3A_79 = vector.shape_cast %get3A_78 : vector<1x128x128xf32> to vector<128x128xf32>
    %dot_general3A_80 = arith.constant dense<0.000000e+00> : vector<1000x128xf32>
    %dot_general3A_81 = tpu.matmul %slice3A_74, %get3A_79, %dot_general3A_80 {dimension_numbers = #tpu.dot_dimension_numbers<[1], [0], [0], [1], [0, 0, 1, 1], [], []>, transpose_lhs_hint = false} : vector<1000x128xf32>, vector<128x128xf32>, vector<1000x128xf32> -> vector<1000x128xf32>
    %add3A_82 = arith.addf %add3A_73, %dot_general3A_81 : vector<1000x128xf32>
    %slice3A_83 = vector.extract_strided_slice %concatenate3A {offsets = [8, 0], sizes = [1000, 128], strides = [1, 1]} : vector<1008x128xf32> to vector<1000x128xf32>
    %get3A_84 = arith.constant 8 : index
    %get3A_85 = arith.constant 0 : index
    %get3A_86 = arith.constant 0 : index
    %get3A_87 = vector.load %arg2[%get3A_84, %get3A_85, %get3A_86] : memref<9x128x128xf32, #tpu.memory_space<vmem>>, vector<1x128x128xf32>
    %get3A_88 = vector.shape_cast %get3A_87 : vector<1x128x128xf32> to vector<128x128xf32>
    %dot_general3A_89 = arith.constant dense<0.000000e+00> : vector<1000x128xf32>
    %dot_general3A_90 = tpu.matmul %slice3A_83, %get3A_88, %dot_general3A_89 {dimension_numbers = #tpu.dot_dimension_numbers<[1], [0], [0], [1], [0, 0, 1, 1], [], []>, transpose_lhs_hint = false} : vector<1000x128xf32>, vector<128x128xf32>, vector<1000x128xf32> -> vector<1000x128xf32>
    %add3A_91 = arith.addf %add3A_82, %dot_general3A_90 : vector<1000x128xf32>
    %max3A = arith.constant 0.000000e+00 : f32
    %max3A_92 = vector.broadcast %max3A : f32 to vector<1000x128xf32>
    %max3A_93 = arith.maximumf %add3A_91, %max3A_92 : vector<1000x128xf32>
    %swap3A = arith.constant 0 : index
    %swap3A_94 = arith.constant 0 : index
    %swap3A_95 = arith.constant 0 : index
    %swap3A_96 = vector.load %arg4[%swap3A, %swap3A_94, %swap3A_95] : memref<1x1000x128xf32, #tpu.memory_space<vmem>>, vector<1x1000x128xf32>
    %swap3A_97 = vector.shape_cast %swap3A_96 : vector<1x1000x128xf32> to vector<1000x128xf32>
    %swap3A_98 = vector.shape_cast %max3A_93 : vector<1000x128xf32> to vector<1x1000x128xf32>
    tpu.vector_store %arg4[%swap3A, %swap3A_94, %swap3A_95], %swap3A_98 {strides = array<i32>} : memref<1x1000x128xf32, #tpu.memory_space<vmem>>, vector<1x1000x128xf32>,
    return
  }
  func.func @transform_0(%arg0: i32) -> (i32, i32, i32) {
    %c0_i32 = arith.constant 0 : i32
    %c0_i32_0 = arith.constant 0 : i32
    %c0_i32_1 = arith.constant 0 : i32
    return %arg0, %c0_i32, %c0_i32_0 : i32, i32, i32
  }
  func.func @transform_1(%arg0: i32) -> (i32, i32, i32) {
    %c0_i32 = arith.constant 0 : i32
    %c0_i32_0 = arith.constant 0 : i32
    %c0_i32_1 = arith.constant 0 : i32
    %c0_i32_2 = arith.constant 0 : i32
    return %c0_i32, %c0_i32_0, %c0_i32_1 : i32, i32, i32
  }
  func.func @transform_2(%arg0: i32) -> (i32, i32) {
    %c0_i32 = arith.constant 0 : i32
    %c0_i32_0 = arith.constant 0 : i32
    %c0_i32_1 = arith.constant 0 : i32
    return %c0_i32, %c0_i32_0 : i32, i32
  }
  func.func @transform_3(%arg0: i32) -> (i32, i32, i32) {
    %c0_i32 = arith.constant 0 : i32
    %c0_i32_0 = arith.constant 0 : i32
    %c0_i32_1 = arith.constant 0 : i32
    return %arg0, %c0_i32, %c0_i32_0 : i32, i32, i32
  }
}

module attributes {stable_mosaic.version = 14 : i64} {
  func.func @_bn2_body(%arg0: memref<10000x128xf32, #tpu.memory_space<vmem>>, %arg1: memref<10000x128xf32, #tpu.memory_space<vmem>>, %arg2: memref<10000x1xf32, #tpu.memory_space<vmem>>, %arg3: memref<10000x1xf32, #tpu.memory_space<vmem>>, %arg4: memref<1x128xf32, #tpu.memory_space<vmem>>, %arg5: memref<1x128xf32, #tpu.memory_space<vmem>>, %arg6: memref<1x128xf32, #tpu.memory_space<vmem>>, %arg7: memref<10000x128xf32, #tpu.memory_space<vmem>>) attributes {dimension_semantics = [], scalar_prefetch = 0 : i64, scratch_operands = 0 : i64, tpu.core_type = #tpu.core_type<tc>} {
    %get3A = arith.constant 0 : index
    %get3A_0 = arith.constant 0 : index
    %get3A_1 = vector.load %arg2[%get3A, %get3A_0] : memref<10000x1xf32, #tpu.memory_space<vmem>>, vector<10000x1xf32>
    %get3A_2 = arith.constant 0 : index
    %get3A_3 = arith.constant 0 : index
    %get3A_4 = vector.load %arg3[%get3A_2, %get3A_3] : memref<10000x1xf32, #tpu.memory_space<vmem>>, vector<10000x1xf32>
    %add3A = arith.addf %get3A_1, %get3A_4 : vector<10000x1xf32>
    %get3A_5 = arith.constant 0 : index
    %get3A_6 = arith.constant 0 : index
    %get3A_7 = vector.load %arg0[%get3A_5, %get3A_6] : memref<10000x128xf32, #tpu.memory_space<vmem>>, vector<10000x128xf32>
    %get3A_8 = arith.constant 0 : index
    %get3A_9 = arith.constant 0 : index
    %get3A_10 = vector.load %arg1[%get3A_8, %get3A_9] : memref<10000x128xf32, #tpu.memory_space<vmem>>, vector<10000x128xf32>
    %add3A_11 = arith.addf %get3A_7, %get3A_10 : vector<10000x128xf32>
    %add3A_12 = arith.constant 1.000000e-16 : f32
    %add3A_13 = vector.broadcast %add3A_12 : f32 to vector<10000x1xf32>
    %add3A_14 = arith.addf %add3A, %add3A_13 : vector<10000x1xf32>
    %div3A = vector.broadcast %add3A_14 : vector<10000x1xf32> to vector<10000x128xf32>
    %div3A_15 = arith.divf %add3A_11, %div3A : vector<10000x128xf32>
    %get3A_16 = arith.constant 0 : index
    %get3A_17 = arith.constant 0 : index
    %get3A_18 = vector.load %arg4[%get3A_16, %get3A_17] : memref<1x128xf32, #tpu.memory_space<vmem>>, vector<1x128xf32>
    %add3A_19 = vector.broadcast %get3A_18 : vector<1x128xf32> to vector<10000x128xf32>
    %add3A_20 = arith.addf %div3A_15, %add3A_19 : vector<10000x128xf32>
    %reduce_sum3A = arith.constant dense<0.000000e+00> : vector<128xf32>
    %reduce_sum3A_21 = vector.multi_reduction <add>, %add3A_20, %reduce_sum3A [0] : vector<10000x128xf32> to vector<128xf32>
    %broadcast_in_dim3A = vector.shape_cast %reduce_sum3A_21 : vector<128xf32> to vector<1x128xf32>
    %div3A_22 = arith.constant 1.000000e+04 : f32
    %div3A_23 = vector.broadcast %div3A_22 : f32 to vector<1x128xf32>
    %div3A_24 = arith.divf %broadcast_in_dim3A, %div3A_23 : vector<1x128xf32>
    %sub3A = vector.broadcast %div3A_24 : vector<1x128xf32> to vector<10000x128xf32>
    %sub3A_25 = arith.subf %add3A_20, %sub3A : vector<10000x128xf32>
    %integer_pow3A = arith.mulf %sub3A_25, %sub3A_25 : vector<10000x128xf32>
    %reduce_sum3A_26 = arith.constant dense<0.000000e+00> : vector<128xf32>
    %reduce_sum3A_27 = vector.multi_reduction <add>, %integer_pow3A, %reduce_sum3A_26 [0] : vector<10000x128xf32> to vector<128xf32>
    %broadcast_in_dim3A_28 = vector.shape_cast %reduce_sum3A_27 : vector<128xf32> to vector<1x128xf32>
    %div3A_29 = arith.constant 1.000000e+04 : f32
    %div3A_30 = vector.broadcast %div3A_29 : f32 to vector<1x128xf32>
    %div3A_31 = arith.divf %broadcast_in_dim3A_28, %div3A_30 : vector<1x128xf32>
    %sub3A_32 = vector.broadcast %div3A_24 : vector<1x128xf32> to vector<10000x128xf32>
    %sub3A_33 = arith.subf %add3A_20, %sub3A_32 : vector<10000x128xf32>
    %add3A_34 = arith.constant 9.99999974E-6 : f32
    %add3A_35 = vector.broadcast %add3A_34 : f32 to vector<1x128xf32>
    %add3A_36 = arith.addf %div3A_31, %add3A_35 : vector<1x128xf32>
    %rsqrt3A = math.rsqrt %add3A_36 : vector<1x128xf32>
    %mul3A = vector.broadcast %rsqrt3A : vector<1x128xf32> to vector<10000x128xf32>
    %mul3A_37 = arith.mulf %sub3A_33, %mul3A : vector<10000x128xf32>
    %get3A_38 = arith.constant 0 : index
    %get3A_39 = arith.constant 0 : index
    %get3A_40 = vector.load %arg5[%get3A_38, %get3A_39] : memref<1x128xf32, #tpu.memory_space<vmem>>, vector<1x128xf32>
    %mul3A_41 = vector.broadcast %get3A_40 : vector<1x128xf32> to vector<10000x128xf32>
    %mul3A_42 = arith.mulf %mul3A_37, %mul3A_41 : vector<10000x128xf32>
    %get3A_43 = arith.constant 0 : index
    %get3A_44 = arith.constant 0 : index
    %get3A_45 = vector.load %arg6[%get3A_43, %get3A_44] : memref<1x128xf32, #tpu.memory_space<vmem>>, vector<1x128xf32>
    %add3A_46 = vector.broadcast %get3A_45 : vector<1x128xf32> to vector<10000x128xf32>
    %add3A_47 = arith.addf %mul3A_42, %add3A_46 : vector<10000x128xf32>
    %max3A = arith.constant 0.000000e+00 : f32
    %max3A_48 = vector.broadcast %max3A : f32 to vector<10000x128xf32>
    %max3A_49 = arith.maximumf %add3A_47, %max3A_48 : vector<10000x128xf32>
    %swap3A = arith.constant 0 : index
    %swap3A_50 = arith.constant 0 : index
    %swap3A_51 = vector.load %arg7[%swap3A, %swap3A_50] : memref<10000x128xf32, #tpu.memory_space<vmem>>, vector<10000x128xf32>
    tpu.vector_store %arg7[%swap3A, %swap3A_50], %max3A_49 {strides = array<i32>} : memref<10000x128xf32, #tpu.memory_space<vmem>>, vector<10000x128xf32>,
    return
  }
}

module attributes {stable_mosaic.version = 14 : i64} {
  func.func @_convT_body(%arg0: i32, %arg1: memref<1x1000x128xf32, #tpu.memory_space<vmem>>, %arg2: memref<9x128x128xf32, #tpu.memory_space<vmem>>, %arg3: memref<1x128xf32, #tpu.memory_space<vmem>>, %arg4: memref<1x1000x128xf32, #tpu.memory_space<vmem>>) attributes {dimension_semantics = [#tpu.dimension_semantics<arbitrary>], iteration_bounds = array<i64: 10>, scalar_prefetch = 0 : i64, scratch_operands = 0 : i64, tpu.core_type = #tpu.core_type<tc>, window_params = [{transform_indices = @transform_0, window_bounds = array<i64: 1, 1000, 128>}, {pipeline_mode = #tpu.pipeline_mode<synchronous>, transform_indices = @transform_1, window_bounds = array<i64: 9, 128, 128>}, {pipeline_mode = #tpu.pipeline_mode<synchronous>, transform_indices = @transform_2, window_bounds = array<i64: 1, 128>}, {transform_indices = @transform_3, window_bounds = array<i64: 1, 1000, 128>}]} {
    %get3A = arith.constant 0 : index
    %get3A_0 = arith.constant 0 : index
    %get3A_1 = arith.constant 0 : index
    %get3A_2 = vector.load %arg1[%get3A, %get3A_0, %get3A_1] : memref<1x1000x128xf32, #tpu.memory_space<vmem>>, vector<1x1000x128xf32>
    %get3A_3 = vector.shape_cast %get3A_2 : vector<1x1000x128xf32> to vector<1000x128xf32>
    %broadcast_in_dim3A = arith.constant 0.000000e+00 : f32
    %broadcast_in_dim3A_4 = vector.broadcast %broadcast_in_dim3A : f32 to vector<4x128xf32>
    %broadcast_in_dim3A_5 = arith.constant 0.000000e+00 : f32
    %broadcast_in_dim3A_6 = vector.broadcast %broadcast_in_dim3A_5 : f32 to vector<4x128xf32>
    %concatenate3A = tpu.concatenate %broadcast_in_dim3A_4, %get3A_3, %broadcast_in_dim3A_6 in 0 : vector<4x128xf32>, vector<1000x128xf32>, vector<4x128xf32> -> vector<1008x128xf32>
    %get3A_7 = arith.constant 0 : index
    %get3A_8 = arith.constant 0 : index
    %get3A_9 = vector.load %arg3[%get3A_7, %get3A_8] : memref<1x128xf32, #tpu.memory_space<vmem>>, vector<1x128xf32>
    %broadcast_in_dim3A_10 = arith.constant 1.000000e+00 : f32
    %broadcast_in_dim3A_11 = vector.broadcast %broadcast_in_dim3A_10 : f32 to vector<1000x1xf32>
    %mul3A = vector.broadcast %get3A_9 : vector<1x128xf32> to vector<1000x128xf32>
    %mul3A_12 = vector.broadcast %broadcast_in_dim3A_11 : vector<1000x1xf32> to vector<1000x128xf32>
    %mul3A_13 = arith.mulf %mul3A, %mul3A_12 : vector<1000x128xf32>
    %slice3A = vector.extract_strided_slice %concatenate3A {offsets = [0, 0], sizes = [1000, 128], strides = [1, 1]} : vector<1008x128xf32> to vector<1000x128xf32>
    %get3A_14 = arith.constant 0 : index
    %get3A_15 = arith.constant 0 : index
    %get3A_16 = arith.constant 0 : index
    %get3A_17 = vector.load %arg2[%get3A_14, %get3A_15, %get3A_16] : memref<9x128x128xf32, #tpu.memory_space<vmem>>, vector<1x128x128xf32>
    %get3A_18 = vector.shape_cast %get3A_17 : vector<1x128x128xf32> to vector<128x128xf32>
    %dot_general3A = arith.constant dense<0.000000e+00> : vector<1000x128xf32>
    %dot_general3A_19 = tpu.matmul %slice3A, %get3A_18, %dot_general3A {dimension_numbers = #tpu.dot_dimension_numbers<[1], [0], [0], [1], [0, 0, 1, 1], [], []>, transpose_lhs_hint = false} : vector<1000x128xf32>, vector<128x128xf32>, vector<1000x128xf32> -> vector<1000x128xf32>
    %add3A = arith.addf %mul3A_13, %dot_general3A_19 : vector<1000x128xf32>
    %slice3A_20 = vector.extract_strided_slice %concatenate3A {offsets = [1, 0], sizes = [1000, 128], strides = [1, 1]} : vector<1008x128xf32> to vector<1000x128xf32>
    %get3A_21 = arith.constant 1 : index
    %get3A_22 = arith.constant 0 : index
    %get3A_23 = arith.constant 0 : index
    %get3A_24 = vector.load %arg2[%get3A_21, %get3A_22, %get3A_23] : memref<9x128x128xf32, #tpu.memory_space<vmem>>, vector<1x128x128xf32>
    %get3A_25 = vector.shape_cast %get3A_24 : vector<1x128x128xf32> to vector<128x128xf32>
    %dot_general3A_26 = arith.constant dense<0.000000e+00> : vector<1000x128xf32>
    %dot_general3A_27 = tpu.matmul %slice3A_20, %get3A_25, %dot_general3A_26 {dimension_numbers = #tpu.dot_dimension_numbers<[1], [0], [0], [1], [0, 0, 1, 1], [], []>, transpose_lhs_hint = false} : vector<1000x128xf32>, vector<128x128xf32>, vector<1000x128xf32> -> vector<1000x128xf32>
    %add3A_28 = arith.addf %add3A, %dot_general3A_27 : vector<1000x128xf32>
    %slice3A_29 = vector.extract_strided_slice %concatenate3A {offsets = [2, 0], sizes = [1000, 128], strides = [1, 1]} : vector<1008x128xf32> to vector<1000x128xf32>
    %get3A_30 = arith.constant 2 : index
    %get3A_31 = arith.constant 0 : index
    %get3A_32 = arith.constant 0 : index
    %get3A_33 = vector.load %arg2[%get3A_30, %get3A_31, %get3A_32] : memref<9x128x128xf32, #tpu.memory_space<vmem>>, vector<1x128x128xf32>
    %get3A_34 = vector.shape_cast %get3A_33 : vector<1x128x128xf32> to vector<128x128xf32>
    %dot_general3A_35 = arith.constant dense<0.000000e+00> : vector<1000x128xf32>
    %dot_general3A_36 = tpu.matmul %slice3A_29, %get3A_34, %dot_general3A_35 {dimension_numbers = #tpu.dot_dimension_numbers<[1], [0], [0], [1], [0, 0, 1, 1], [], []>, transpose_lhs_hint = false} : vector<1000x128xf32>, vector<128x128xf32>, vector<1000x128xf32> -> vector<1000x128xf32>
    %add3A_37 = arith.addf %add3A_28, %dot_general3A_36 : vector<1000x128xf32>
    %slice3A_38 = vector.extract_strided_slice %concatenate3A {offsets = [3, 0], sizes = [1000, 128], strides = [1, 1]} : vector<1008x128xf32> to vector<1000x128xf32>
    %get3A_39 = arith.constant 3 : index
    %get3A_40 = arith.constant 0 : index
    %get3A_41 = arith.constant 0 : index
    %get3A_42 = vector.load %arg2[%get3A_39, %get3A_40, %get3A_41] : memref<9x128x128xf32, #tpu.memory_space<vmem>>, vector<1x128x128xf32>
    %get3A_43 = vector.shape_cast %get3A_42 : vector<1x128x128xf32> to vector<128x128xf32>
    %dot_general3A_44 = arith.constant dense<0.000000e+00> : vector<1000x128xf32>
    %dot_general3A_45 = tpu.matmul %slice3A_38, %get3A_43, %dot_general3A_44 {dimension_numbers = #tpu.dot_dimension_numbers<[1], [0], [0], [1], [0, 0, 1, 1], [], []>, transpose_lhs_hint = false} : vector<1000x128xf32>, vector<128x128xf32>, vector<1000x128xf32> -> vector<1000x128xf32>
    %add3A_46 = arith.addf %add3A_37, %dot_general3A_45 : vector<1000x128xf32>
    %slice3A_47 = vector.extract_strided_slice %concatenate3A {offsets = [4, 0], sizes = [1000, 128], strides = [1, 1]} : vector<1008x128xf32> to vector<1000x128xf32>
    %get3A_48 = arith.constant 4 : index
    %get3A_49 = arith.constant 0 : index
    %get3A_50 = arith.constant 0 : index
    %get3A_51 = vector.load %arg2[%get3A_48, %get3A_49, %get3A_50] : memref<9x128x128xf32, #tpu.memory_space<vmem>>, vector<1x128x128xf32>
    %get3A_52 = vector.shape_cast %get3A_51 : vector<1x128x128xf32> to vector<128x128xf32>
    %dot_general3A_53 = arith.constant dense<0.000000e+00> : vector<1000x128xf32>
    %dot_general3A_54 = tpu.matmul %slice3A_47, %get3A_52, %dot_general3A_53 {dimension_numbers = #tpu.dot_dimension_numbers<[1], [0], [0], [1], [0, 0, 1, 1], [], []>, transpose_lhs_hint = false} : vector<1000x128xf32>, vector<128x128xf32>, vector<1000x128xf32> -> vector<1000x128xf32>
    %add3A_55 = arith.addf %add3A_46, %dot_general3A_54 : vector<1000x128xf32>
    %slice3A_56 = vector.extract_strided_slice %concatenate3A {offsets = [5, 0], sizes = [1000, 128], strides = [1, 1]} : vector<1008x128xf32> to vector<1000x128xf32>
    %get3A_57 = arith.constant 5 : index
    %get3A_58 = arith.constant 0 : index
    %get3A_59 = arith.constant 0 : index
    %get3A_60 = vector.load %arg2[%get3A_57, %get3A_58, %get3A_59] : memref<9x128x128xf32, #tpu.memory_space<vmem>>, vector<1x128x128xf32>
    %get3A_61 = vector.shape_cast %get3A_60 : vector<1x128x128xf32> to vector<128x128xf32>
    %dot_general3A_62 = arith.constant dense<0.000000e+00> : vector<1000x128xf32>
    %dot_general3A_63 = tpu.matmul %slice3A_56, %get3A_61, %dot_general3A_62 {dimension_numbers = #tpu.dot_dimension_numbers<[1], [0], [0], [1], [0, 0, 1, 1], [], []>, transpose_lhs_hint = false} : vector<1000x128xf32>, vector<128x128xf32>, vector<1000x128xf32> -> vector<1000x128xf32>
    %add3A_64 = arith.addf %add3A_55, %dot_general3A_63 : vector<1000x128xf32>
    %slice3A_65 = vector.extract_strided_slice %concatenate3A {offsets = [6, 0], sizes = [1000, 128], strides = [1, 1]} : vector<1008x128xf32> to vector<1000x128xf32>
    %get3A_66 = arith.constant 6 : index
    %get3A_67 = arith.constant 0 : index
    %get3A_68 = arith.constant 0 : index
    %get3A_69 = vector.load %arg2[%get3A_66, %get3A_67, %get3A_68] : memref<9x128x128xf32, #tpu.memory_space<vmem>>, vector<1x128x128xf32>
    %get3A_70 = vector.shape_cast %get3A_69 : vector<1x128x128xf32> to vector<128x128xf32>
    %dot_general3A_71 = arith.constant dense<0.000000e+00> : vector<1000x128xf32>
    %dot_general3A_72 = tpu.matmul %slice3A_65, %get3A_70, %dot_general3A_71 {dimension_numbers = #tpu.dot_dimension_numbers<[1], [0], [0], [1], [0, 0, 1, 1], [], []>, transpose_lhs_hint = false} : vector<1000x128xf32>, vector<128x128xf32>, vector<1000x128xf32> -> vector<1000x128xf32>
    %add3A_73 = arith.addf %add3A_64, %dot_general3A_72 : vector<1000x128xf32>
    %slice3A_74 = vector.extract_strided_slice %concatenate3A {offsets = [7, 0], sizes = [1000, 128], strides = [1, 1]} : vector<1008x128xf32> to vector<1000x128xf32>
    %get3A_75 = arith.constant 7 : index
    %get3A_76 = arith.constant 0 : index
    %get3A_77 = arith.constant 0 : index
    %get3A_78 = vector.load %arg2[%get3A_75, %get3A_76, %get3A_77] : memref<9x128x128xf32, #tpu.memory_space<vmem>>, vector<1x128x128xf32>
    %get3A_79 = vector.shape_cast %get3A_78 : vector<1x128x128xf32> to vector<128x128xf32>
    %dot_general3A_80 = arith.constant dense<0.000000e+00> : vector<1000x128xf32>
    %dot_general3A_81 = tpu.matmul %slice3A_74, %get3A_79, %dot_general3A_80 {dimension_numbers = #tpu.dot_dimension_numbers<[1], [0], [0], [1], [0, 0, 1, 1], [], []>, transpose_lhs_hint = false} : vector<1000x128xf32>, vector<128x128xf32>, vector<1000x128xf32> -> vector<1000x128xf32>
    %add3A_82 = arith.addf %add3A_73, %dot_general3A_81 : vector<1000x128xf32>
    %slice3A_83 = vector.extract_strided_slice %concatenate3A {offsets = [8, 0], sizes = [1000, 128], strides = [1, 1]} : vector<1008x128xf32> to vector<1000x128xf32>
    %get3A_84 = arith.constant 8 : index
    %get3A_85 = arith.constant 0 : index
    %get3A_86 = arith.constant 0 : index
    %get3A_87 = vector.load %arg2[%get3A_84, %get3A_85, %get3A_86] : memref<9x128x128xf32, #tpu.memory_space<vmem>>, vector<1x128x128xf32>
    %get3A_88 = vector.shape_cast %get3A_87 : vector<1x128x128xf32> to vector<128x128xf32>
    %dot_general3A_89 = arith.constant dense<0.000000e+00> : vector<1000x128xf32>
    %dot_general3A_90 = tpu.matmul %slice3A_83, %get3A_88, %dot_general3A_89 {dimension_numbers = #tpu.dot_dimension_numbers<[1], [0], [0], [1], [0, 0, 1, 1], [], []>, transpose_lhs_hint = false} : vector<1000x128xf32>, vector<128x128xf32>, vector<1000x128xf32> -> vector<1000x128xf32>
    %add3A_91 = arith.addf %add3A_82, %dot_general3A_90 : vector<1000x128xf32>
    %swap3A = arith.constant 0 : index
    %swap3A_92 = arith.constant 0 : index
    %swap3A_93 = arith.constant 0 : index
    %swap3A_94 = vector.load %arg4[%swap3A, %swap3A_92, %swap3A_93] : memref<1x1000x128xf32, #tpu.memory_space<vmem>>, vector<1x1000x128xf32>
    %swap3A_95 = vector.shape_cast %swap3A_94 : vector<1x1000x128xf32> to vector<1000x128xf32>
    %swap3A_96 = vector.shape_cast %add3A_91 : vector<1000x128xf32> to vector<1x1000x128xf32>
    tpu.vector_store %arg4[%swap3A, %swap3A_92, %swap3A_93], %swap3A_96 {strides = array<i32>} : memref<1x1000x128xf32, #tpu.memory_space<vmem>>, vector<1x1000x128xf32>,
    return
  }
  func.func @transform_0(%arg0: i32) -> (i32, i32, i32) {
    %c0_i32 = arith.constant 0 : i32
    %c0_i32_0 = arith.constant 0 : i32
    %c0_i32_1 = arith.constant 0 : i32
    return %arg0, %c0_i32, %c0_i32_0 : i32, i32, i32
  }
  func.func @transform_1(%arg0: i32) -> (i32, i32, i32) {
    %c0_i32 = arith.constant 0 : i32
    %c0_i32_0 = arith.constant 0 : i32
    %c0_i32_1 = arith.constant 0 : i32
    %c0_i32_2 = arith.constant 0 : i32
    return %c0_i32, %c0_i32_0, %c0_i32_1 : i32, i32, i32
  }
  func.func @transform_2(%arg0: i32) -> (i32, i32) {
    %c0_i32 = arith.constant 0 : i32
    %c0_i32_0 = arith.constant 0 : i32
    %c0_i32_1 = arith.constant 0 : i32
    return %c0_i32, %c0_i32_0 : i32, i32
  }
  func.func @transform_3(%arg0: i32) -> (i32, i32, i32) {
    %c0_i32 = arith.constant 0 : i32
    %c0_i32_0 = arith.constant 0 : i32
    %c0_i32_1 = arith.constant 0 : i32
    return %arg0, %c0_i32, %c0_i32_0 : i32, i32, i32
  }
}

module attributes {stable_mosaic.version = 14 : i64} {
  func.func @_bn3b_body(%arg0: memref<10x1000x128xf32, #tpu.memory_space<vmem>>, %arg1: memref<10x1000x128xf32, #tpu.memory_space<vmem>>, %arg2: memref<1x1x128xf32, #tpu.memory_space<vmem>>, %arg3: memref<1x1x128xf32, #tpu.memory_space<vmem>>, %arg4: memref<10x1000x128xf32, #tpu.memory_space<vmem>>) attributes {dimension_semantics = [], scalar_prefetch = 0 : i64, scratch_operands = 0 : i64, tpu.core_type = #tpu.core_type<tc>} {
    %get3A = arith.constant 0 : index
    %get3A_0 = arith.constant 0 : index
    %get3A_1 = arith.constant 0 : index
    %get3A_2 = vector.load %arg0[%get3A, %get3A_0, %get3A_1] : memref<10x1000x128xf32, #tpu.memory_space<vmem>>, vector<10x1000x128xf32>
    %reduce_sum3A = arith.constant dense<0.000000e+00> : vector<128xf32>
    %reduce_sum3A_3 = vector.multi_reduction <add>, %get3A_2, %reduce_sum3A [0, 1] : vector<10x1000x128xf32> to vector<128xf32>
    %broadcast_in_dim3A = vector.shape_cast %reduce_sum3A_3 : vector<128xf32> to vector<1x1x128xf32>
    %div3A = arith.constant 1.000000e+04 : f32
    %div3A_4 = vector.broadcast %div3A : f32 to vector<1x1x128xf32>
    %div3A_5 = arith.divf %broadcast_in_dim3A, %div3A_4 : vector<1x1x128xf32>
    %sub3A = vector.broadcast %div3A_5 : vector<1x1x128xf32> to vector<10x1000x128xf32>
    %sub3A_6 = arith.subf %get3A_2, %sub3A : vector<10x1000x128xf32>
    %integer_pow3A = arith.mulf %sub3A_6, %sub3A_6 : vector<10x1000x128xf32>
    %reduce_sum3A_7 = arith.constant dense<0.000000e+00> : vector<128xf32>
    %reduce_sum3A_8 = vector.multi_reduction <add>, %integer_pow3A, %reduce_sum3A_7 [0, 1] : vector<10x1000x128xf32> to vector<128xf32>
    %broadcast_in_dim3A_9 = vector.shape_cast %reduce_sum3A_8 : vector<128xf32> to vector<1x1x128xf32>
    %div3A_10 = arith.constant 1.000000e+04 : f32
    %div3A_11 = vector.broadcast %div3A_10 : f32 to vector<1x1x128xf32>
    %div3A_12 = arith.divf %broadcast_in_dim3A_9, %div3A_11 : vector<1x1x128xf32>
    %sub3A_13 = vector.broadcast %div3A_5 : vector<1x1x128xf32> to vector<10x1000x128xf32>
    %sub3A_14 = arith.subf %get3A_2, %sub3A_13 : vector<10x1000x128xf32>
    %add3A = arith.constant 9.99999974E-6 : f32
    %add3A_15 = vector.broadcast %add3A : f32 to vector<1x1x128xf32>
    %add3A_16 = arith.addf %div3A_12, %add3A_15 : vector<1x1x128xf32>
    %rsqrt3A = math.rsqrt %add3A_16 : vector<1x1x128xf32>
    %mul3A = vector.broadcast %rsqrt3A : vector<1x1x128xf32> to vector<10x1000x128xf32>
    %mul3A_17 = arith.mulf %sub3A_14, %mul3A : vector<10x1000x128xf32>
    %get3A_18 = arith.constant 0 : index
    %get3A_19 = arith.constant 0 : index
    %get3A_20 = arith.constant 0 : index
    %get3A_21 = vector.load %arg2[%get3A_18, %get3A_19, %get3A_20] : memref<1x1x128xf32, #tpu.memory_space<vmem>>, vector<1x1x128xf32>
    %mul3A_22 = vector.broadcast %get3A_21 : vector<1x1x128xf32> to vector<10x1000x128xf32>
    %mul3A_23 = arith.mulf %mul3A_17, %mul3A_22 : vector<10x1000x128xf32>
    %get3A_24 = arith.constant 0 : index
    %get3A_25 = arith.constant 0 : index
    %get3A_26 = arith.constant 0 : index
    %get3A_27 = vector.load %arg3[%get3A_24, %get3A_25, %get3A_26] : memref<1x1x128xf32, #tpu.memory_space<vmem>>, vector<1x1x128xf32>
    %add3A_28 = vector.broadcast %get3A_27 : vector<1x1x128xf32> to vector<10x1000x128xf32>
    %add3A_29 = arith.addf %mul3A_23, %add3A_28 : vector<10x1000x128xf32>
    %max3A = arith.constant 0.000000e+00 : f32
    %max3A_30 = vector.broadcast %max3A : f32 to vector<10x1000x128xf32>
    %max3A_31 = arith.maximumf %add3A_29, %max3A_30 : vector<10x1000x128xf32>
    %get3A_32 = arith.constant 0 : index
    %get3A_33 = arith.constant 0 : index
    %get3A_34 = arith.constant 0 : index
    %get3A_35 = vector.load %arg1[%get3A_32, %get3A_33, %get3A_34] : memref<10x1000x128xf32, #tpu.memory_space<vmem>>, vector<10x1000x128xf32>
    %add3A_36 = arith.addf %get3A_35, %max3A_31 : vector<10x1000x128xf32>
    %swap3A = arith.constant 0 : index
    %swap3A_37 = arith.constant 0 : index
    %swap3A_38 = arith.constant 0 : index
    %swap3A_39 = vector.load %arg4[%swap3A, %swap3A_37, %swap3A_38] : memref<10x1000x128xf32, #tpu.memory_space<vmem>>, vector<10x1000x128xf32>
    tpu.vector_store %arg4[%swap3A, %swap3A_37, %swap3A_38], %add3A_36 {strides = array<i32>} : memref<10x1000x128xf32, #tpu.memory_space<vmem>>, vector<10x1000x128xf32>,
    return
  }
}

</mosaic_0001>

<sc_bundles>
// kernel: kernel.9.cloned.1.call-start
scs
__scs_entry_jumppad:
0x0: {  	(pc) =	sbr.rel $0x88, $3  }
0x1: {  	(tag) =	ssettag $0x0;
	lr =	simm.s32 $0x1  }
0x2: {  	[smem:$0x3F91] =	sst lr;
	_ =	strace $0xD0000000  }
0x3: {  	_ = 	snop  }
0x4: {  	_ = 	snop  }
0x5: {  	_ = 	snop  }
0x6: {  	_ = 	snop  }
0x7: {  	_ = 	snop  }
__scs_overlays_trampoline_lowered:
0x8: {  	[smem:$0x3FA0] =	sst s0  }
0x9: {  	[smem:$0x3FA1] =	sst s1  }
0xa: {  	[smem:$0x3FA2] =	sst s2  }
0xb: {  	[smem:$0x3FA3] =	sst s3  }
0xc: {  	[smem:$0x3FA4] =	sst s4  }
0xd: {  	[smem:$0x3FA5] =	sst s5  }
0xe: {  	[smem:$0x3FA6] =	sst s6  }
0xf: {  	[smem:$0x3FA7] =	sst s7  }
0x10: {  	[smem:$0x3FA8] =	sst s8  }
0x11: {  	[smem:$0x3FA9] =	sst s9;
	s0 =	simm.s32 @!p0 $0x0  }
0x12: {  	s1 =	sld [smem:$0x3F8F];
	s0 =	simm.s32 @p0 $0x1  }
0x13: {  	[smem:$0x3FAA] =	sst s0;
	s0 =	simm.s32 @!p1 $0x0  }
0x14: {  	s2 =	sld [smem:$0x3F8E];
	s0 =	simm.s32 @p1 $0x1  }
0x15: {  	[smem:$0x3FAB] =	sst s0;
	s0 =	simm.s32 @!p2 $0x0  }
0x16: {  	s3 =	sld [smem:$0x3FDB];
	s0 =	simm.s32 @p2 $0x1  }
0x17: {  	s4 =	simm.s32 $0x1BF5;
	[smem:$0x3FAD] =	sst s0  }
0x18: {  	s0 =	sld [smem:$0x3F90];
	_ =	swait.ge [sflag:s4], $0x0  }
0x19: {  	s7 =	sld [smem:$0x3F91]  }
0x1a: {  	s8 =	sadd.s32 $0xFFFFE003, lr  }
0x1b: {  	s9 =	sadd.s32 $0xFFFFFEF7, lr;
	s5 =	simm.s32 $0xFFFFFFFF;
	p2 =	slt.u32 s8, $0xFFFFF086  }
0x1c: {  	p1 =	slt.u32 s9, $0xF7A;
	s5 =	simm.s32 @!p2 $0x0  }
0x1d: {  	s5 =	simm.s32 @p1 $0x1;
	p0 =	seq.s32 s7, s2  }
0x1e: {  	s7 =	smul.u32 @!p0 $0xF7A, s2;
	p2 =	seq.s32 @!p0 s5, $0x0  }
0x1f: {  	s9 =	smul.u32 $0xF7A, s1;
	s8 =	simm.s32 @!p0 $0x1BF5;
	p2 =	por !p2, p0  }
0x20: {  	[sflag:s8] =	ssyncset.s32 @!p0 $0xFFFFF086;
	s6 =	sadd.s32 @!p0 s3, s7;
	s7 =	simm.s32 @!p0 $0x108  }
0x21: {  	s3 =	sadd.s32 s3, s9;
	s6 =	sadd.s32 @!p0 $0x88, s6;
	s7 =	simm.s32 @p2 $0x1082  }
0x22: {  	[simem:s7], [sflag:s8] =	dma.local @!p0 [hbm:s6], $0xF7A  }
0x23: {  	s9 =	sor.u32 $0xD0000000, s2;
	s6 =	simm.s32 $0x108;
	_ =	swait.ge @!p0 [sflag:s8], $0x0  }
0x24: {  	s3 =	sadd.s32 $0x88, s3;
	s6 =	simm.s32 @!p1 $0x1082;
	[sflag:s4] =	ssyncset.s32 $0xFFFFF086  }
0x25: {  	[simem:s6], [sflag:s4] =	dma.local [hbm:s3], $0xF7A  }
0x26: {  	[smem:$0x3F91] =	sst s1;
	(tag) =	ssettag s2;
	_ =	strace s9  }
0x27: {  	s1 =	sld [smem:$0x3FA1]  }
0x28: {  	s2 =	sld [smem:$0x3FA2]  }
0x29: {  	s4 =	sld [smem:$0x3FA4]  }
0x2a: {  	p0 =	seq.s32 s5, $0x0;
	s5 =	sld [smem:$0x3FA5]  }
0x2b: {  	s6 =	sld [smem:$0x3FA6]  }
0x2c: {  	s7 =	sld [smem:$0x3FA7]  }
0x2d: {  	s3 =	simm.s32 $0x108;
	s8 =	sld [smem:$0x3FA8]  }
0x2e: {  	s3 =	simm.s32 @!p0 $0x1082;
	s9 =	sld [smem:$0x3FA9]  }
0x2f: {  	lr =	sadd.s32 s0, s3;
	s0 =	sld [smem:$0x3FA0]  }
0x30: {  	s3 =	sld [smem:$0x3FA3]  }
0x31: {  	[smem:$0x3FAC] =	sst s10  }
0x32: {  	s10 =	sld [smem:$0x3FAA];
	_ =	sdelay $0x3  }
0x33: {  	p0 =	seq.s32 s10, $0x1;
	s10 =	sld [smem:$0x3FAC];
	_ =	sdelay $0x3  }
0x34: {  	[smem:$0x3FAC] =	sst s10  }
0x35: {  	s10 =	sld [smem:$0x3FAB];
	_ =	sdelay $0x3  }
0x36: {  	p1 =	seq.s32 s10, $0x1;
	s10 =	sld [smem:$0x3FAC];
	_ =	sdelay $0x3  }
0x37: {  	[smem:$0x3FAC] =	sst s10  }
0x38: {  	s10 =	sld [smem:$0x3FAD]  }
0x39: {  	_ = 	snop;
	(pc) =	sbr.ind lr, $3  }
0x3a: {  	_ = 	snop  }
0x3b: {  	_ = 	snop  }
0x3c: {  	p2 =	seq.s32 s10, $0x1;
	s10 =	sld [smem:$0x3FAC]  }
0x3d: {  	_ =	shalt  }
0x3e: {  	_ =	shalt  }
0x3f: {  	_ =	shalt  }
0x40: {  	_ =	shalt  }
0x41: {  	_ =	shalt  }
0x42: {  	_ =	shalt  }
0x43: {  	_ =	shalt  }
0x44: {  	_ =	shalt  }
0x45: {  	_ =	shalt  }
0x46: {  	_ =	shalt  }
0x47: {  	_ =	shalt  }
0x48: {  	_ =	shalt  }
0x49: {  	_ =	shalt  }
0x4a: {  	_ =	shalt  }
0x4b: {  	_ =	shalt  }
0x4c: {  	_ =	shalt  }
0x4d: {  	_ =	shalt  }
0x4e: {  	_ =	shalt  }
0x4f: {  	_ =	shalt  }
0x50: {  	_ =	shalt  }
0x51: {  	_ =	shalt  }
0x52: {  	_ =	shalt  }
0x53: {  	_ =	shalt  }
0x54: {  	_ =	shalt  }
0x55: {  	_ =	shalt  }
0x56: {  	_ =	shalt  }
0x57: {  	_ =	shalt  }
0x58: {  	_ =	shalt  }
0x59: {  	_ =	shalt  }
0x5a: {  	_ =	shalt  }
0x5b: {  	_ =	shalt  }
0x5c: {  	_ =	shalt  }
0x5d: {  	_ =	shalt  }
0x5e: {  	_ =	shalt  }
0x5f: {  	_ =	shalt  }
0x60: {  	_ =	shalt  }
0x61: {  	_ =	shalt  }
0x62: {  	_ =	shalt  }
0x63: {  	_ =	shalt  }
0x64: {  	_ =	shalt  }
0x65: {  	_ =	shalt  }
0x66: {  	_ =	shalt  }
0x67: {  	_ =	shalt  }
0x68: {  	_ =	shalt  }
0x69: {  	_ =	shalt  }
0x6a: {  	_ =	shalt  }
0x6b: {  	_ =	shalt  }
0x6c: {  	_ =	shalt  }
0x6d: {  	_ =	shalt  }
0x6e: {  	_ =	shalt  }
0x6f: {  	_ =	shalt  }
0x70: {  	_ =	shalt  }
0x71: {  	_ =	shalt  }
0x72: {  	_ =	shalt  }
0x73: {  	_ =	shalt  }
0x74: {  	_ =	shalt  }
0x75: {  	_ =	shalt  }
0x76: {  	_ =	shalt  }
0x77: {  	_ =	shalt  }
0x78: {  	_ =	shalt  }
0x79: {  	_ =	shalt  }
0x7a: {  	_ =	shalt  }
0x7b: {  	_ =	shalt  }
0x7c: {  	_ =	shalt  }
0x7d: {  	_ =	shalt  }
0x7e: {  	_ =	shalt  }
0x7f: {  	_ =	shalt  }
0x80: {  	_ =	shalt  }
0x81: {  	_ =	shalt  }
0x82: {  	_ =	shalt  }
0x83: {  	_ =	shalt  }
0x84: {  	_ =	shalt  }
0x85: {  	_ =	shalt  }
0x86: {  	_ =	shalt  }
0x87: {  	_ =	shalt  }
.Lfunc_end0:
.L_simem_size_0:
called_computation_lowered:
.L_overlay_start_0:
0x88: {  	s2 =	sld [smem:$0x3FD9]  }
0x89: {  	s3 =	sld [smem:$0x3FFE];
	_ =	sdelay $0x1  }
0x8a: {  	s1 =	srdreg.scid  }
0x8b: {  	s0 =	sand.u32 $0x1, s1  }
0x8c: {  	s17 =	sshll.u32 s0, $0xA;
	s2 =	sadd.s32 s3, s2  }
0x8d: {  	s2 =	sadd.s32 s2, s17  }
0x8e: {  	[smem:$0x3FB8] =	sst s2  }
0x8f: {  	_ = 	snop  }
0x90: {  	s2 =	sld [smem:$0x3FC3]  }
0x91: {  	s18 =	sld [smem:$0x3FD0];
	(tm) =	ssettm $0x1  }
0x92: {  	s4 =	sld [smem:$0x3FFB];
	_ =	sdelay $0x3  }
0x93: {  	_ =	strace s4  }
0x94: {  	s4 =	sld [smem:$0x3FFC];
	_ =	sdelay $0x3  }
0x95: {  	_ =	strace s4  }
0x96: {  	s4 =	sld [smem:$0x3FFD];
	_ =	sdelay $0x3  }
0x97: {  	_ =	strace s4  }
0x98: {  	_ =	strace $0x8FFFFFFF  }
0x99: {  	s19 =	sld [smem:$0x3FDB];
	_ =	sdelay $0x1  }
0x9a: {  	s5 =	simm.s32 $_scs_section_size  }
0x9b: {  	s6 =	simm.s32 $_size__tile_overlayer_lowered;
	s7 =	simm.s32 $_tile_overlayer_lowered  }
0x9c: {  	s22 =	simm.s32 $0x1BFF;
	s21 =	sshll.u32 s7, $0x1;
	s4 =	sadd.s32 s5, s19  }
0x9d: {  	s8 =	simm.s32 $0x0;
	s20 =	sshll.u32 s6, $0x1;
	s6 =	sadd.s32 s21, s4  }
0x9e: {  	[timem:s8], [sflag:s22] =	dma.local [hbm:s6], s20  }
0x9f: {  	_ =	swait.ge [sflag:s22], s20  }
0xa0: {  	s5 =	ssub.s32 $0x0, s20;
	[sflag:s22] =	ssyncset.done $0x0  }
0xa1: {  	[sflag:s22] =	ssyncadd.s32 s5;
	_ =	sdelay $0x1  }
0xa2: {  	s23 =	simm.s32 $0x1B8B  }
0xa3: {  	_ =	swait.ge [sflag:s23], $0x1  }
0xa4: {  	[sflag:s23] =	ssyncset.done $0x0  }
0xa5: {  	s25 =	simm.s32 $0x1B8E;
	s24 =	sld [smem:$0x3FFE];
	[sflag:s23] =	ssyncadd.s32 $0xFFFFFFFF  }
0xa6: {  	s26 =	simm.s32 $execute0_lowered;
	[smem:$0x3FD2] =	sst s25  }
0xa7: {  	s6 =	sshll.u32 s26, $0x1;
	_ =	strace $0x80000046;
	[dreg:$0x1] =	wrdreg $0xFFFFFFFF  }
0xa8: {  	s28 =	simm.s32 $_size_execute0_lowered;
	s4 =	sadd.s32 s4, s6;
	[dreg:$0x0] =	wrdreg $0x0  }
0xa9: {  	s6 =	sshll.u32 s28, $0x1;
	[dreg:$0x2] =	wrdreg s4  }
0xaa: {  	[dreg:$0x3] =	wrdreg s6  }
0xab: {  	[dreg:$0x4] =	wrdreg $0xC0  }
0xac: {  	_ =	task [dreg:s8], $0x5FFFF  }
0xad: {  	[dreg:$0x1] =	wrdreg $0xFFFFFFFF  }
0xae: {  	[dreg:$0x0] =	wrdreg $0x60  }
0xaf: {  	[dreg:$0x2] =	wrdreg s18  }
0xb0: {  	[dreg:$0x3] =	wrdreg s24  }
0xb1: {  	[dreg:$0x4] =	wrdreg s2  }
0xb2: {  	[dreg:$0x5] =	wrdreg $0xB3000  }
0xb3: {  	[dreg:$0x6] =	wrdreg $0x1EB800  }
0xb4: {  	[dreg:$0x7] =	wrdreg $0x9  }
0xb5: {  	_ =	task.clear_ibuf [dreg:s8], $0x8FFFF;
	_ =	strace $0x90000046  }
0xb6: {  	s29 =	simm.s32 $0x9;
	_ =	strace $0x80000048  }
0xb7: {  	_ =	swait.ge [sflag:s29], $0x1  }
0xb8: {  	[sflag:s29] =	ssyncadd.s32 $0xFFFFFFFF  }
0xb9: {  	_ =	strace $0x90000048  }
0xba: {  	_ =	sfence  }
0xbb: {  	s30 =	sld [smem:$0x0];
	_ =	sdelay $0x2  }
0xbc: {  	s31 =	sshll.u32 s1, $0xD;
	s1 =	sshrl.u32 s1, $0x2  }
0xbd: {  	s3 =	sand.u32 $0x4000, s31;
	s1 =	sadd.s32 s1, s30  }
0xbe: {  	s0 =	sor.u32 s3, s0;
	s1 =	sshll.u32 s1, $0x11  }
0xbf: {  	s0 =	sor.u32 s1, s0  }
0xc0: {  	s0 =	sadd.s32 $0x8F2B, s0  }
0xc1: {  	[sflag:s0] =	ssyncadd.remote.s32 $0x1  }
0xc2: {  	_ =	sfence.sel $0xFFFF  }
0xc3: {  	[dreg:$0x0] =	wrdreg $0xFFFFFFFF;
	(pc) =	sbr.abs _section_cstart, $3  }
0xc4: {  	[dreg:$0x1] =	wrdreg $0xFFFFFFFF  }
0xc5: {  	_ =	task.clear_ibuf [dreg:s8], $0x2FFFF;
	_ =	strace $0x9FFFFFFF  }
0xc6: {  	(tm) =	ssettm $0x7FFFFFFF  }
0xc7: {  	_ =	shalt  }
tec
execute0_lowered:
.L_overlay_start_1:
0x0: {  	(tag) =	ssettag $0x1  }
0x1: {  	v0 =	vimm.f32 $0.0e+00;
	v1 =	vlaneseq.u32  }
0x2: {  	v2 =	vimm.s32 $0x37F;
	vm14 =	vcmask $0x300;
	v3 =	vimm.s32 $0x33221100  }
0x3: {  	vm13 =	vcmask $0x704;
	vm12 =	vcmask $0xB08;
	vm0 =	vcmask $0xF00  }
0x4: {  	vm11 =	vcmask $0xF0C;
	vm10 =	vcmask $0x1310;
	v2 =	vsel vm14, $0x200, v2  }
0x5: {  	v4 =	vimm.s32 $0x77665544;
	vm9 =	vcmask $0x1714;
	v2 =	vsel vm13, $0x211, v2  }
0x6: {  	vm8 =	vcmask $0x1B18;
	vm15 =	vcmask $0x1F10;
	v2 =	vsel vm12, $0x222, v2  }
0x7: {  	vm7 =	vcmask $0x1F1C;
	vm6 =	vcmask $0x2320;
	v2 =	vsel vm11, $0x233, v2  }
0x8: {  	vm3 =	vcmask $0x2724;
	v3 =	vunpack.c.0.s8.s32 v3;
	v2 =	vsel vm10, $0x244, v2  }
0x9: {  	s0 =	rddreg [dreg:$0x0];
	vm4 =	vcmask $0x2B28;
	v4 =	vunpack.c.0.s8.s32 v4;
	v2 =	vsel vm9, $0x255, v2  }
0xa: {  	s1 =	rddreg [dreg:$0x1];
	vm5 =	vcmask $0x2F2C;
	v3 =	vnsel vm0, $0x17F, v3;
	v2 =	vsel vm8, $0x266, v2  }
0xb: {  	s2 =	rddreg [dreg:$0x3];
	vm2 =	vcmask $0x3330;
	v3 =	vsel vm15, v4, v3;
	v2 =	vsel vm7, $0x277, v2  }
0xc: {  	s4 =	rddreg [dreg:$0x4];
	s3 =	simm.s32 $0x0;
	vm1 =	vcmask $0x3B38;
	v3 =	vsel vm6, $0x108, v3;
	v2 =	vsel vm6, $0x308, v2  }
0xd: {  	s28 =	srdreg.scid;
	s14 =	stileid.u32;
	v5 =	vimm.s32 $0x77F;
	s31 =	simm.s32 $0x50;
	v3 =	vsel vm3, $0x119, v3;
	v2 =	vsel vm3, $0x319, v2  }
0xe: {  	v6 =	vimm.s32 $0x97F;
	[smem:$0x7FF] =	sst s3;
	s6 =	sadd.s32 $0x22200, s1;
	s7 =	sadd.s32 $0x2E00, s1;
	v3 =	vsel vm4, $0x12A, v3;
	v2 =	vsel vm4, $0x32A, v2  }
0xf: {  	v1 =	vmul.u32 $0xFFFFFFFF, v1;
	s25 =	sadd.s32 $0x49400, s1;
	s26 =	sadd.s32 $0x49600, s1;
	s5 =	sadd.s32 $0x49800, s1;
	v3 =	vsel vm5, $0x13B, v3;
	v2 =	vsel vm5, $0x33B, v2  }
0x10: {  	s3 =	sand.u32 $0x1, s28;
	s30 =	sadd.s32 $0x4C000, s1;
	s9 =	smul.u32 $0x4E000, s14;
	vm15 =	vcmask $0x3734;
	v3 =	vsel vm2, $0x14C, v3;
	v2 =	vsel vm2, $0x34C, v2  }
0x11: {  	s11 =	smul.u32 $0x9C0, s14;
	v5 =	vsel vm14, $0x600, v5;
	_ =	strace $0x80000047;
	[dreg:$0x6] =	wrdreg s25;
	v3 =	vsel vm15, $0x15D, v3;
	v4 =	vsel vm15, $0x35D, v2  }
0x12: {  	s1 =	sadd.s32 $0x9A200, s1;
	s18 =	smul.u32 $0x270, s14;
	[dreg:$0x7] =	wrdreg s26;
	v2 =	vsel vm1, $0x16E, v3;
	v3 =	vsel vm1, $0x36E, v4;
	v4 =	vimm.s32 $0x57F  }
0x13: {  	v6 =	vsel vm14, $0x800, v6;
	s20 =	sadd.s32 $0x124800, s2;
	s15 =	sadd.s32 $0x2490, s4;
	[dreg:$0x8] =	wrdreg s5;
	v5 =	vsel vm13, $0x611, v5;
	v4 =	vsel vm14, $0x400, v4  }
0x14: {  	s8 =	sshll.u32 s3, $0x4;
	s10 =	ssub.s32 $0x2, s3;
	v6 =	vsel vm13, $0x811, v6;
	[dreg:$0xb] =	wrdreg s20;
	v1 =	vadd.s32 $0xF, v1;
	v4 =	vsel vm13, $0x411, v4  }
0x15: {  	s3 =	smul.u32 $0x2710, s3;
	[dreg:$0xc] =	wrdreg s15;
	s8 =	sor.u32 s14, s8;
	v5 =	vsel vm12, $0x622, v5;
	v6 =	vsel vm12, $0x822, v6;
	v4 =	vsel vm12, $0x422, v4  }
0x16: {  	s13 =	sshrl.u32 s10, $0x1;
	s9 =	sshrl.u32 s9, $0x2;
	s19 =	sshrl.u32 s11, $0x2;
	v5 =	vsel vm11, $0x633, v5;
	v6 =	vsel vm11, $0x833, v6;
	v4 =	vsel vm11, $0x433, v4  }
0x17: {  	s26 =	sadd.s32 s18, s4;
	s12 =	smul.u32 $0x7D00, s8;
	s9 =	sadd.s32 s9, s2;
	v5 =	vsel vm10, $0x644, v5;
	v6 =	vsel vm10, $0x844, v6;
	v4 =	vsel vm10, $0x444, v4  }
0x18: {  	s22 =	sadd.s32 s18, s3;
	s3 =	sadd.s32 $0x2490, s3;
	[dreg:$0x11] =	wrdreg s26;
	v5 =	vsel vm9, $0x655, v5;
	v6 =	vsel vm9, $0x855, v6;
	v4 =	vsel vm9, $0x455, v4  }
0x19: {  	[dreg:$0x9] =	wrdreg s9;
	s9 =	sadd.s32 s19, s4;
	s23 =	sshll.u32 s22, $0x4;
	v5 =	vsel vm8, $0x666, v5;
	v6 =	vsel vm8, $0x866, v6;
	v4 =	vsel vm8, $0x466, v4  }
0x1a: {  	s24 =	sshll.u32 s3, $0x4;
	[dreg:$0xa] =	wrdreg s9;
	s9 =	sadd.s32 s30, s23;
	v5 =	vsel vm7, $0x677, v5;
	v6 =	vsel vm7, $0x877, v6;
	v4 =	vsel vm7, $0x477, v4  }
0x1b: {  	s17 =	ssub.s32 s10, s13;
	s5 =	sadd.s32 s30, s24;
	[dreg:$0xe] =	wrdreg s9;
	v5 =	vsel vm6, $0x708, v5;
	v6 =	vsel vm6, $0x908, v6;
	v4 =	vsel vm6, $0x508, v4  }
0x1c: {  	s21 =	sshrl.u32 s12, $0x3;
	s30 =	smax.u32 s17, $0x1;
	[dreg:$0xf] =	wrdreg s5;
	v5 =	vsel vm3, $0x719, v5;
	v6 =	vsel vm3, $0x919, v6;
	v4 =	vsel vm3, $0x519, v4  }
0x1d: {  	s28 =	sshrl.u32 s22, $0x3;
	s16 =	sadd.s32 s7, s21;
	[dreg:$0x14] =	wrdreg s30;
	v5 =	vsel vm4, $0x72A, v5;
	v6 =	vsel vm4, $0x92A, v6;
	v4 =	vsel vm4, $0x52A, v4  }
0x1e: {  	s3 =	sshrl.u32 s3, $0x3;
	s5 =	sadd.s32 s1, s28;
	[dreg:$0xd] =	wrdreg s16;
	v5 =	vsel vm5, $0x73B, v5;
	v6 =	vsel vm5, $0x93B, v6;
	v4 =	vsel vm5, $0x53B, v4  }
0x1f: {  	s29 =	simm.s32 $0xA500;
	s1 =	sadd.s32 s1, s3;
	[dreg:$0x12] =	wrdreg s5;
	v5 =	vsel vm2, $0x74C, v5;
	v6 =	vsel vm2, $0x94C, v6;
	v4 =	vsel vm2, $0x54C, v4  }
0x20: {  	p0 =	seq.s32 s14, $0xF;
	s25 =	sadd.s32 $0x20, s16;
	[dreg:$0x13] =	wrdreg s1;
	v5 =	vsel vm15, $0x75D, v5;
	v6 =	vsel vm15, $0x95D, v6;
	v4 =	vsel vm15, $0x55D, v4  }
0x21: {  	s26 =	simm.s32 $0xD;
	[dreg:$0x10] =	wrdreg s25;
	s25 =	simm.s32 $0x0;
	v5 =	vsel vm1, $0x76E, v5;
	v6 =	vsel vm1, $0x96E, v6;
	v4 =	vsel vm1, $0x56E, v4  }
.LBB2_1:
0x22: {  	[tilespmem:$0xB080] =	vst v0  }
0x23: {  	[tilespmem:$0xB090] =	vst v0  }
0x24: {  	[tilespmem:$0xB0A0] =	vst v0  }
0x25: {  	[tilespmem:$0xB0B0] =	vst v0  }
0x26: {  	[tilespmem:$0xB0C0] =	vst v0  }
0x27: {  	[tilespmem:$0xB0D0] =	vst v0  }
0x28: {  	[tilespmem:$0xB0E0] =	vst v0  }
0x29: {  	[tilespmem:$0xB0F0] =	vst v0  }
0x2a: {  	[tilespmem:$0xB100] =	vst v0  }
0x2b: {  	[tilespmem:$0xB110] =	vst v0  }
0x2c: {  	[tilespmem:$0xB120] =	vst v0  }
0x2d: {  	[tilespmem:$0xB130] =	vst v0  }
0x2e: {  	[tilespmem:$0xB140] =	vst v0  }
0x2f: {  	[tilespmem:$0xB150] =	vst v0  }
0x30: {  	[tilespmem:$0xB160] =	vst v0  }
0x31: {  	[tilespmem:$0xB170] =	vst v0  }
0x32: {  	[tilespmem:$0xB180] =	vst v0  }
0x33: {  	[tilespmem:$0xB190] =	vst v0  }
0x34: {  	[tilespmem:$0xB1A0] =	vst v0  }
0x35: {  	[tilespmem:$0xB1B0] =	vst v0  }
0x36: {  	[tilespmem:$0xB1C0] =	vst v0  }
0x37: {  	[tilespmem:$0xB1D0] =	vst v0  }
0x38: {  	[tilespmem:$0xB1E0] =	vst v0  }
0x39: {  	[tilespmem:$0xB1F0] =	vst v0  }
0x3a: {  	[tilespmem:$0xB200] =	vst v0  }
0x3b: {  	[tilespmem:$0xB210] =	vst v0  }
0x3c: {  	[tilespmem:$0xB220] =	vst v0  }
0x3d: {  	[tilespmem:$0xB230] =	vst v0  }
0x3e: {  	[tilespmem:$0xB240] =	vst v0  }
0x3f: {  	[tilespmem:$0xB250] =	vst v0  }
0x40: {  	[tilespmem:$0xB260] =	vst v0  }
0x41: {  	[tilespmem:$0xB270] =	vst v0  }
0x42: {  	[tilespmem:$0xB280] =	vst v0  }
0x43: {  	[tilespmem:$0xB290] =	vst v0  }
0x44: {  	[tilespmem:$0xB2A0] =	vst v0  }
0x45: {  	[tilespmem:$0xB2B0] =	vst v0  }
0x46: {  	[tilespmem:$0xB2C0] =	vst v0  }
0x47: {  	[tilespmem:$0xB2D0] =	vst v0;
	s1 =	rddreg [dreg:$0xb]  }
0x48: {  	[tilespmem:$0xB2E0] =	vst v0;
	s5 =	rddreg [dreg:$0x8];
	s3 =	sshrl.u32 @p0 s1, $0x3  }
0x49: {  	[tilespmem:$0xB2F0] =	vst v0;
	s1 =	simm.s32 @p0 $0x1FCD;
	[dreg:$0x17] =	wrdreg s3  }
0x4a: {  	[spmem:s3], [sflag:s1] =	dma.local @p0 [hbm:s5], $0x2800  }
0x4b: {  	s1 =	simm.s32 @p0 $0xD  }
0x4c: {  	_ =	swait.ge @p0 [sflag:s1], $0x2800  }
0x4d: {  	[sflag:s1] =	ssyncset.done @p0 $0x0  }
0x4e: {  	s3 =	simm.s32 @p0 $0xB080;
	[sflag:s1] =	ssyncadd.s32 @p0 $0xFFFFD800  }
0x4f: {  	[spmem:s15] =	stream.linear.scatter @p0 [tilespmem:s3], [sflag:$0xD], $0x280, $0x38;
	[tilespmem:$0x1EDF8] =	vst v63  }
0x50: {  	s3 =	stileid.u32;
	_ =	swait.ge @p0 [sflag:s1], $0x280  }
0x51: {  	s3 =	sshll.u32 @!p0 s3, $0x6;
	[sflag:s1] =	ssyncset.done @p0 $0x0  }
0x52: {  	s3 =	sor.u32 @!p0 $0x1C0D, s3;
	[sflag:s1] =	ssyncadd.s32 @p0 $0xFFFFFD80;
	s1 =	rddreg [dreg:$0x9]  }
0x53: {  	[dreg:$0x15] =	wrdreg s3;
	s1 =	sshrl.u32 @!p0 s1, $0x3  }
0x54: {  	[dreg:$0x16] =	wrdreg s1  }
0x55: {  	[spmem:s1], [sflag:s3] =	dma.local @!p0 [hbm:s5], $0x2700  }
0x56: {  	s1 =	simm.s32 @!p0 $0xD  }
0x57: {  	_ =	swait.ge @!p0 [sflag:s1], $0x2700  }
0x58: {  	[sflag:s1] =	ssyncset.done @!p0 $0x0  }
0x59: {  	s3 =	simm.s32 @!p0 $0xB080;
	s5 =	rddreg [dreg:$0xa];
	[sflag:s1] =	ssyncadd.s32 @!p0 $0xFFFFD900  }
0x5a: {  	[spmem:s5] =	stream.linear.scatter @!p0 [tilespmem:s3], [sflag:$0xD], $0x270, $0x38;
	[tilespmem:$0x1EDF8] =	vst v63  }
0x5b: {  	_ =	swait.ge @!p0 [sflag:s1], $0x270  }
0x5c: {  	[sflag:s1] =	ssyncset.done @!p0 $0x0  }
0x5d: {  	[sflag:s1] =	ssyncadd.s32 @!p0 $0xFFFFFD90  }
0x5e: {  	s14 =	simm.s32 $0x0;
	s15 =	simm.s32 $0xAF00;
	s1 =	rddreg [dreg:$0x2]  }
0x5f: {  	[tilespmem:s15], [sflag:$0xD] =	stream.linear.gather [hbm4b:s1+s14], $0x80, $0x38;
	[tilespmem:$0x1EDF8] =	vst v63  }
0x60: {  	_ =	swait.ge [sflag:s26], $0x80  }
0x61: {  	[sflag:s26] =	ssyncset.done $0x0  }
0x62: {  	s17 =	simm.s32 $0xAF80;
	s16 =	rddreg [dreg:$0x6];
	[sflag:s26] =	ssyncadd.s32 $0xFFFFFF80  }
0x63: {  	[tilespmem:s17], [sflag:$0xD] =	stream.linear.gather [hbm4b:s16+s14], $0x10, $0x38;
	[tilespmem:$0x1EDF8] =	vst v63  }
0x64: {  	_ =	swait.ge [sflag:s26], $0x10  }
0x65: {  	[sflag:s26] =	ssyncset.done $0x0  }
0x66: {  	s19 =	simm.s32 $0xB000;
	s18 =	rddreg [dreg:$0x7];
	[sflag:s26] =	ssyncadd.s32 $0xFFFFFFF0  }
0x67: {  	[tilespmem:s19], [sflag:$0xD] =	stream.linear.gather [hbm4b:s18+s14], $0x10, $0x38;
	[tilespmem:$0x1EDF8] =	vst v63  }
0x68: {  	_ =	swait.ge [sflag:s26], $0x10  }
0x69: {  	[sflag:s26] =	ssyncset.done $0x0  }
0x6a: {  	[sflag:s26] =	ssyncadd.s32 $0xFFFFFFF0  }
0x6b: {  	v15 =	vld [tilespmem:$0xAF80]  }
0x6c: {  	v16 =	vld [tilespmem:$0xB000]  }
0x6d: {  	v7 =	vld [tilespmem:$0xAF00]  }
0x6e: {  	v8 =	vld [tilespmem:$0xAF10]  }
0x6f: {  	v9 =	vld [tilespmem:$0xAF20]  }
0x70: {  	v10 =	vld [tilespmem:$0xAF30]  }
0x71: {  	v11 =	vld [tilespmem:$0xAF40]  }
0x72: {  	v12 =	vld [tilespmem:$0xAF50]  }
0x73: {  	v13 =	vld [tilespmem:$0xAF60]  }
0x74: {  	v14 =	vld [tilespmem:$0xAF70];
	[bflag:$0x0] =	sbarrier.arrive $0xFFFF  }
0x75: {  	s21 =	simm.s32 $0x1;
	s20 =	rddreg [dreg:$0xd]  }
0x76: {  	[tilespmem:s14], [sflag:$0x1] =	stream.linear.gather [hbm4b:s20+s14], $0x100, $0x38;
	[tilespmem:$0x1EDF8] =	vst v63  }
0x77: {  	_ =	swait.ge [sflag:s21], $0x100  }
0x78: {  	[sflag:s21] =	ssyncset.done $0x0  }
0x79: {  	s22 =	simm.s32 $0x400;
	[sflag:s21] =	ssyncadd.s32 $0xFFFFFF00  }
0x7a: {  	[tilespmem:s22], [sflag:$0x5] =	stream.indirect.gather [hbm4b:s0+s31], $0x80, s14, s31, $0xb8;
	[tilespmem:$0x1EDF8] =	vst v63  }
0x7b: {  	s23 =	simm.s32 $0x80;
	s24 =	simm.s32 $0x5400  }
0x7c: {  	[tilespmem:s24], [sflag:$0x7] =	stream.indirect.gather [hbm4b:s6+s31], $0x80, s23, s31, $0xb8;
	[tilespmem:$0x1EDF8] =	vst v63  }
0x7d: {  	s30 =	simm.s32 $0x100;
	s13 =	simm.s32 $0x0;
	s28 =	rddreg [dreg:$0x10]  }
0x7e: {  	v15 =	vadd.f32 v16, v15;
	[tilespmem:s30], [sflag:$0x2] =	stream.linear.gather [hbm4b:s28+s14], $0x100, $0x38;
	[tilespmem:$0x1EDF8] =	vst v63  }
.LBB2_2:
0x7f: {  	s9 =	sand.u32 $0x1, s13  }
0x80: {  	s1 =	sadd.s32 $0x5, s9  }
0x81: {  	_ =	swait.ge [sflag:s1], $0x2800  }
0x82: {  	[sflag:s1] =	ssyncset.done $0x0  }
0x83: {  	s30 =	sadd.s32 $0x7, s9;
	[sflag:s1] =	ssyncadd.s32 $0xFFFFD800  }
0x84: {  	p1 =	seq.s32 s13, $0x0;
	_ =	swait.ge [sflag:s30], $0x2800  }
0x85: {  	s3 =	sxor.u32 @!p1 $0x1, s9;
	[sflag:s30] =	ssyncset.done $0x0  }
0x86: {  	p2 =	seq.s32 @!p1 s13, $0x7C;
	s1 =	sadd.s32 @!p1 $0x9, s3;
	[sflag:s30] =	ssyncadd.s32 $0xFFFFD800  }
0x87: {  	p2 =	por p1, !p2;
	_ =	swait.ge @!p1 [sflag:s1], $0x2800  }
.Ltmp0:
0x88: {  	[sflag:s1] =	ssyncset.done @!p1 $0x0;
	(pc) =	sbr.rel @!p2 .LBB2_4-.Ltmp0, $4  }
0x89: {  	[sflag:s1] =	ssyncadd.s32 @!p1 $0xFFFFD800;
	s1 =	sadd.s32 @!p1 $0xB, s3  }
0x8a: {  	_ =	swait.ge @!p1 [sflag:s1], $0x50  }
0x8b: {  	[sflag:s1] =	ssyncset.done @!p1 $0x0  }
0x8c: {  	s14 =	simm.s32 @!p1 $0x7D;
	[sflag:s1] =	ssyncadd.s32 @!p1 $0xFFFFFFB0  }
0x8d: {  	s14 =	sadd.s32 @!p1 $0x1, s13  }
0x8e: {  	s14 =	simm.s32 @p1 $0x1  }
0x8f: {  	s1 =	sand.u32 $0x3, s14  }
0x90: {  	s5 =	sand.u32 $0x1, s14;
	s3 =	sadd.s32 $0x1, s1  }
0x91: {  	s11 =	smul.u32 $0x2800, s5;
	_ =	swait.ge [sflag:s3], $0x100  }
0x92: {  	s1 =	sshll.u32 s1, $0x8;
	[sflag:s3] =	ssyncset.done $0x0  }
0x93: {  	s15 =	sadd.s32 $0x5, s5;
	s28 =	sor.u32 $0x400, s11;
	[sflag:s3] =	ssyncadd.s32 $0xFFFFFF00  }
0x94: {  	[tilespmem:s28], [sflag:s15] =	stream.indirect.gather [hbm4b:s0+s31], $0x80, s1, s31, $0xb8;
	[tilespmem:$0x1EDF8] =	vst v63  }
0x95: {  	s5 =	sadd.s32 $0x7, s5;
	s30 =	sadd.s32 $0x5400, s11;
	s1 =	sor.u32 $0x80, s1  }
0x96: {  	[tilespmem:s30], [sflag:s5] =	stream.indirect.gather [hbm4b:s6+s31], $0x80, s1, s31, $0xb8;
	[tilespmem:$0x1EDF8] =	vst v63  }
.LBB2_4:
0x97: {  	s1 =	smul.u32 $0xA000, s9;
	_ =	sdelay $0x1  }
0x98: {  	s15 =	sshrl.u32 s1, $0x2  }
0x99: {  	s20 =	sor.u32 $0x500, s15  }
0x9a: {  	s18 =	sadd.s32 $0x5500, s15;
	v17 =	vld [tilespmem:s20+$0x80]  }
0x9b: {  	v18 =	vld [tilespmem:s18+$0x80]  }
0x9c: {  	v19 =	vld [tilespmem:s20+$0x90]  }
0x9d: {  	v20 =	vld [tilespmem:s18+$0x90]  }
0x9e: {  	v21 =	vld [tilespmem:s20+$0xA0]  }
0x9f: {  	v22 =	vld [tilespmem:s18+$0xA0]  }
0xa0: {  	v23 =	vld [tilespmem:s20+$0xB0]  }
0xa1: {  	v24 =	vld [tilespmem:s18+$0xB0]  }
0xa2: {  	v25 =	vld [tilespmem:s20+$0xC0]  }
0xa3: {  	v26 =	vld [tilespmem:s18+$0xC0]  }
0xa4: {  	v27 =	vld [tilespmem:s20+$0xD0]  }
0xa5: {  	v28 =	vld [tilespmem:s18+$0xD0]  }
0xa6: {  	v29 =	vld [tilespmem:s20+$0xE0]  }
0xa7: {  	v30 =	vld [tilespmem:s18+$0xE0]  }
0xa8: {  	v31 =	vld [tilespmem:s20+$0xF0]  }
0xa9: {  	v32 =	vld [tilespmem:s18+$0xF0]  }
0xaa: {  	v16 =	vld [tilespmem:s18+$0xFFFFFF00]  }
0xab: {  	v33 =	vld [tilespmem:s20+$0xFFFFFF10]  }
0xac: {  	v34 =	vld [tilespmem:s18+$0xFFFFFF10]  }
0xad: {  	v35 =	vld [tilespmem:s20+$0xFFFFFF20]  }
0xae: {  	v36 =	vld [tilespmem:s18+$0xFFFFFF20]  }
0xaf: {  	v37 =	vld [tilespmem:s20+$0xFFFFFF30]  }
0xb0: {  	v50 =	vld [tilespmem:s18+$0xFFFFFF50]  }
0xb1: {  	v51 =	vld [tilespmem:s20+$0xFFFFFF70]  }
0xb2: {  	v52 =	vld [tilespmem:s18+$0xFFFFFF70]  }
0xb3: {  	v53 =	vld [tilespmem:s20+$0xFFFFFF80]  }
0xb4: {  	v54 =	vld [tilespmem:s18+$0xFFFFFF80];
	v17 =	vadd.f32 v18, v17;
	v18 =	vadd.f32 v20, v19  }
0xb5: {  	v55 =	vld [tilespmem:s20+$0xFFFFFF90];
	v20 =	vadd.f32 v22, v21;
	v21 =	vadd.f32 v24, v23  }
0xb6: {  	v56 =	vld [tilespmem:s18+$0xFFFFFFA0];
	v24 =	vadd.f32 v26, v25;
	v25 =	vadd.f32 v28, v27  }
0xb7: {  	v61 =	vld [tilespmem:s20+$0xFFFFFFE0];
	v29 =	vadd.f32 v30, v29;
	v23 =	vmul.f32 $2.000000030e-01, v17;
	v27 =	vmul.f32 $2.000000030e-01, v18  }
0xb8: {  	v19 =	vld [tilespmem:s18+$0xFFFFFF30];
	v58 =	vadd.f32 v52, v51;
	v28 =	vmul.f32 $2.000000030e-01, v20;
	v38 =	vmul.f32 $2.000000030e-01, v21  }
0xb9: {  	v22 =	vld [tilespmem:s20+$0xFFFFFF40];
	v31 =	vadd.f32 v32, v31;
	v39 =	vmul.f32 $2.000000030e-01, v24;
	v40 =	vmul.f32 $2.000000030e-01, v25  }
0xba: {  	v26 =	vld [tilespmem:s18+$0xFFFFFF40];
	v41 =	vmul.f32 $2.000000030e-01, v29;
	v60 =	vmul.f32 $2.000000030e-01, v58;
	v17 =	vmax.f32 v17, v23  }
0xbb: {  	v30 =	vld [tilespmem:s20+$0xFFFFFF50];
	v18 =	vmax.f32 v18, v27;
	v27 =	vmul.f32 $2.000000030e-01, v31;
	v20 =	vmax.f32 v20, v28  }
0xbc: {  	v63 =	vld [tilespmem:s18+$0xFFFFFFE0];
	v21 =	vmax.f32 v21, v38;
	v24 =	vmax.f32 v24, v39;
	v25 =	vmax.f32 v25, v40  }
0xbd: {  	v44 =	vld [tilespmem:s20+$0xFFFFFFF0];
	v29 =	vmax.f32 v29, v41;
	v17 =	vmul.f32 v17, v7;
	v18 =	vmul.f32 v18, v8  }
0xbe: {  	v46 =	vld [tilespmem:s18+$0xFFFFFFF0];
	v32 =	vmax.f32 v58, v60;
	v20 =	vmul.f32 v20, v9;
	v21 =	vmul.f32 v21, v10  }
0xbf: {  	v51 =	vld [tilespmem:s20+$0x30];
	v24 =	vmul.f32 v24, v11;
	v25 =	vmul.f32 v25, v12;
	v19 =	vadd.f32 v19, v37  }
0xc0: {  	v23 =	vld [tilespmem:s20+$0xFFFFFF60];
	v29 =	vmul.f32 v29, v13;
	v22 =	vadd.f32 v26, v22;
	v26 =	vadd.f32 v50, v30  }
0xc1: {  	v28 =	vld [tilespmem:s18+$0xFFFFFF60];
	v27 =	vmax.f32 v31, v27;
	v31 =	vadd.f32 v34, v33;
	v33 =	vadd.f32 v54, v53  }
0xc2: {  	v52 =	vld [tilespmem:s18+$0x30];
	v34 =	vadd.f32 v63, v61;
	v27 =	vmul.f32 v27, v14;
	v17 =	vadd.f32 v18, v17  }
0xc3: {  	v59 =	vld [tilespmem:s18+$0xFFFFFFD0];
	v18 =	vadd.f32 v21, v20;
	v20 =	vadd.f32 v25, v24;
	v30 =	vmul.f32 $2.000000030e-01, v19  }
0xc4: {  	v48 =	vld [tilespmem:s18+$0x0];
	v24 =	vmul.f32 $2.000000030e-01, v31;
	v62 =	vmul.f32 $2.000000030e-01, v33;
	v25 =	vadd.f32 v27, v29  }
0xc5: {  	v21 =	vld [tilespmem:s18+$0xFFFFFF90];
	v53 =	vmul.f32 $2.000000030e-01, v34;
	v27 =	vadd.f32 v36, v35;
	v17 =	vadd.f32 v18, v17  }
0xc6: {  	v42 =	vld [tilespmem:s20+$0x70];
	v23 =	vadd.f32 v28, v23;
	v19 =	vmax.f32 v19, v30;
	v35 =	vadd.f32 v46, v44  }
0xc7: {  	v29 =	vld [tilespmem:s20+$0xFFFFFFA0];
	v36 =	vadd.f32 v52, v51;
	v18 =	vmax.f32 v31, v24;
	v19 =	vmul.f32 v19, v10  }
0xc8: {  	v28 =	vld [tilespmem:s20+$0xFFFFFFC0];
	v20 =	vadd.f32 v25, v20;
	v25 =	vmul.f32 $2.000000030e-01, v27;
	v57 =	vmul.f32 $2.000000030e-01, v23  }
0xc9: {  	v30 =	vld [tilespmem:s18+$0xFFFFFFC0];
	v33 =	vmax.f32 v33, v62;
	v18 =	vmul.f32 v18, v8;
	v54 =	vmul.f32 $2.000000030e-01, v35  }
0xca: {  	v24 =	vld [tilespmem:s20+$0xFFFFFFB0];
	v44 =	vmul.f32 $2.000000030e-01, v36;
	v21 =	vadd.f32 v21, v55;
	v17 =	vadd.f32 v20, v17  }
0xcb: {  	v31 =	vld [tilespmem:s18+$0xFFFFFFB0];
	v20 =	vmul.f32 $2.000000030e-01, v22;
	v25 =	vmax.f32 v27, v25;
	v27 =	vmul.f32 $2.000000030e-01, v26  }
0xcc: {  	v58 =	vld [tilespmem:s20+$0x50];
	v23 =	vmax.f32 v23, v57;
	v57 =	vmax.f32 v35, v54;
	v35 =	vmax.f32 v36, v44  }
0xcd: {  	s19 =	sadd.s32 $0x200, s20;
	v61 =	vld [tilespmem:s18+$0x50];
	v25 =	vmul.f32 v25, v9;
	v45 =	vmul.f32 $2.000000030e-01, v21;
	v29 =	vadd.f32 v56, v29  }
0xce: {  	v46 =	vld [tilespmem:s19+$0x90];
	v23 =	vmul.f32 v23, v13;
	v28 =	vadd.f32 v30, v28;
	v56 =	vmax.f32 v34, v53  }
0xcf: {  	v51 =	vld [tilespmem:s19+$0xA0];
	v60 =	vmul.f32 v57, v14;
	v20 =	vmax.f32 v22, v20;
	v26 =	vmax.f32 v26, v27  }
0xd0: {  	v22 =	vld [tilespmem:s20+$0xFFFFFFD0];
	v27 =	vperm.xlane v17, v1;
	v24 =	vadd.f32 v31, v24;
	v31 =	vmul.f32 v32, v14  }
0xd1: {  	(xrf2) =	vadd.scan.msk.f32 $0xffff, v17;
	v20 =	vmul.f32 v20, v11;
	v26 =	vmul.f32 v26, v12;
	v19 =	vadd.f32 v19, v25;
	v25 =	vld [tilespmem:s20+$0x0]  }
0xd2: {  	v47 =	vmul.f32 $2.000000030e-01, v29;
	v21 =	vmax.f32 v21, v45;
	v50 =	vmul.f32 $2.000000030e-01, v28;
	(xrf2) =	vadd.scan.msk.f32 $0xffff, v27;
	v27 =	vld [tilespmem:s20+$0x10]  }
0xd3: {  	s22 =	sadd.s32 $0x200, s18;
	v49 =	vmul.f32 $2.000000030e-01, v24;
	v23 =	vadd.f32 v31, v23;
	v31 =	vld [tilespmem:s18+$0x10];
	v21 =	vmul.f32 v21, v8  }
0xd4: {  	v52 =	vld [tilespmem:s22+$0xA0];
	v20 =	vadd.f32 v26, v20;
	v26 =	vmul.f32 v33, v7;
	v29 =	vmax.f32 v29, v47  }
0xd5: {  	v30 =	vld [tilespmem:s20+$0x20];
	v28 =	vmax.f32 v28, v50;
	v29 =	vmul.f32 v29, v9;
	v24 =	vmax.f32 v24, v49  }
0xd6: {  	v22 =	vadd.f32 v59, v22;
	v20 =	vadd.f32 v23, v20;
	v23 =	vld [tilespmem:s18+$0x20];
	v24 =	vmul.f32 v24, v10  }
0xd7: {  	v55 =	vld [tilespmem:s20+$0x40];
	v28 =	vmul.f32 v28, v11;
	v21 =	vadd.f32 v21, v26;
	v25 =	vadd.f32 v48, v25  }
0xd8: {  	v54 =	vld [tilespmem:s19+$0xB0];
	v26 =	vmul.f32 $2.000000030e-01, v22;
	v24 =	vadd.f32 v24, v29;
	v27 =	vadd.f32 v31, v27  }
0xd9: {  	v45 =	vld [tilespmem:s19+$0x80];
	v33 =	vadd.f32 v61, v58;
	v29 =	vmul.f32 v56, v13;
	v63 =	vmul.f32 $2.000000030e-01, v25  }
0xda: {  	v22 =	vmax.f32 v22, v26;
	v26 =	vld [tilespmem:s18+$0x40];
	v21 =	vadd.f32 v24, v21;
	v24 =	vmul.f32 $2.000000030e-01, v27  }
0xdb: {  	v50 =	vmul.f32 $2.000000030e-01, v33;
	v22 =	vmul.f32 v22, v12;
	v23 =	vadd.f32 v23, v30;
	v30 =	vld [tilespmem:s18+$0x60]  }
0xdc: {  	v29 =	vadd.f32 v60, v29;
	v59, _, _ =	vpop (xrf2);
	v25 =	vmax.f32 v25, v63;
	v24 =	vmax.f32 v27, v24;
	v27 =	vld [tilespmem:s20+$0xFFFFFF00]  }
0xdd: {  	v25 =	vmul.f32 v25, v7;
	v62, _, _ =	vpop (xrf2);
	v22 =	vadd.f32 v22, v28;
	v28 =	vld [tilespmem:s20+$0x60];
	v43 =	vmul.f32 $2.000000030e-01, v23  }
0xde: {  	v36 =	vadd.f32 v52, v51;
	v56 =	vld [tilespmem:s19+$0xC0];
	v24 =	vmul.f32 v24, v8;
	v31 =	vperm.xlane v62, v1  }
0xdf: {  	v49 =	vmul.f32 v35, v10;
	v33 =	vmax.f32 v33, v50;
	v22 =	vadd.f32 v29, v22;
	v29 =	vld [tilespmem:s18+$0x70]  }
0xe0: {  	v23 =	vmax.f32 v23, v43;
	v24 =	vadd.f32 v24, v25;
	v25 =	vld [tilespmem:s22+$0xC0];
	v31 =	vadd.f32 v59, v31  }
0xe1: {  	v61 =	vld [tilespmem:s22+$0xFFFFFF10];
	v23 =	vmul.f32 v23, v9;
	v21 =	vadd.f32 v22, v21;
	v22 =	vadd.f32 v26, v55  }
0xe2: {  	v33 =	vmul.f32 v33, v12;
	v59 =	vld [tilespmem:s19+$0xFFFFFF10];
	v16 =	vadd.f32 v16, v27;
	v28 =	vadd.f32 v30, v28  }
0xe3: {  	v26 =	vld [tilespmem:s22+$0x80];
	v23 =	vadd.f32 v49, v23;
	v17 =	vsub.f32 v31, v17;
	v49 =	vmul.f32 $2.000000030e-01, v36  }
0xe4: {  	v30 =	vld [tilespmem:s22+$0x90];
	v48 =	vmul.f32 $2.000000030e-01, v22;
	v55 =	vmul.f32 $2.000000030e-01, v16;
	v29 =	vadd.f32 v29, v42  }
0xe5: {  	v57 =	vld [tilespmem:s19+$0xD0];
	v47 =	vperm.xlane v21, v1;
	v27 =	vmul.f32 $2.000000030e-01, v28;
	v25 =	vadd.f32 v25, v56  }
0xe6: {  	v50 =	vld [tilespmem:s22+$0xFFFFFF20];
	v22 =	vmax.f32 v22, v48;
	v16 =	vmax.f32 v16, v55;
	v53 =	vmul.f32 $2.000000030e-01, v29  }
0xe7: {  	v63 =	vld [tilespmem:s19+$0xFFFFFF20];
	v56 =	vadd.f32 v61, v59;
	v22 =	vmul.f32 v22, v11;
	v27 =	vmax.f32 v28, v27  }
0xe8: {  	v43 =	vld [tilespmem:s19+$0xFFFFFF30];
	(xrf2) =	vadd.scan.msk.f32 $0xffff, v47;
	v16 =	vmul.f32 v16, v7;
	v26 =	vadd.f32 v26, v45;
	v29 =	vmax.f32 v29, v53  }
0xe9: {  	v28 =	vld [tilespmem:s22+$0xB0];
	v27 =	vmul.f32 v27, v13;
	v30 =	vadd.f32 v30, v46;
	v29 =	vmul.f32 v29, v14  }
0xea: {  	v31 =	vld [tilespmem:s19+$0xF0];
	v22 =	vadd.f32 v33, v22;
	v16 =	vadd.f32 v18, v16  }
0xeb: {  	v36 =	vmax.f32 v36, v49;
	v55 =	vld [tilespmem:s19+$0xFFFFFF50];
	(xrf2) =	vadd.scan.msk.f32 $0xffff, v21;
	v18 =	vadd.f32 v23, v24;
	v27 =	vadd.f32 v29, v27  }
0xec: {  	v23 =	vld [tilespmem:s19+$0xE0];
	v24 =	vsub.f32 v17, v15;
	v62 =	vmul.f32 $2.000000030e-01, v26;
	v48 =	vmul.f32 $2.000000030e-01, v30  }
0xed: {  	v42 =	vmul.f32 $2.000000030e-01, v25;
	v19 =	vadd.f32 v19, v16;
	v29 =	vld [tilespmem:s22+$0xD0];
	v22 =	vadd.f32 v27, v22  }
0xee: {  	v26 =	vmax.f32 v26, v62;
	v28 =	vadd.f32 v28, v54;
	v30 =	vmax.f32 v30, v48;
	v27 =	vld [tilespmem:s22+$0xE0]  }
0xef: {  	v26 =	vmul.f32 v26, v7;
	v17 =	vadd.f32 v22, v18;
	v22 =	vmul.f32 $1.442695020e+00, v24;
	v24 =	vld [tilespmem:s22+$0xF0]  }
0xf0: {  	v59 =	vld [tilespmem:s22+$0xFFFFFF70];
	v20 =	vadd.f32 v20, v19;
	v30 =	vmul.f32 v30, v8;
	v51 =	vmul.f32 $2.000000030e-01, v28  }
0xf1: {  	v36 =	vmul.f32 v36, v9;
	v61 =	vld [tilespmem:s22+$0xFFFFFF80];
	v25 =	vmax.f32 v25, v42  }
0xf2: {  	v53 =	vld [tilespmem:s19+$0xFFFFFF40];
	v60 =	vperm.xlane v20, v1;
	v26 =	vadd.f32 v30, v26;
	v18, _, _ =	vpop (xrf2);
	v28 =	vmax.f32 v28, v51  }
0xf3: {  	v54 =	vld [tilespmem:s22+$0xFFFFFF40];
	v19 =	vperm.xlane v18, v1;
	v29 =	vadd.f32 v29, v57;
	v28 =	vmul.f32 v28, v10  }
0xf4: {  	v57 =	vld [tilespmem:s19+$0xFFFFFF60];
	v58 =	vperm.xlane v17, v1;
	v23 =	vadd.f32 v27, v23;
	v31 =	vadd.f32 v24, v31  }
0xf5: {  	(xrf2) =	vadd.scan.msk.f32 $0xffff, v17;
	(erf) = vpow2.f32 v22;
	v22 =	vld [tilespmem:s22+$0xFFFFFF60];
	v27, _, _ =	vpop (xrf2);
	v44 =	vmul.f32 $2.000000030e-01, v29;
	v28 =	vadd.f32 v28, v36  }
0xf6: {  	(xrf2) =	vadd.scan.msk.f32 $0xffff, v60;
	v60 =	vld [tilespmem:s19+$0xFFFFFF80];
	v24 =	vadd.f32 v27, v19;
	v19 =	vmul.f32 $2.000000030e-01, v23;
	v52 =	vmul.f32 $2.000000030e-01, v31  }
0xf7: {  	v25 =	vmul.f32 v25, v11;
	(xrf2) =	vadd.scan.msk.f32 $0xffff, v58;
	v58 =	vld [tilespmem:s19+$0xFFFFFF70];
	v29 =	vmax.f32 v29, v44;
	v26 =	vadd.f32 v28, v26  }
0xf8: {  	v27 =	vld [tilespmem:s22+$0xFFFFFF30];
	v29 =	vmul.f32 v29, v12;
	v19 =	vmax.f32 v23, v19;
	v31 =	vmax.f32 v31, v52  }
0xf9: {  	(xrf2) =	vadd.scan.msk.f32 $0xffff, v20;
	v28 =	vadd.f32 v54, v53;
	v23 =	vld [tilespmem:s22+$0xFFFFFF50];
	v19 =	vmul.f32 v19, v13;
	v31 =	vmul.f32 v31, v14  }
0xfa: {  	s21 =	sshll.u32 s9, $0x7;
	v22 =	vadd.f32 v22, v57;
	v25 =	vadd.f32 v29, v25  }
0xfb: {  	v16 =	vmov s21;
	v33 =	vadd.f32 v61, v60;
	v19 =	vadd.f32 v31, v19  }
0xfc: {  	v30 =	vmul.f32 $2.000000030e-01, v56;
	v32 =	vadd.f32 v59, v58;
	v31 =	vadd.f32 v50, v63  }
0xfd: {  	v60 =	vld [tilespmem:s22+$0xFFFFFFF0];
	v45 =	vmul.f32 $2.000000030e-01, v22;
	v27 =	vadd.f32 v27, v43;
	v19 =	vadd.f32 v19, v25  }
0xfe: {  	v59 =	vld [tilespmem:s19+$0xFFFFFFF0];
	v52 =	vmul.f32 $2.000000030e-01, v33;
	v23 =	vadd.f32 v23, v55;
	v25 =	vmul.f32 $2.000000030e-01, v31  }
0xff: {  	v22 =	vmax.f32 v22, v45;
	v62 =	vmul.f32 $2.000000030e-01, v27;
	v63 =	vld [tilespmem:s19+$0xFFFFFF90];
	v39 =	vadd.f32 v19, v26  }
0x100: {  	v37, _, _ =	vpop (xrf2);
	v50 =	vmul.f32 $2.000000030e-01, v32;
	v25 =	vmax.f32 v31, v25;
	v26 =	vmul.f32 $2.000000030e-01, v23;
	v31 =	vld [tilespmem:s22+$0xFFFFFF90]  }
0x101: {  	v46 =	vld [tilespmem:s19+$0xFFFFFFA0];
	v30 =	vmax.f32 v56, v30;
	v57 =	vmul.f32 v22, v13;
	v29, _, _ =	vpop (xrf2);
	v48 =	vperm.xlane v39, v1  }
0x102: {  	v29 =	vperm.xlane v29, v1;
	v47, _, _ =	vpop (xrf2);
	v19 =	vmul.f32 $2.000000030e-01, v28;
	v23 =	vmax.f32 v23, v26;
	v26 =	vld [tilespmem:s22+$0xFFFFFFA0];
	(xrf2) =	vadd.scan.msk.f32 $0xffff, v39  }
0x103: {  	v51 =	vld [tilespmem:s19+$0xFFFFFFB0];
	v27 =	vmax.f32 v27, v62;
	v32 =	vmax.f32 v32, v50;
	v35 =	vadd.f32 v60, v59;
	v49, _, _ =	vpop (xrf2);
	(xrf2) =	vadd.scan.msk.f32 $0xffff, v48  }
0x104: {  	v29 =	vadd.f32 v49, v29;
	v28 =	vmax.f32 v28, v19;
	v19 =	vmul.f32 v30, v8;
	v30 =	vld [tilespmem:s22+$0xFFFFFFB0]  }
0x105: {  	v53 =	vld [tilespmem:s19+$0xFFFFFFC0];
	v27 =	vmul.f32 v27, v10;
	v32 =	vmul.f32 v32, v14;
	v31 =	vadd.f32 v31, v63  }
0x106: {  	v54 =	vld [tilespmem:s22+$0xFFFFFFC0];
	v50 =	vmul.f32 $2.000000030e-01, v35;
	v25 =	vmul.f32 v25, v9;
	v20 =	vsub.f32 v29, v20  }
0x107: {  	v56 =	vld [tilespmem:s19+$0xFFFFFFD0];
	v29 =	vmax.f32 v33, v52;
	v55 =	vmul.f32 $2.000000030e-01, v31;
	v26 =	vadd.f32 v26, v46  }
0x108: {  	v58 =	vld [tilespmem:s19+$0xFFFFFFE0];
	v28 =	vmul.f32 v28, v11;
	v23 =	vmul.f32 v23, v12;
	v22 =	vadd.f32 v27, v25  }
0x109: {  	v25 =	vld [tilespmem:s22+$0xFFFFFFD0];
	v30 =	vadd.f32 v30, v51;
	v27 =	vmax.f32 v31, v55;
	v31 =	vmul.f32 $2.000000030e-01, v26  }
0x10a: {  	v32 =	vadd.f32 v32, v57;
	v23 =	vadd.f32 v23, v28;
	v28 =	vmul.f32 v29, v7;
	v29 =	vld [tilespmem:s22+$0xFFFFFFE0]  }
0x10b: {  	v34 =	vadd.f32 v54, v53;
	v53 =	vld [tilespmem:s22+$0x30];
	v26 =	vmax.f32 v26, v31;
	v31 =	vmul.f32 $2.000000030e-01, v30  }
0x10c: {  	v62 =	vld [tilespmem:s19+$0x0];
	v47 =	vperm.xlane v47, v1;
	v35 =	vmax.f32 v35, v50;
	v23 =	vadd.f32 v32, v23;
	v61, _, _ =	vpop (xrf2)  }
0x10d: {  	v46 =	vld [tilespmem:s19+$0x10];
	v27 =	vmul.f32 v27, v8;
	v26 =	vmul.f32 v26, v9;
	v30 =	vmax.f32 v30, v31;
	v63, _, _ =	vpop (xrf2)  }
0x10e: {  	v51 =	vld [tilespmem:s19+$0x30];
	v25 =	vadd.f32 v25, v56;
	v30 =	vmul.f32 v30, v10;
	v32 =	vperm.xlane v63, v1  }
0x10f: {  	v35 =	vmul.f32 v35, v14;
	v29 =	vadd.f32 v29, v58;
	v27 =	vadd.f32 v27, v28;
	v28 =	vld [tilespmem:s22+$0x0]  }
0x110: {  	v45 =	vmul.f32 $2.000000030e-01, v25;
	v26 =	vadd.f32 v30, v26;
	v30 =	vld [tilespmem:s22+$0x10];
	v32 =	vadd.f32 v61, v32  }
0x111: {  	v24 =	vsub.f32 v24, v21;
	v49 =	vld [tilespmem:s19+$0x20];
	v48 =	vmul.f32 $2.000000030e-01, v29;
	v31 =	vmul.f32 $2.000000030e-01, v34  }
0x112: {  	v25 =	vmax.f32 v25, v45;
	v26 =	vadd.f32 v26, v27;
	v27 =	vld [tilespmem:s22+$0x20];
	v32 =	vsub.f32 v32, v39  }
0x113: {  	v18 =	vld [tilespmem:s22+$0xFFFFFF00];
	v36 =	vadd.f32 v53, v51;
	v52 =	vmul.f32 v25, v12;
	v31 =	vmax.f32 v34, v31  }
0x114: {  	v57 =	vld [tilespmem:s22+$0x40];
	v25 =	vadd.f32 v37, v47;
	v31 =	vmul.f32 v31, v11;
	v32 =	vsub.f32 v32, v15  }
0x115: {  	v55 =	vld [tilespmem:s19+$0x40];
	v29 =	vmax.f32 v29, v48;
	v28 =	vadd.f32 v28, v62;
	v30 =	vadd.f32 v30, v46  }
0x116: {  	v59 =	vld [tilespmem:s22+$0x50];
	v29 =	vmul.f32 v29, v13;
	v56 =	vadd.f32 v52, v31;
	v32 =	vmul.f32 $1.442695020e+00, v32  }
0x117: {  	s23 =	simm.s32 $0x0;
	s24 =	simm.s32 $0x30;
	v58 =	vld [tilespmem:s19+$0x50];
	v54 =	vmul.f32 $2.000000030e-01, v28;
	v31 =	vmul.f32 $2.000000030e-01, v30;
	v38 =	vadd.f32 v27, v49  }
0x118: {  	s5 =	simm.s32 $0x0;
	s11 =	simm.s32 $0x10;
	s10 =	simm.s32 $0x20;
	v60 =	vadd.f32 v35, v29;
	v62 =	vmul.f32 $2.000000030e-01, v36;
	v27 =	vld [tilespmem:s19+$0x60];
	(erf) = vpow2.f32 v32  }
0x119: {  	s3 =	sand.u32 $0xF00, s23;
	s5 =	sand.u32 $0x40, s5;
	s8 =	sand.u32 $0x50, s11;
	v28 =	vmax.f32 v28, v54;
	v21 =	vmul.f32 $2.000000030e-01, v38;
	v30 =	vmax.f32 v30, v31;
	v31 =	vld [tilespmem:s22+$0x60]  }
0x11a: {  	s28 =	sand.u32 $0x60, s10;
	s1 =	sadd.s32 $0xA500, s3;
	s3 =	sand.u32 $0x70, s24;
	v33 =	vld [tilespmem:s22+$0x70];
	v28 =	vmul.f32 v28, v7;
	v32 =	vadd.f32 v57, v55;
	v34 =	vmul.f32 v30, v8  }
0x11b: {  	s16 =	sor.u32 s3, s1;
	s3 =	sor.u32 s5, s1;
	s17 =	sor.u32 s8, s1;
	v63 =	vpop (erf);
	v29 =	vld [tilespmem:s19+$0x70];
	v61 =	vmax.f32 v38, v21;
	v21 =	vadd.f32 v60, v56;
	v38 =	vmax.f32 v36, v62  }
0x11c: {  	s30 =	sor.u32 s28, s1;
	s1 =	simm.s32 $0x4;
	s11 =	sadd.s32 $0x200, s19;
	[tilespmem:v16+s16+$0x0 ss:$0x1] =	vst.idx.msk $0xffff, v63;
	v35 =	vld [tilespmem:s19+$0xFFFFFF00];
	v37 =	vmul.f32 $2.000000030e-01, v32;
	v36 =	vadd.f32 v59, v58;
	v30 =	vmul.f32 v61, v9  }
.LBB2_5:
0x11d: {  	v39 =	vld [tilespmem:s11+$0x80];
	v21 =	vadd.f32 v21, v26;
	v26 =	vmul.f32 v38, v10;
	v28 =	vadd.f32 v34, v28;
	s22 =	sadd.s32 $0x200, s22  }
0x11e: {  	s23 =	sadd.s32 $0x80, s23;
	v34 =	vld [tilespmem:s22+$0x80];
	v32 =	vmax.f32 v32, v37;
	v37 =	vmul.f32 $2.000000030e-01, v36;
	v27 =	vadd.f32 v31, v27  }
0x11f: {  	s24 =	sadd.s32 $0x40, s24;
	s5 =	sand.u32 $0xF00, s23;
	v31 =	vld [tilespmem:s11+$0x90];
	v38 =	vperm.xlane v21, v1;
	v32 =	vmul.f32 v32, v11;
	v26 =	vadd.f32 v26, v30  }
0x120: {  	s16 =	sadd.s32 $0xA500, s5;
	s5 =	sand.u32 $0x70, s24;
	v30 =	vld [tilespmem:s22+$0x90];
	v36 =	vmax.f32 v36, v37;
	v37 =	vmul.f32 $2.000000030e-01, v27;
	v29 =	vadd.f32 v33, v29  }
0x121: {  	s28 =	sadd.s32 $0xFFFFFFD0, s24;
	s10 =	sadd.s32 $0xFFFFFFE0, s24;
	s5 =	sor.u32 s5, s16;
	v33 =	vld [tilespmem:s11+$0xA0];
	v18 =	vadd.f32 v18, v35;
	v35 =	vmul.f32 v36, v12;
	v26 =	vadd.f32 v26, v28;
	(xrf2) =	vadd.scan.msk.f32 $0xffff, v38;
	v28 =	vpop (erf)  }
0x122: {  	v17 =	vsub.f32 v25, v17;
	s8 =	sadd.s32 $0xFFFFFFF0, s24;
	s28 =	sand.u32 $0x40, s28;
	s10 =	sand.u32 $0x50, s10;
	v36 =	vld [tilespmem:s22+$0xA0];
	v27 =	vmax.f32 v27, v37;
	v37 =	vmul.f32 $2.000000030e-01, v29;
	[tilespmem:v16+s5+$0x0 ss:$0x1] =	vst.idx.msk $0xffff, v28  }
0x123: {  	s8 =	sand.u32 $0x60, s8;
	s28 =	sor.u32 s28, s16;
	s5 =	sor.u32 s10, s16;
	v25 =	vld [tilespmem:s11+$0xB0];
	v28 =	vmul.f32 $2.000000030e-01, v18;
	v27 =	vmul.f32 v27, v13;
	v32 =	vadd.f32 v35, v32  }
0x124: {  	v20 =	vsub.f32 v20, v15;
	v24 =	vsub.f32 v24, v15;
	s16 =	sor.u32 s8, s16;
	v35 =	vld [tilespmem:s22+$0xB0];
	v29 =	vmax.f32 v29, v37;
	(xrf2) =	vadd.scan.msk.f32 $0xffff, v21  }
0x125: {  	v17 =	vsub.f32 v17, v15;
	v37 =	vld [tilespmem:s11+$0xC0];
	v18 =	vmax.f32 v18, v28;
	v28 =	vmul.f32 v29, v14  }
0x126: {  	v20 =	vmul.f32 $1.442695020e+00, v20;
	v29 =	vld [tilespmem:s22+$0xC0];
	v18 =	vmul.f32 v18, v7  }
0x127: {  	v24 =	vmul.f32 $1.442695020e+00, v24;
	v17 =	vmul.f32 $1.442695020e+00, v17;
	v38 =	vld [tilespmem:s11+$0xD0];
	v27 =	vadd.f32 v28, v27  }
0x128: {  	v28 =	vld [tilespmem:s22+$0xD0];
	v18 =	vadd.f32 v19, v18;
	(erf) = vpow2.f32 v20  }
0x129: {  	v19 =	vld [tilespmem:s11+$0xE0];
	v20 =	vadd.f32 v27, v32;
	(erf) = vpow2.f32 v24  }
0x12a: {  	v24 =	vld [tilespmem:s22+$0xE0];
	v18 =	vadd.f32 v22, v18;
	(erf) = vpow2.f32 v17  }
0x12b: {  	v22 =	vld [tilespmem:s11+$0xF0];
	v17 =	vadd.f32 v20, v26;
	v26, _, _ =	vpop (xrf2)  }
0x12c: {  	v27 =	vld [tilespmem:s22+$0xF0];
	v20 =	vadd.f32 v23, v18;
	v23 =	vperm.xlane v26, v1  }
0x12d: {  	v30 =	vadd.f32 v30, v31;
	v26 =	vadd.f32 v34, v39;
	v18 =	vld [tilespmem:s22+$0xFFFFFF00];
	v31 =	vperm.xlane v17, v1;
	(xrf2) =	vadd.scan.msk.f32 $0xffff, v17  }
0x12e: {  	v33 =	vadd.f32 v36, v33;
	v25 =	vadd.f32 v35, v25;
	v32 =	vld [tilespmem:s11+$0xFFFFFF10];
	v34 =	vperm.xlane v20, v1;
	v35, _, _ =	vpop (xrf2)  }
0x12f: {  	s1 =	sadd.s32 $0x4, s1;
	v29 =	vadd.f32 v29, v37;
	v28 =	vadd.f32 v28, v38;
	v39 =	vmul.f32 $2.000000030e-01, v26;
	v36 =	vld [tilespmem:s22+$0xFFFFFF10]  }
0x130: {  	p1 =	slt.u32 s1, $0x4C;
	v40 =	vmul.f32 $2.000000030e-01, v33;
	v38 =	vmul.f32 $2.000000030e-01, v30;
	v19 =	vadd.f32 v24, v19;
	v37 =	vld [tilespmem:s11+$0xFFFFFF20];
	(xrf2) =	vadd.scan.msk.f32 $0xffff, v34  }
0x131: {  	v41 =	vmul.f32 $2.000000030e-01, v25;
	v42 =	vmul.f32 $2.000000030e-01, v29;
	v34 =	vld [tilespmem:s22+$0xFFFFFF20];
	v22 =	vadd.f32 v27, v22;
	v27 =	vpop (erf)  }
0x132: {  	v44 =	vmul.f32 $2.000000030e-01, v28;
	v24 =	vadd.f32 v35, v23;
	v45 =	vmul.f32 $2.000000030e-01, v19;
	v43 =	vld [tilespmem:s11+$0xFFFFFF30];
	[tilespmem:v16+s3+$0x0 ss:$0x1] =	vst.idx.msk $0xffff, v27;
	v23 =	vpop (erf);
	s3 =	smov.u32 s28  }
0x133: {  	v30 =	vmax.f32 v30, v38;
	v26 =	vmax.f32 v26, v39;
	v27 =	vld [tilespmem:s22+$0xFFFFFF30];
	v35 =	vmul.f32 $2.000000030e-01, v22;
	(xrf2) =	vadd.scan.msk.f32 $0xffff, v31;
	v31 =	vpop (erf)  }
0x134: {  	v33 =	vmax.f32 v33, v40;
	v25 =	vmax.f32 v25, v41;
	v29 =	vmax.f32 v29, v42;
	v38 =	vld [tilespmem:s11+$0xFFFFFF40]  }
0x135: {  	v30 =	vmul.f32 v30, v8;
	v26 =	vmul.f32 v26, v7;
	v28 =	vmax.f32 v28, v44;
	v39 =	vld [tilespmem:s22+$0xFFFFFF40]  }
0x136: {  	v33 =	vmul.f32 v33, v9;
	v41 =	vmul.f32 v25, v10;
	v19 =	vmax.f32 v19, v45;
	v40 =	vld [tilespmem:s11+$0xFFFFFF50];
	(xrf2) =	vadd.scan.msk.f32 $0xffff, v20  }
0x137: {  	v29 =	vmul.f32 v29, v11;
	v28 =	vmul.f32 v28, v12;
	v22 =	vmax.f32 v22, v35;
	v42 =	vld [tilespmem:s22+$0xFFFFFF50];
	v25, _, _ =	vpop (xrf2)  }
0x138: {  	v32 =	vadd.f32 v36, v32;
	v19 =	vmul.f32 v19, v13;
	v44 =	vmul.f32 v22, v14;
	v35 =	vld [tilespmem:s11+$0xFFFFFF60]  }
0x139: {  	v26 =	vadd.f32 v30, v26;
	v30 =	vadd.f32 v41, v33;
	v36 =	vld [tilespmem:s22+$0xFFFFFF60];
	[tilespmem:v16+s17+$0x0 ss:$0x1] =	vst.idx.msk $0xffff, v23;
	s17 =	smov.u32 s5  }
0x13a: {  	v28 =	vadd.f32 v28, v29;
	v19 =	vadd.f32 v44, v19;
	v23 =	vmul.f32 $2.000000030e-01, v32;
	v33 =	vld [tilespmem:s11+$0xFFFFFF70];
	v22, _, _ =	vpop (xrf2);
	[tilespmem:v16+s30+$0x0 ss:$0x1] =	vst.idx.msk $0xffff, v31;
	s30 =	smov.u32 s16  }
0x13b: {  	v29 =	vadd.f32 v34, v37;
	v27 =	vadd.f32 v27, v43;
	v31 =	vld [tilespmem:s22+$0xFFFFFF70];
	v22 =	vperm.xlane v22, v1  }
0x13c: {  	v26 =	vadd.f32 v30, v26;
	v19 =	vadd.f32 v19, v28;
	v23 =	vmax.f32 v32, v23;
	v32 =	vld [tilespmem:s11+$0xFFFFFF80]  }
0x13d: {  	v28 =	vmul.f32 $2.000000030e-01, v29;
	v30 =	vadd.f32 v39, v38;
	v34 =	vadd.f32 v42, v40;
	v37 =	vld [tilespmem:s22+$0xFFFFFF80];
	v38, _, _ =	vpop (xrf2)  }
0x13e: {  	v39 =	vmul.f32 $2.000000030e-01, v27;
	v40 =	vadd.f32 v19, v26;
	v35 =	vadd.f32 v36, v35;
	v36 =	vld [tilespmem:s11+$0xFFFFFF90]  }
0x13f: {  	v26 =	vmax.f32 v29, v28;
	v19 =	vmul.f32 $2.000000030e-01, v30;
	v28 =	vmul.f32 $2.000000030e-01, v34;
	v29 =	vld [tilespmem:s22+$0xFFFFFF90]  }
0x140: {  	v27 =	vmax.f32 v27, v39;
	v39 =	vmul.f32 $2.000000030e-01, v35;
	v31 =	vadd.f32 v31, v33;
	v33 =	vld [tilespmem:s11+$0xFFFFFFA0];
	(xrf2) =	vadd.scan.msk.f32 $0xffff, v40;
	v41, _, _ =	vpop (xrf2)  }
0x141: {  	v30 =	vmax.f32 v30, v19;
	v42 =	vperm.xlane v40, v1;
	v28 =	vmax.f32 v34, v28;
	v34 =	vld [tilespmem:s22+$0xFFFFFFA0]  }
0x142: {  	v35 =	vmax.f32 v35, v39;
	v39 =	vmul.f32 $2.000000030e-01, v31;
	v32 =	vadd.f32 v37, v32;
	v37 =	vld [tilespmem:s11+$0xFFFFFFB0]  }
0x143: {  	v19 =	vmul.f32 v23, v8;
	v23 =	vmul.f32 v26, v9;
	v22 =	vadd.f32 v41, v22;
	v26 =	vld [tilespmem:s22+$0xFFFFFFB0];
	(xrf2) =	vadd.scan.msk.f32 $0xffff, v42  }
0x144: {  	v31 =	vmax.f32 v31, v39;
	v39 =	vmul.f32 $2.000000030e-01, v32;
	v29 =	vadd.f32 v29, v36;
	v36 =	vld [tilespmem:s11+$0xFFFFFFC0]  }
0x145: {  	v27 =	vmul.f32 v27, v10;
	v30 =	vmul.f32 v30, v11;
	v20 =	vsub.f32 v22, v20;
	v41 =	vld [tilespmem:s22+$0xFFFFFFC0]  }
0x146: {  	v32 =	vmax.f32 v32, v39;
	v39 =	vmul.f32 $2.000000030e-01, v29;
	v33 =	vadd.f32 v34, v33;
	v34 =	vld [tilespmem:s11+$0xFFFFFFD0]  }
0x147: {  	v28 =	vmul.f32 v28, v12;
	v35 =	vmul.f32 v35, v13;
	v22 =	vadd.f32 v27, v23;
	v23 =	vld [tilespmem:s22+$0xFFFFFFD0]  }
0x148: {  	v27 =	vmax.f32 v29, v39;
	v29 =	vmul.f32 $2.000000030e-01, v33;
	v26 =	vadd.f32 v26, v37;
	v37 =	vld [tilespmem:s11+$0xFFFFFFE0]  }
0x149: {  	v28 =	vadd.f32 v28, v30;
	v31 =	vmul.f32 v31, v14;
	v30 =	vmul.f32 v32, v7;
	v32 =	vld [tilespmem:s22+$0xFFFFFFE0]  }
0x14a: {  	v29 =	vmax.f32 v33, v29;
	v33 =	vmul.f32 $2.000000030e-01, v26;
	v36 =	vadd.f32 v41, v36;
	v39 =	vld [tilespmem:s11+$0xFFFFFFF0];
	v41, _, _ =	vpop (xrf2)  }
0x14b: {  	v31 =	vadd.f32 v31, v35;
	v27 =	vmul.f32 v27, v8;
	v29 =	vmul.f32 v29, v9;
	v35 =	vld [tilespmem:s22+$0xFFFFFFF0]  }
0x14c: {  	v26 =	vmax.f32 v26, v33;
	v33 =	vmul.f32 $2.000000030e-01, v36;
	v34 =	vadd.f32 v23, v34;
	v42 =	vld [tilespmem:s11+$0x0]  }
0x14d: {  	v27 =	vadd.f32 v27, v30;
	v23 =	vadd.f32 v31, v28;
	v26 =	vmul.f32 v26, v10;
	v28 =	vld [tilespmem:s22+$0x0];
	v30, _, _ =	vpop (xrf2)  }
0x14e: {  	v31 =	vmul.f32 $2.000000030e-01, v34;
	v32 =	vadd.f32 v32, v37;
	v37 =	vld [tilespmem:s11+$0x10];
	v30 =	vperm.xlane v30, v1  }
0x14f: {  	v33 =	vmax.f32 v36, v33;
	v36 =	vperm.xlane v38, v1;
	v26 =	vadd.f32 v26, v29;
	v29 =	vld [tilespmem:s22+$0x10]  }
0x150: {  	v38 =	vmul.f32 $2.000000030e-01, v32;
	v35 =	vadd.f32 v35, v39;
	v39 =	vld [tilespmem:s11+$0x20];
	v30 =	vadd.f32 v41, v30  }
0x151: {  	v33 =	vmul.f32 v33, v11;
	v31 =	vmax.f32 v34, v31;
	v26 =	vadd.f32 v26, v27;
	v27 =	vld [tilespmem:s22+$0x20]  }
0x152: {  	v34 =	vmul.f32 $2.000000030e-01, v35;
	v28 =	vadd.f32 v28, v42;
	v41 =	vld [tilespmem:s11+$0x30];
	v30 =	vsub.f32 v30, v40  }
0x153: {  	v25 =	vadd.f32 v25, v36;
	v31 =	vmul.f32 v31, v12;
	v32 =	vmax.f32 v32, v38;
	v38 =	vld [tilespmem:s22+$0x30]  }
0x154: {  	v36 =	vmul.f32 $2.000000030e-01, v28;
	v29 =	vadd.f32 v29, v37;
	v37 =	vld [tilespmem:s11+$0x40];
	v30 =	vsub.f32 v30, v15  }
0x155: {  	v32 =	vmul.f32 v32, v13;
	v33 =	vadd.f32 v31, v33;
	v34 =	vmax.f32 v35, v34;
	v35 =	vld [tilespmem:s22+$0x40]  }
0x156: {  	v31 =	vmul.f32 $2.000000030e-01, v29;
	v39 =	vadd.f32 v27, v39;
	v40 =	vld [tilespmem:s11+$0x50];
	v30 =	vmul.f32 $1.442695020e+00, v30  }
0x157: {  	v24 =	vsub.f32 v24, v21;
	v34 =	vmul.f32 v34, v14;
	v28 =	vmax.f32 v28, v36;
	v36 =	vld [tilespmem:s22+$0x50]  }
.Ltmp1:
0x158: {  	v21 =	vmul.f32 $2.000000030e-01, v39;
	v38 =	vadd.f32 v38, v41;
	v27 =	vld [tilespmem:s11+$0x60];
	(erf) = vpow2.f32 v30;
	(pc) =	sbr.rel @p1 .LBB2_5-.Ltmp1, $4  }
0x159: {  	v28 =	vmul.f32 v28, v7;
	v30 =	vadd.f32 v34, v32;
	v34 =	vmax.f32 v29, v31;
	v31 =	vld [tilespmem:s22+$0x60]  }
0x15a: {  	v39 =	vmax.f32 v39, v21;
	v41 =	vmul.f32 $2.000000030e-01, v38;
	v32 =	vadd.f32 v35, v37;
	v29 =	vld [tilespmem:s11+$0x70]  }
0x15b: {  	v34 =	vmul.f32 v34, v8;
	v21 =	vadd.f32 v30, v33;
	v30 =	vmul.f32 v39, v9;
	v33 =	vld [tilespmem:s22+$0x70]  }
0x15c: {  	v35 =	vld [tilespmem:s11+$0xFFFFFF00];
	v38 =	vmax.f32 v38, v41;
	v37 =	vmul.f32 $2.000000030e-01, v32;
	v36 =	vadd.f32 v36, v40;
	s11 =	sadd.s32 $0x200, s11  }
0x15d: {  	_ =	sdelay $0x3  }
0x15e: {  	v21 =	vadd.f32 v21, v26;
	v18 =	vadd.f32 v18, v35  }
0x15f: {  	v26 =	vmul.f32 $2.000000030e-01, v36;
	v27 =	vadd.f32 v31, v27;
	v29 =	vadd.f32 v33, v29  }
0x160: {  	v31 =	vmul.f32 v38, v10;
	v32 =	vmax.f32 v32, v37;
	v43 =	vmul.f32 $2.000000030e-01, v18  }
0x161: {  	v26 =	vmax.f32 v36, v26;
	v44 =	vmul.f32 $2.000000030e-01, v27;
	v45 =	vmul.f32 $2.000000030e-01, v29  }
0x162: {  	v32 =	vmul.f32 v32, v11;
	v26 =	vmul.f32 v26, v12;
	v18 =	vmax.f32 v18, v43  }
0x163: {  	v27 =	vmax.f32 v27, v44;
	v29 =	vmax.f32 v29, v45;
	v18 =	vmul.f32 v18, v7  }
0x164: {  	v28 =	vadd.f32 v34, v28;
	v27 =	vmul.f32 v27, v13;
	v29 =	vmul.f32 v29, v14  }
0x165: {  	v30 =	vadd.f32 v31, v30;
	v18 =	vadd.f32 v19, v18  }
0x166: {  	v19 =	vadd.f32 v26, v32;
	v26 =	vadd.f32 v29, v27  }
0x167: {  	v18 =	vadd.f32 v22, v18  }
0x168: {  	v27 =	vadd.f32 v30, v28;
	v22 =	vperm.xlane v21, v1;
	v19 =	vadd.f32 v26, v19  }
0x169: {  	v18 =	vadd.f32 v23, v18  }
0x16a: {  	(xrf2) =	vadd.scan.msk.f32 $0xffff, v22;
	v19 =	vadd.f32 v19, v27  }
0x16b: {  	(xrf2) =	vadd.scan.msk.f32 $0xffff, v21;
	v22 =	vperm.xlane v18, v1  }
0x16c: {  	v23 =	vperm.xlane v19, v1;
	(xrf2) =	vadd.scan.msk.f32 $0xffff, v19  }
0x16d: {  	(xrf2) =	vadd.scan.msk.f32 $0xffff, v22  }
0x16e: {  	(xrf2) =	vadd.scan.msk.f32 $0xffff, v23  }
0x16f: {  	(xrf2) =	vadd.scan.msk.f32 $0xffff, v18;
	_ =	sdelay $0x4  }
0x170: {  	v22, _, _ =	vpop (xrf2)  }
0x171: {  	v23, _, _ =	vpop (xrf2)  }
0x172: {  	v26, _, _ =	vpop (xrf2)  }
0x173: {  	v27, _, _ =	vpop (xrf2)  }
0x174: {  	v27 =	vperm.xlane v27, v1;
	v28, _, _ =	vpop (xrf2)  }
0x175: {  	v17 =	vsub.f32 v25, v17;
	v22 =	vperm.xlane v22, v1;
	v25, _, _ =	vpop (xrf2)  }
0x176: {  	v20 =	vsub.f32 v20, v15;
	v25 =	vadd.f32 v25, v27;
	v27 =	vperm.xlane v28, v1  }
0x177: {  	v24 =	vsub.f32 v24, v15;
	v22 =	vadd.f32 v23, v22  }
0x178: {  	v18 =	vsub.f32 v25, v18;
	v23 =	vadd.f32 v26, v27  }
0x179: {  	v17 =	vsub.f32 v17, v15;
	v20 =	vmul.f32 $1.442695020e+00, v20;
	v21 =	vsub.f32 v22, v21  }
0x17a: {  	v22 =	vmul.f32 $1.442695020e+00, v24;
	v19 =	vsub.f32 v23, v19;
	v18 =	vsub.f32 v18, v15  }
0x17b: {  	v17 =	vmul.f32 $1.442695020e+00, v17;
	(erf) = vpow2.f32 v20;
	v20 =	vsub.f32 v21, v15  }
0x17c: {  	(erf) = vpow2.f32 v22;
	v19 =	vsub.f32 v19, v15;
	v18 =	vmul.f32 $1.442695020e+00, v18  }
0x17d: {  	(erf) = vpow2.f32 v17;
	v17 =	vmul.f32 $1.442695020e+00, v20  }
0x17e: {  	v19 =	vmul.f32 $1.442695020e+00, v19;
	(erf) = vpow2.f32 v18  }
0x17f: {  	(erf) = vpow2.f32 v17  }
0x180: {  	s1 =	sadd.s32 $0x80, s23;
	(erf) = vpow2.f32 v19  }
0x181: {  	s5 =	sadd.s32 $0x40, s24;
	s1 =	sand.u32 $0xF00, s1  }
0x182: {  	s8 =	sand.u32 $0x70, s5;
	s1 =	sadd.s32 $0xA500, s1  }
0x183: {  	s8 =	sor.u32 s8, s1;
	v17 =	vpop (erf)  }
0x184: {  	v18 =	vpop (erf);
	[tilespmem:v16+s8+$0x0 ss:$0x1] =	vst.idx.msk $0xffff, v17  }
0x185: {  	s11 =	sadd.s32 $0xFFFFFFD0, s5;
	v17 =	vpop (erf);
	[tilespmem:v16+s3+$0x0 ss:$0x1] =	vst.idx.msk $0xffff, v18  }
0x186: {  	s16 =	sadd.s32 $0xFFFFFFE0, s5;
	s8 =	sand.u32 $0x40, s11;
	v18 =	vpop (erf);
	[tilespmem:v16+s17+$0x0 ss:$0x1] =	vst.idx.msk $0xffff, v17;
	v17 =	vor.u32 s21, v2  }
0x187: {  	s5 =	sadd.s32 $0xFFFFFFF0, s5;
	s3 =	sand.u32 $0x50, s16;
	s8 =	sor.u32 s8, s1;
	[tilespmem:v16+s30+$0x0 ss:$0x1] =	vst.idx.msk $0xffff, v18;
	v18 =	vpop (erf)  }
0x188: {  	s5 =	sand.u32 $0x60, s5;
	s3 =	sor.u32 s3, s1;
	[tilespmem:v16+s8+$0x0 ss:$0x1] =	vst.idx.msk $0xffff, v18;
	v18 =	vpop (erf)  }
0x189: {  	s1 =	sor.u32 s5, s1;
	v19 =	vpop (erf);
	[tilespmem:v16+s3+$0x0 ss:$0x1] =	vst.idx.msk $0xffff, v18  }
0x18a: {  	[tilespmem:v16+s1+$0x0 ss:$0x1] =	vst.idx.msk $0xffff, v19  }
0x18b: {  	v17 =	vld.idx.msk [tilespmem:v17+s29+$0x0], $0xffff  }
0x18c: {  	v18 =	vor.u32 s21, v3;
	_ =	sdelay $0x3  }
0x18d: {  	[tilespmem:s21+$0xA400] =	vst v17  }
0x18e: {  	v17 =	vld.idx.msk [tilespmem:v18+s29+$0x0], $0xffff  }
0x18f: {  	v18 =	vor.u32 s21, v4;
	_ =	sdelay $0x3  }
0x190: {  	[tilespmem:s21+$0xA410] =	vst v17  }
0x191: {  	v17 =	vld.idx.msk [tilespmem:v18+s29+$0x0], $0xffff  }
0x192: {  	v18 =	vor.u32 s21, v5;
	_ =	sdelay $0x3  }
0x193: {  	[tilespmem:s21+$0xA420] =	vst v17  }
0x194: {  	v17 =	vld.idx.msk [tilespmem:v18+s29+$0x0], $0xffff  }
0x195: {  	v18 =	vor.u32 s21, v6;
	_ =	sdelay $0x3  }
0x196: {  	[tilespmem:s21+$0xA430] =	vst v17  }
0x197: {  	v17 =	vld.idx.msk [tilespmem:v18+s29+$0x0], $0xffff;
	_ =	sdelay $0x1  }
0x198: {  	s22 =	simm.s32 $0x0  }
0x199: {  	s24 =	simm.s32 $0x30;
	s23 =	sand.u32 $0xF00, s22  }
0x19a: {  	s5 =	sand.u32 $0x70, s24;
	s3 =	sadd.s32 $0xA500, s23  }
0x19b: {  	s5 =	sor.u32 s5, s3;
	[tilespmem:s21+$0xA440] =	vst v17  }
0x19c: {  	v22 =	vld.idx.msk [tilespmem:v16+s5+$0x0 ss:$0x1], $0xffff  }
0x19d: {  	s28 =	simm.s32 $0x10;
	v18 =	vld [tilespmem:s20+$0x80]  }
0x19e: {  	s8 =	sand.u32 $0x50, s28  }
0x19f: {  	s1 =	sand.u32 $0x40, s22;
	s8 =	sor.u32 s8, s3  }
0x1a0: {  	s1 =	sor.u32 s1, s3;
	v26 =	vld.idx.msk [tilespmem:v16+s8+$0x0 ss:$0x1], $0xffff  }
0x1a1: {  	v27 =	vld.idx.msk [tilespmem:v16+s1+$0x0 ss:$0x1], $0xffff  }
0x1a2: {  	v19 =	vld [tilespmem:s20+$0xFFFFFF00];
	v18 =	vmul.f32 v18, v22  }
0x1a3: {  	s30 =	simm.s32 $0x20;
	v20 =	vld [tilespmem:s20+$0xFFFFFF80]  }
0x1a4: {  	s5 =	sand.u32 $0x60, s30;
	v21 =	vld [tilespmem:s20+$0x0];
	[tilespmem:s18+$0x80] =	vst v18  }
0x1a5: {  	s3 =	sor.u32 s5, s3;
	v18 =	vld [tilespmem:s20+$0x90]  }
0x1a6: {  	v17 =	vld.idx.msk [tilespmem:v16+s3+$0x0 ss:$0x1], $0xffff;
	_ =	sdelay $0x1  }
0x1a7: {  	v19 =	vmul.f32 v19, v27  }
0x1a8: {  	v20 =	vmul.f32 v20, v26  }
0x1a9: {  	[tilespmem:s18+$0xFFFFFF00] =	vst v19;
	v18 =	vmul.f32 v18, v22  }
0x1aa: {  	v19 =	vmul.f32 v21, v17;
	[tilespmem:s18+$0xFFFFFF80] =	vst v20;
	v21 =	vld [tilespmem:s20+$0xFFFFFF10]  }
0x1ab: {  	v20 =	vld [tilespmem:s20+$0xFFFFFF90];
	[tilespmem:s18+$0x90] =	vst v18  }
0x1ac: {  	[tilespmem:s18+$0x0] =	vst v19;
	v18 =	vld [tilespmem:s20+$0xA0]  }
0x1ad: {  	v19 =	vld [tilespmem:s20+$0x10];
	_ =	sdelay $0x1  }
0x1ae: {  	v21 =	vmul.f32 v21, v27  }
0x1af: {  	v20 =	vmul.f32 v20, v26  }
0x1b0: {  	v28 =	vld [tilespmem:s19+$0x80];
	[tilespmem:s18+$0xFFFFFF10] =	vst v21;
	v18 =	vmul.f32 v18, v22  }
0x1b1: {  	v19 =	vmul.f32 v19, v17;
	[tilespmem:s18+$0xFFFFFF90] =	vst v20;
	v21 =	vld [tilespmem:s20+$0xFFFFFF20]  }
0x1b2: {  	v20 =	vld [tilespmem:s20+$0xFFFFFFA0];
	[tilespmem:s18+$0xA0] =	vst v18  }
0x1b3: {  	[tilespmem:s18+$0x10] =	vst v19;
	v18 =	vld [tilespmem:s20+$0xB0]  }
0x1b4: {  	s10 =	simm.s32 $0x80;
	v19 =	vld [tilespmem:s20+$0x20]  }
0x1b5: {  	s11 =	simm.s32 $0x70;
	s1 =	sand.u32 $0xF00, s10;
	v30 =	vld [tilespmem:s19+$0xFFFFFF00]  }
0x1b6: {  	v31 =	vld [tilespmem:s19+$0xFFFFFF80];
	s1 =	sadd.s32 $0xA500, s1;
	s3 =	sand.u32 $0x70, s11;
	v21 =	vmul.f32 v21, v27  }
0x1b7: {  	v46 =	vld [tilespmem:s19+$0x0];
	s3 =	sor.u32 s3, s1;
	v20 =	vmul.f32 v20, v26  }
0x1b8: {  	v25 =	vld.idx.msk [tilespmem:v16+s3+$0x0 ss:$0x1], $0xffff;
	[tilespmem:s18+$0xFFFFFF20] =	vst v21;
	v18 =	vmul.f32 v18, v22  }
0x1b9: {  	v19 =	vmul.f32 v19, v17;
	[tilespmem:s18+$0xFFFFFFA0] =	vst v20;
	v21 =	vld [tilespmem:s20+$0xFFFFFF30]  }
0x1ba: {  	s17 =	simm.s32 $0x40;
	v23 =	vld [tilespmem:s20+$0xFFFFFFB0];
	[tilespmem:s18+$0xB0] =	vst v18  }
0x1bb: {  	s16 =	simm.s32 $0x50;
	s3 =	sand.u32 $0x40, s17;
	[tilespmem:s18+$0x20] =	vst v19;
	v29 =	vld [tilespmem:s20+$0xC0]  }
0x1bc: {  	s22 =	simm.s32 $0x60;
	s5 =	sand.u32 $0x50, s16;
	s3 =	sor.u32 s3, s1;
	v24 =	vld [tilespmem:s20+$0x30]  }
0x1bd: {  	s8 =	sand.u32 $0x60, s22;
	s5 =	sor.u32 s5, s1;
	v28 =	vmul.f32 v28, v25;
	v20 =	vld.idx.msk [tilespmem:v16+s3+$0x0 ss:$0x1], $0xffff  }
0x1be: {  	s1 =	sor.u32 s8, s1;
	s3 =	sadd.s32 $0x200, s18;
	v19 =	vld.idx.msk [tilespmem:v16+s5+$0x0 ss:$0x1], $0xffff;
	v21 =	vmul.f32 v21, v27  }
0x1bf: {  	[tilespmem:s3+$0x80] =	vst v28;
	v23 =	vmul.f32 v23, v26;
	v18 =	vld.idx.msk [tilespmem:v16+s1+$0x0 ss:$0x1], $0xffff  }
0x1c0: {  	v28 =	vld [tilespmem:s19+$0x90];
	[tilespmem:s18+$0xFFFFFF30] =	vst v21;
	v21 =	vmul.f32 v29, v22  }
0x1c1: {  	v24 =	vmul.f32 v24, v17;
	[tilespmem:s18+$0xFFFFFFB0] =	vst v23;
	v23 =	vld [tilespmem:s20+$0xFFFFFF40]  }
0x1c2: {  	v29 =	vld [tilespmem:s20+$0xFFFFFFC0];
	[tilespmem:s18+$0xC0] =	vst v21;
	v21 =	vmul.f32 v30, v20  }
0x1c3: {  	[tilespmem:s18+$0x30] =	vst v24;
	v30 =	vmul.f32 v31, v19;
	v24 =	vld [tilespmem:s20+$0xD0]  }
0x1c4: {  	v31 =	vld [tilespmem:s20+$0x40];
	[tilespmem:s3+$0xFFFFFF00] =	vst v21;
	v21 =	vmul.f32 v46, v18  }
0x1c5: {  	v28 =	vmul.f32 v28, v25;
	[tilespmem:s3+$0xFFFFFF80] =	vst v30;
	v47 =	vld [tilespmem:s19+$0xFFFFFF10]  }
0x1c6: {  	v30 =	vld [tilespmem:s19+$0xFFFFFF90];
	[tilespmem:s3+$0x0] =	vst v21;
	v21 =	vmul.f32 v23, v27  }
0x1c7: {  	[tilespmem:s3+$0x90] =	vst v28;
	v28 =	vmul.f32 v29, v26;
	v23 =	vld [tilespmem:s19+$0x10]  }
0x1c8: {  	v29 =	vld [tilespmem:s19+$0xA0];
	v24 =	vmul.f32 v24, v22;
	[tilespmem:s18+$0xFFFFFF40] =	vst v21  }
0x1c9: {  	[tilespmem:s18+$0xFFFFFFC0] =	vst v28;
	v21 =	vmul.f32 v31, v17;
	v31 =	vld [tilespmem:s20+$0xFFFFFF50]  }
0x1ca: {  	v28 =	vld [tilespmem:s20+$0xFFFFFFD0];
	[tilespmem:s18+$0xD0] =	vst v24;
	v24 =	vmul.f32 v47, v20  }
0x1cb: {  	[tilespmem:s18+$0x40] =	vst v21;
	v21 =	vmul.f32 v30, v19;
	v48 =	vld [tilespmem:s20+$0xE0]  }
0x1cc: {  	v30 =	vld [tilespmem:s20+$0x50];
	[tilespmem:s3+$0xFFFFFF10] =	vst v24;
	v23 =	vmul.f32 v23, v18  }
0x1cd: {  	[tilespmem:s3+$0xFFFFFF90] =	vst v21;
	v21 =	vmul.f32 v29, v25;
	v24 =	vld [tilespmem:s19+$0xFFFFFF20]  }
0x1ce: {  	v29 =	vld [tilespmem:s19+$0xFFFFFFA0];
	[tilespmem:s3+$0x10] =	vst v23;
	v23 =	vmul.f32 v31, v27  }
0x1cf: {  	[tilespmem:s3+$0xA0] =	vst v21;
	v21 =	vmul.f32 v28, v26;
	v31 =	vld [tilespmem:s19+$0x20]  }
0x1d0: {  	v49 =	vld [tilespmem:s19+$0xB0];
	v28 =	vmul.f32 v48, v22;
	[tilespmem:s18+$0xFFFFFF50] =	vst v23  }
0x1d1: {  	v23 =	vmul.f32 v30, v17;
	[tilespmem:s18+$0xFFFFFFD0] =	vst v21;
	v30 =	vld [tilespmem:s20+$0xFFFFFF60]  }
0x1d2: {  	[tilespmem:s18+$0xE0] =	vst v28;
	v21 =	vmul.f32 v24, v20;
	v24 =	vld [tilespmem:s20+$0xFFFFFFE0]  }
0x1d3: {  	[tilespmem:s18+$0x50] =	vst v23;
	v23 =	vmul.f32 v29, v19;
	v28 =	vld [tilespmem:s20+$0xF0]  }
0x1d4: {  	v29 =	vld [tilespmem:s20+$0x60];
	[tilespmem:s3+$0xFFFFFF20] =	vst v21;
	v21 =	vmul.f32 v31, v18  }
0x1d5: {  	s23 =	simm.s32 $0x100;
	[tilespmem:s3+$0xFFFFFFA0] =	vst v23;
	v23 =	vmul.f32 v49, v25;
	v31 =	vld [tilespmem:s19+$0xFFFFFF30]  }
0x1d6: {  	s24 =	simm.s32 $0xB0;
	s1 =	sand.u32 $0xF00, s23;
	v50 =	vld [tilespmem:s19+$0xFFFFFFB0];
	[tilespmem:s3+$0x20] =	vst v21  }
0x1d7: {  	s5 =	sand.u32 $0x70, s24;
	s1 =	sadd.s32 $0xA500, s1;
	v21 =	vmul.f32 v30, v27;
	[tilespmem:s3+$0xB0] =	vst v23;
	v30 =	vld [tilespmem:s19+$0x30]  }
0x1d8: {  	s5 =	sor.u32 s5, s1;
	v23 =	vmul.f32 v24, v26;
	v24 =	vld [tilespmem:s19+$0xC0]  }
0x1d9: {  	s28 =	simm.s32 $0x90;
	s11 =	sadd.s32 $0x200, s19;
	[tilespmem:s18+$0xFFFFFF60] =	vst v21;
	v21 =	vld.idx.msk [tilespmem:v16+s5+$0x0 ss:$0x1], $0xffff  }
0x1da: {  	s8 =	sand.u32 $0x50, s28;
	v22 =	vmul.f32 v28, v22;
	v28 =	vld [tilespmem:s11+$0x80]  }
0x1db: {  	s10 =	simm.s32 $0x80;
	s8 =	sor.u32 s8, s1;
	v51 =	vld [tilespmem:s20+$0xFFFFFF70]  }
0x1dc: {  	s30 =	simm.s32 $0xA0;
	s10 =	sand.u32 $0x40, s10;
	[tilespmem:s18+$0xFFFFFFE0] =	vst v23;
	v23 =	vld.idx.msk [tilespmem:v16+s8+$0x0 ss:$0x1], $0xffff  }
0x1dd: {  	s10 =	sor.u32 s10, s1;
	s5 =	sand.u32 $0x60, s30;
	v52 =	vld [tilespmem:s20+$0xFFFFFFF0];
	v53 =	vmul.f32 v24, v25  }
0x1de: {  	v29 =	vmul.f32 v29, v17;
	s1 =	sor.u32 s5, s1;
	[tilespmem:s18+$0xF0] =	vst v22;
	v22 =	vld.idx.msk [tilespmem:v16+s10+$0x0 ss:$0x1], $0xffff  }
0x1df: {  	v31 =	vmul.f32 v31, v20;
	v24 =	vld.idx.msk [tilespmem:v16+s1+$0x0 ss:$0x1], $0xffff;
	[tilespmem:s3+$0xC0] =	vst v53  }
0x1e0: {  	[tilespmem:s18+$0x60] =	vst v29;
	v29 =	vmul.f32 v50, v19;
	v54 =	vld [tilespmem:s19+$0xD0]  }
0x1e1: {  	[tilespmem:s3+$0xFFFFFF30] =	vst v31;
	v31 =	vld [tilespmem:s11+$0xFFFFFF00];
	v28 =	vmul.f32 v28, v21  }
0x1e2: {  	v30 =	vmul.f32 v30, v18;
	[tilespmem:s3+$0xFFFFFFB0] =	vst v29;
	v29 =	vld [tilespmem:s11+$0xFFFFFF80];
	s1 =	sadd.s32 $0x200, s3  }
0x1e3: {  	v55 =	vld [tilespmem:s11+$0x0];
	v27 =	vmul.f32 v51, v27;
	[tilespmem:s1+$0x80] =	vst v28  }
0x1e4: {  	[tilespmem:s3+$0x30] =	vst v30;
	v26 =	vmul.f32 v52, v26;
	v28 =	vld [tilespmem:s11+$0x90]  }
0x1e5: {  	[tilespmem:s18+$0xFFFFFF70] =	vst v27;
	v27 =	vld [tilespmem:s19+$0xFFFFFF40];
	v30 =	vmul.f32 v54, v25  }
0x1e6: {  	[tilespmem:s18+$0xFFFFFFF0] =	vst v26;
	v26 =	vmul.f32 v31, v22;
	v31 =	vld [tilespmem:s19+$0xFFFFFFC0]  }
0x1e7: {  	v56 =	vld [tilespmem:s19+$0x40];
	v29 =	vmul.f32 v29, v23;
	[tilespmem:s3+$0xD0] =	vst v30  }
0x1e8: {  	[tilespmem:s1+$0xFFFFFF00] =	vst v26;
	v26 =	vmul.f32 v55, v24;
	v30 =	vld [tilespmem:s19+$0xE0]  }
0x1e9: {  	[tilespmem:s1+$0xFFFFFF80] =	vst v29;
	v57 =	vld [tilespmem:s11+$0xFFFFFF10];
	v28 =	vmul.f32 v28, v21  }
0x1ea: {  	v29 =	vld [tilespmem:s11+$0xFFFFFF90];
	[tilespmem:s1+$0x0] =	vst v26;
	v26 =	vmul.f32 v27, v20  }
0x1eb: {  	v27 =	vld [tilespmem:s11+$0x10];
	[tilespmem:s1+$0x90] =	vst v28;
	v28 =	vmul.f32 v31, v19  }
0x1ec: {  	[tilespmem:s3+$0xFFFFFF40] =	vst v26;
	v26 =	vmul.f32 v56, v18;
	v31 =	vld [tilespmem:s11+$0xA0]  }
0x1ed: {  	v58 =	vld [tilespmem:s19+$0xFFFFFF50];
	[tilespmem:s3+$0xFFFFFFC0] =	vst v28;
	v28 =	vmul.f32 v30, v25  }
0x1ee: {  	[tilespmem:s3+$0x40] =	vst v26;
	v59 =	vld [tilespmem:s19+$0xFFFFFFD0];
	v30 =	vmul.f32 v57, v22  }
0x1ef: {  	v26 =	vmul.f32 v29, v23;
	v29 =	vld [tilespmem:s19+$0x50];
	[tilespmem:s3+$0xE0] =	vst v28  }
0x1f0: {  	v27 =	vmul.f32 v27, v24;
	[tilespmem:s1+$0xFFFFFF10] =	vst v30;
	v28 =	vld [tilespmem:s19+$0xF0]  }
0x1f1: {  	[tilespmem:s1+$0xFFFFFF90] =	vst v26;
	v26 =	vmul.f32 v31, v21;
	v30 =	vld [tilespmem:s11+$0xFFFFFF20]  }
0x1f2: {  	v31 =	vld [tilespmem:s11+$0xFFFFFFA0];
	[tilespmem:s1+$0x10] =	vst v27;
	v27 =	vmul.f32 v58, v20  }
0x1f3: {  	v60 =	vld [tilespmem:s11+$0x20];
	[tilespmem:s1+$0xA0] =	vst v26;
	v26 =	vmul.f32 v59, v19  }
0x1f4: {  	[tilespmem:s3+$0xFFFFFF50] =	vst v27;
	v27 =	vmul.f32 v29, v18;
	v61 =	vld [tilespmem:s11+$0xB0]  }
0x1f5: {  	v29 =	vld [tilespmem:s19+$0xFFFFFF60];
	[tilespmem:s3+$0xFFFFFFD0] =	vst v26;
	v25 =	vmul.f32 v28, v25  }
0x1f6: {  	[tilespmem:s3+$0x50] =	vst v27;
	v62 =	vld [tilespmem:s19+$0xFFFFFFE0];
	v28 =	vmul.f32 v30, v22  }
0x1f7: {  	v27 =	vmul.f32 v31, v23;
	v26 =	vld [tilespmem:s19+$0x60];
	[tilespmem:s3+$0xF0] =	vst v25  }
0x1f8: {  	[tilespmem:s1+$0xFFFFFF20] =	vst v28;
	v28 =	vmul.f32 v60, v24;
	v25 =	vld [tilespmem:s20+$0x70]  }
0x1f9: {  	[tilespmem:s1+$0xFFFFFFA0] =	vst v27;
	v63 =	vmul.f32 v61, v21;
	v31 =	vld [tilespmem:s11+$0xFFFFFF30]  }
0x1fa: {  	s22 =	simm.s32 $0xC0;
	s17 =	sor.u32 $0xA400, s21;
	v30 =	vld [tilespmem:s11+$0xFFFFFFB0];
	v27 =	vmul.f32 v29, v20;
	[tilespmem:s1+$0x20] =	vst v28  }
0x1fb: {  	s21 =	simm.s32 $0x8;
	s23 =	simm.s32 $0x180;
	s20 =	smov.u32 s11;
	[tilespmem:s1+$0xB0] =	vst v63;
	v28 =	vmul.f32 v62, v19;
	v29 =	vld [tilespmem:s11+$0x30]  }
.LBB2_7:
0x1fc: {  	s5 =	sand.u32 $0xF00, s23;
	s8 =	sadd.s32 $0x30, s22;
	s21 =	sadd.s32 $0x4, s21;
	v32 =	vld [tilespmem:s11+$0xC0];
	[tilespmem:s3+$0xFFFFFF60] =	vst v27;
	v26 =	vmul.f32 v26, v18  }
0x1fd: {  	s5 =	sadd.s32 $0xA500, s5;
	s8 =	sand.u32 $0x70, s8;
	p1 =	slt.u32 s21, $0x4C;
	v27 =	vld [tilespmem:s19+$0xFFFFFF70];
	[tilespmem:s3+$0xFFFFFFE0] =	vst v28;
	v25 =	vmul.f32 v25, v17;
	v17 =	vmov v18;
	v18 =	vmov v24  }
0x1fe: {  	s10 =	sadd.s32 $0x10, s22;
	s16 =	sadd.s32 $0x20, s22;
	s8 =	sor.u32 s8, s5;
	v24 =	vmul.f32 v31, v22;
	v28 =	vld [tilespmem:s19+$0xFFFFFFF0];
	[tilespmem:s3+$0x60] =	vst v26  }
0x1ff: {  	s11 =	sadd.s32 $0x200, s11;
	s10 =	sand.u32 $0x50, s10;
	s16 =	sand.u32 $0x60, s16;
	v26 =	vld.idx.msk [tilespmem:v16+s8+$0x0 ss:$0x1], $0xffff;
	v30 =	vmul.f32 v30, v23;
	[tilespmem:s18+$0x70] =	vst v25  }
0x200: {  	s10 =	sor.u32 s10, s5;
	s16 =	sor.u32 s16, s5;
	s8 =	sand.u32 $0x40, s22;
	v25 =	vld [tilespmem:s11+$0x80];
	[tilespmem:s1+$0xFFFFFF30] =	vst v24;
	v24 =	vmul.f32 v29, v18  }
0x201: {  	s18 =	smov.u32 s3;
	s3 =	smov.u32 s1;
	s5 =	sor.u32 s8, s5;
	v29 =	vld.idx.msk [tilespmem:v16+s10+$0x0 ss:$0x1], $0xffff;
	[tilespmem:s1+$0xFFFFFFB0] =	vst v30;
	v30 =	vmul.f32 v32, v21  }
0x202: {  	[tilespmem:s1+$0x30] =	vst v24;
	v27 =	vmul.f32 v27, v20;
	v20 =	vmov v22;
	v22 =	vld.idx.msk [tilespmem:v16+s5+$0x0 ss:$0x1], $0xffff  }
0x203: {  	v24 =	vld.idx.msk [tilespmem:v16+s16+$0x0 ss:$0x1], $0xffff;
	[tilespmem:s1+$0xC0] =	vst v30;
	v28 =	vmul.f32 v28, v19;
	v19 =	vmov v23  }
0x204: {  	v30 =	vld [tilespmem:s20+$0xD0];
	[tilespmem:s18+$0xFFFFFF70] =	vst v27  }
0x205: {  	v27 =	vld [tilespmem:s11+$0xFFFFFF00];
	v31 =	vmul.f32 v25, v26;
	[tilespmem:s18+$0xFFFFFFF0] =	vst v28  }
0x206: {  	s1 =	sadd.s32 $0x200, s1;
	v25 =	vld [tilespmem:s11+$0xFFFFFF80]  }
0x207: {  	v23 =	vmov v29;
	v28 =	vld [tilespmem:s11+$0x0];
	[tilespmem:s1+$0x80] =	vst v31  }
0x208: {  	v29 =	vld [tilespmem:s11+$0x90]  }
0x209: {  	v31 =	vld [tilespmem:s20+$0xFFFFFF40];
	v30 =	vmul.f32 v30, v21  }
0x20a: {  	v27 =	vmul.f32 v27, v22;
	v32 =	vld [tilespmem:s20+$0xFFFFFFC0]  }
0x20b: {  	v25 =	vmul.f32 v25, v23;
	v33 =	vld [tilespmem:s20+$0x40];
	[tilespmem:s3+$0xD0] =	vst v30  }
0x20c: {  	[tilespmem:s1+$0xFFFFFF00] =	vst v27;
	v27 =	vmul.f32 v28, v24;
	v28 =	vld [tilespmem:s20+$0xE0]  }
0x20d: {  	v30 =	vld [tilespmem:s11+$0xFFFFFF10];
	[tilespmem:s1+$0xFFFFFF80] =	vst v25;
	v25 =	vmul.f32 v29, v26  }
0x20e: {  	v29 =	vld [tilespmem:s11+$0xFFFFFF90];
	[tilespmem:s1+$0x0] =	vst v27;
	v27 =	vmul.f32 v31, v20  }
0x20f: {  	v31 =	vld [tilespmem:s11+$0x10];
	[tilespmem:s1+$0x90] =	vst v25;
	v25 =	vmul.f32 v32, v19  }
0x210: {  	v32 =	vld [tilespmem:s11+$0xA0];
	[tilespmem:s3+$0xFFFFFF40] =	vst v27;
	v27 =	vmul.f32 v33, v18  }
0x211: {  	v33 =	vld [tilespmem:s20+$0xFFFFFF50];
	[tilespmem:s3+$0xFFFFFFC0] =	vst v25;
	v25 =	vmul.f32 v28, v21  }
0x212: {  	v28 =	vmul.f32 v30, v22;
	v30 =	vld [tilespmem:s20+$0xFFFFFFD0];
	[tilespmem:s3+$0x40] =	vst v27  }
0x213: {  	v27 =	vmul.f32 v29, v23;
	v29 =	vld [tilespmem:s20+$0x50];
	[tilespmem:s3+$0xE0] =	vst v25  }
0x214: {  	[tilespmem:s1+$0xFFFFFF10] =	vst v28;
	v25 =	vmul.f32 v31, v24;
	v28 =	vld [tilespmem:s20+$0xF0]  }
0x215: {  	v31 =	vld [tilespmem:s11+$0xFFFFFF20];
	[tilespmem:s1+$0xFFFFFF90] =	vst v27;
	v27 =	vmul.f32 v32, v26  }
0x216: {  	v32 =	vld [tilespmem:s11+$0xFFFFFFA0];
	[tilespmem:s1+$0x10] =	vst v25;
	v25 =	vmul.f32 v33, v20  }
0x217: {  	v33 =	vld [tilespmem:s11+$0x20];
	[tilespmem:s1+$0xA0] =	vst v27;
	v27 =	vmul.f32 v30, v19  }
0x218: {  	v30 =	vld [tilespmem:s11+$0xB0];
	[tilespmem:s3+$0xFFFFFF50] =	vst v25;
	v25 =	vmul.f32 v29, v18  }
0x219: {  	v29 =	vld [tilespmem:s20+$0xFFFFFF60];
	[tilespmem:s3+$0xFFFFFFD0] =	vst v27;
	v27 =	vmul.f32 v28, v21;
	v21 =	vmov v26  }
0x21a: {  	v28 =	vmul.f32 v31, v22;
	v34 =	vld [tilespmem:s20+$0xFFFFFFE0];
	[tilespmem:s3+$0x50] =	vst v25  }
.Ltmp2:
0x21b: {  	v32 =	vmul.f32 v32, v23;
	v26 =	vld [tilespmem:s20+$0x60];
	[tilespmem:s3+$0xF0] =	vst v27;
	(pc) =	sbr.rel @p1 .LBB2_7-.Ltmp2, $4  }
0x21c: {  	[tilespmem:s1+$0xFFFFFF20] =	vst v28;
	v27 =	vmul.f32 v33, v24;
	v25 =	vld [tilespmem:s19+$0x70];
	s19 =	smov.u32 s20;
	s20 =	smov.u32 s11  }
0x21d: {  	v31 =	vld [tilespmem:s11+$0xFFFFFF30];
	[tilespmem:s1+$0xFFFFFFA0] =	vst v32;
	v28 =	vmul.f32 v30, v21  }
0x21e: {  	v30 =	vld [tilespmem:s11+$0xFFFFFFB0];
	[tilespmem:s1+$0x20] =	vst v27;
	v27 =	vmul.f32 v29, v20  }
0x21f: {  	s23 =	sadd.s32 $0x80, s23;
	s22 =	sadd.s32 $0x40, s22;
	v29 =	vld [tilespmem:s11+$0x30];
	[tilespmem:s1+$0xB0] =	vst v28;
	v28 =	vmul.f32 v34, v19  }
0x220: {  	_ =	sdelay $0x1  }
0x221: {  	v16 =	vmul.f32 v31, v22  }
0x222: {  	v50 =	vld [tilespmem:s11+$0xC0];
	v30 =	vmul.f32 v30, v23  }
0x223: {  	[tilespmem:s1+$0xFFFFFF30] =	vst v16;
	v16 =	vmul.f32 v29, v24  }
0x224: {  	[tilespmem:s1+$0xFFFFFFB0] =	vst v30;
	v51 =	vld [tilespmem:s20+$0xFFFFFF40]  }
0x225: {  	[tilespmem:s1+$0x30] =	vst v16;
	v16 =	vld [tilespmem:s20+$0xFFFFFFC0]  }
0x226: {  	v52 =	vld [tilespmem:s20+$0x40]  }
0x227: {  	v31 =	vmul.f32 v50, v21;
	_ =	sdelay $0x1  }
0x228: {  	[tilespmem:s1+$0xC0] =	vst v31;
	v29 =	vmul.f32 v51, v22  }
0x229: {  	v31 =	vld [tilespmem:s20+$0xD0];
	v16 =	vmul.f32 v16, v23  }
0x22a: {  	[tilespmem:s1+$0xFFFFFF40] =	vst v29;
	v53 =	vmul.f32 v52, v24  }
0x22b: {  	v54 =	vld [tilespmem:s20+$0xFFFFFF50];
	[tilespmem:s1+$0xFFFFFFC0] =	vst v16  }
0x22c: {  	v16 =	vld [tilespmem:s20+$0xFFFFFFD0];
	[tilespmem:s1+$0x40] =	vst v53  }
0x22d: {  	v29 =	vld [tilespmem:s20+$0x50]  }
0x22e: {  	v31 =	vmul.f32 v31, v21;
	_ =	sdelay $0x1  }
0x22f: {  	[tilespmem:s1+$0xD0] =	vst v31;
	v30 =	vmul.f32 v54, v22  }
0x230: {  	v31 =	vld [tilespmem:s20+$0xE0];
	v16 =	vmul.f32 v16, v23  }
0x231: {  	[tilespmem:s1+$0xFFFFFF50] =	vst v30;
	v29 =	vmul.f32 v29, v24  }
0x232: {  	v30 =	vld [tilespmem:s20+$0xFFFFFF60];
	[tilespmem:s1+$0xFFFFFFD0] =	vst v16  }
0x233: {  	v16 =	vld [tilespmem:s20+$0xFFFFFFE0];
	[tilespmem:s1+$0x50] =	vst v29  }
0x234: {  	v29 =	vld [tilespmem:s20+$0x60]  }
0x235: {  	[tilespmem:s3+$0xFFFFFF60] =	vst v27;
	v55 =	vmul.f32 v31, v21  }
0x236: {  	v26 =	vmul.f32 v26, v18;
	v56 =	vld [tilespmem:s19+$0xFFFFFF70];
	[tilespmem:s3+$0xFFFFFFE0] =	vst v28  }
0x237: {  	v28 =	vld [tilespmem:s19+$0xFFFFFFF0];
	[tilespmem:s1+$0xE0] =	vst v55;
	v57 =	vmul.f32 v30, v22  }
0x238: {  	[tilespmem:s3+$0x60] =	vst v26;
	v58 =	vld [tilespmem:s20+$0xF0];
	v16 =	vmul.f32 v16, v23  }
0x239: {  	v59 =	vld [tilespmem:s19+$0x70];
	[tilespmem:s1+$0xFFFFFF60] =	vst v57;
	v60 =	vmul.f32 v29, v24  }
0x23a: {  	v17 =	vmul.f32 v25, v17;
	v61 =	vld [tilespmem:s20+$0xFFFFFF70];
	[tilespmem:s1+$0xFFFFFFE0] =	vst v16  }
0x23b: {  	v16 =	vmul.f32 v56, v20;
	v62 =	vld [tilespmem:s20+$0xFFFFFFF0];
	[tilespmem:s1+$0x60] =	vst v60  }
0x23c: {  	[tilespmem:s18+$0x70] =	vst v17;
	v17 =	vmul.f32 v28, v19;
	v63 =	vld [tilespmem:s20+$0x70]  }
0x23d: {  	[tilespmem:s3+$0xFFFFFF70] =	vst v16;
	v16 =	vmul.f32 v58, v21  }
0x23e: {  	p1 =	sgt.u32 s13, $0x7A;
	[tilespmem:s3+$0xFFFFFFF0] =	vst v17;
	v17 =	vmul.f32 v59, v18  }
0x23f: {  	s5 =	sadd.s32 @!p1 $0x2, s13;
	[tilespmem:s1+$0xF0] =	vst v16;
	v16 =	vmul.f32 v61, v22  }
0x240: {  	[tilespmem:s3+$0x70] =	vst v17;
	s3 =	sshll.u32 @!p1 s5, $0x8;
	v17 =	vmul.f32 v62, v23  }
0x241: {  	s5 =	sand.u32 @!p1 $0x3, s5;
	s3 =	sadd.s32 @!p1 s12, s3;
	[tilespmem:s1+$0xFFFFFF70] =	vst v16;
	v16 =	vmul.f32 v63, v24  }
0x242: {  	s8 =	sshll.u32 @!p1 s5, $0x8;
	s3 =	sshrl.u32 @!p1 s3, $0x3;
	[tilespmem:s1+$0xFFFFFFF0] =	vst v17  }
0x243: {  	s3 =	sadd.s32 @!p1 s7, s3;
	[tilespmem:s1+$0x70] =	vst v16;
	s1 =	sadd.s32 @!p1 $0x1, s5;
	s5 =	simm.s32 @!p1 $0x0  }
0x244: {  	[tilespmem:s8], [sflag:s1] =	stream.linear.gather @!p1 [hbm4b:s3+s5], $0x100, $0x38;
	[tilespmem:$0x1EDF8] =	vst v63  }
0x245: {  	s23 =	sshll.u32 s13, $0x8;
	p1 =	slt.u32 s14, $0x7D  }
.Ltmp3:
0x246: {  	s1 =	sand.u32 $0x300, s23;
	(pc) =	sbr.rel @p1 .LBB2_2-.Ltmp3, $4  }
0x247: {  	s24 =	sadd.s32 $0x5400, s15;
	s28 =	sadd.s32 $0x9, s9;
	s1 =	sor.u32 $0x80, s1  }
0x248: {  	[spmem:s2] =	stream.indirect.scatter.add.f32 [tilespmem:s24], [sflag:s28], $0x80, s1, s31, $0xb8;
	[tilespmem:$0x1EDF8] =	vst v63  }
0x249: {  	s30 =	sadd.s32 $0xB, s9;
	s13 =	smov.u32 s14  }
0x24a: {  	[spmem:s4] =	stream.indirect.scatter.add.f32 [tilespmem:s17], [sflag:s30], $0x1, s1, s31, $0xb8;
	[tilespmem:$0x1EDF8] =	vst v63  }
0x24b: {  	s1 =	simm.s32 $0x9  }
0x24c: {  	_ =	swait.ge [sflag:s1], $0x2800  }
0x24d: {  	[sflag:s1] =	ssyncset.done $0x0  }
0x24e: {  	s28 =	simm.s32 $0xB;
	[sflag:s1] =	ssyncadd.s32 $0xFFFFD800  }
0x24f: {  	_ =	swait.ge [sflag:s28], $0x50  }
0x250: {  	[sflag:s28] =	ssyncset.done $0x0  }
0x251: {  	[sflag:s28] =	ssyncadd.s32 $0xFFFFFFB0  }
0x252: {  	[bflag:$0x0] =	sbarrier.arrive $0xFFFF  }
0x253: {  	s3 =	rddreg [dreg:$0xf]  }
0x254: {  	s1 =	simm.s32 @p0 $0x1FCD;
	s5 =	rddreg [dreg:$0x17]  }
0x255: {  	[hbm:s3], [sflag:s1] =	dma.local @p0 [spmem:s5], $0x2800  }
0x256: {  	s1 =	simm.s32 @p0 $0xD  }
0x257: {  	_ =	swait.ge @p0 [sflag:s1], $0x2800  }
0x258: {  	[sflag:s1] =	ssyncset.done @p0 $0x0  }
0x259: {  	s3 =	simm.s32 @p0 $0xB080;
	s15 =	rddreg [dreg:$0xc];
	[sflag:s1] =	ssyncadd.s32 @p0 $0xFFFFD800  }
0x25a: {  	[tilespmem:s3], [sflag:$0xD] =	stream.linear.gather @p0 [spmem:s15], $0x280, $0x38;
	[tilespmem:$0x1EDF8] =	vst v63  }
0x25b: {  	_ =	swait.ge @p0 [sflag:s1], $0x280  }
0x25c: {  	[sflag:s1] =	ssyncset.done @p0 $0x0  }
0x25d: {  	s5 =	simm.s32 @p0 $0x0;
	s8 =	rddreg [dreg:$0x13];
	[sflag:s1] =	ssyncadd.s32 @p0 $0xFFFFFD80  }
0x25e: {  	[hbm4b:s8+s5] =	stream.linear.scatter @p0 [tilespmem:s3], [sflag:$0xD], $0x280, $0x38;
	[tilespmem:$0x1EDF8] =	vst v63  }
0x25f: {  	_ =	swait.ge @p0 [sflag:s1], $0x280  }
0x260: {  	s3 =	rddreg [dreg:$0x15]  }
0x261: {  	[sflag:s1] =	ssyncset.done @p0 $0x0;
	s5 =	rddreg [dreg:$0x16]  }
0x262: {  	[sflag:s1] =	ssyncadd.s32 @p0 $0xFFFFFD80;
	s1 =	rddreg [dreg:$0xe]  }
0x263: {  	[hbm:s1], [sflag:s3] =	dma.local @!p0 [spmem:s5], $0x2700  }
0x264: {  	s1 =	simm.s32 @!p0 $0xD  }
0x265: {  	_ =	swait.ge @!p0 [sflag:s1], $0x2700  }
0x266: {  	[sflag:s1] =	ssyncset.done @!p0 $0x0  }
0x267: {  	s3 =	simm.s32 @!p0 $0xB080;
	s5 =	rddreg [dreg:$0x11];
	[sflag:s1] =	ssyncadd.s32 @!p0 $0xFFFFD900  }
0x268: {  	[tilespmem:s3], [sflag:$0xD] =	stream.linear.gather @!p0 [spmem:s5], $0x270, $0x38;
	[tilespmem:$0x1EDF8] =	vst v63  }
0x269: {  	_ =	swait.ge @!p0 [sflag:s1], $0x270  }
0x26a: {  	[sflag:s1] =	ssyncset.done @!p0 $0x0  }
0x26b: {  	s5 =	simm.s32 @!p0 $0x0;
	s8 =	rddreg [dreg:$0x12];
	[sflag:s1] =	ssyncadd.s32 @!p0 $0xFFFFFD90  }
0x26c: {  	[hbm4b:s8+s5] =	stream.linear.scatter @!p0 [tilespmem:s3], [sflag:$0xD], $0x270, $0x38;
	[tilespmem:$0x1EDF8] =	vst v63  }
0x26d: {  	_ =	swait.ge @!p0 [sflag:s1], $0x270  }
0x26e: {  	s25 =	sadd.s32 $0x1, s25;
	s30 =	rddreg [dreg:$0x14]  }
0x26f: {  	p1 =	sne.s32 s25, s30  }
.Ltmp4:
0x270: {  	_ = 	snop;
	(pc) =	sbr.rel @p1 .LBB2_1-.Ltmp4, $3  }
0x271: {  	_ =	sdelay $0x1  }
0x272: {  	[sflag:s1] =	ssyncset.done @!p0 $0x0  }
0x273: {  	[sflag:s1] =	ssyncadd.s32 @!p0 $0xFFFFFD90  }
0x274: {  	_ =	sfence.sel $0x180000  }
0x275: {  	[bflag:$0x0] =	sbarrier.arrive $0xFFFF  }
0x276: {  	_ =	strace $0x90000047  }
0x277: {  	s0 =	stileid.u32;
	[bflag:$0x2] =	sbarrier.arrive $0xFFFF  }
0x278: {  	p0 =	sne.s32 s0, $0x0;
	s0 =	rddreg [dreg:$0x5]  }
0x279: {  	s0 =	sadd.s32 @!p0 $0x100000, s0  }
0x27a: {  	[sflag:s0] =	ssyncadd.tile.s32 @!p0 $0x1;
	_ =	shalt  }
.Lfunc_end2:
_tile_overlayer_lowered:
.L_overlay_start_2:
0x27b: {  	(tag) =	ssettag $0x2  }
0x27c: {  	s0 =	rddreg [dreg:$0x0];
	s2 =	stileid.u32  }
0x27d: {  	s1 =	rddreg [dreg:$0x1];
	p0 =	sne.s32 s2, $0x0  }
0x27e: {  	s3 =	rddreg [dreg:$0x2];
	[bflag:$0x3] =	sbarrier.arrive $0xFFFF;
	s2 =	simm.s32 @!p0 $0x1C0D  }
0x27f: {  	[timem:s3], [sflag:s2] =	dma.local @!p0 [hbm:s0], s1  }
0x280: {  	s0 =	simm.s32 @!p0 $0xD  }
0x281: {  	_ =	swait.ge @!p0 [sflag:s0], s1  }
0x282: {  	s1 =	ssub.s32 @!p0 $0x0, s1;
	[sflag:s0] =	ssyncset.done @!p0 $0x0  }
0x283: {  	[sflag:s0] =	ssyncadd.s32 @!p0 s1  }
0x284: {  	[bflag:$0x3] =	sbarrier.arrive $0xFFFF  }
0x285: {  	_ =	shalt  }

</sc_bundles>
